<compile_context>
chip_gen: v7x
topology: tpu7x:2x2x1
jax: 0.10.2.dev20260603
libtpu: 0.0.44.dev20260713+nightly
codegen_flags: <defaults>
</compile_context>

<pallas_src>
import functools

import jax
import jax.numpy as jnp
from jax import lax
from jax.experimental import pallas as pl
from jax.experimental.pallas import tpu as pltpu
from jax.experimental.pallas import tpu_sc as plsc

N_NODES = 10000
N_EDGES = 320000
DIM = 128
ALPHA = 0.1
BETA = 1.0

NC = 2
NS = 16
NW = NC * NS
CHUNK = 128
NCHUNK = 80
SCHUNK = 8
EPAD = NW * NCHUNK * CHUNK
NPAD = 10240
PAD_DST = N_NODES
ROWS_PER_TILE = NPAD // NS
ZCHUNK = 80
WCHUNK = 128
LANES = 16

_MESH = plsc.VectorSubcoreMesh(
    core_axis_name="c", subcore_axis_name="s", num_cores=NC, num_subcores=NS
)


@functools.partial(
    pl.kernel,
    out_type=jax.ShapeDtypeStruct((NC, NPAD, DIM), jnp.float32),
    mesh=_MESH,
    scratch_types=[
        pltpu.VMEM((SCHUNK, CHUNK), jnp.int32),
        pltpu.VMEM((SCHUNK, CHUNK), jnp.int32),
        pltpu.VMEM((2, CHUNK, DIM), jnp.float32),
        pltpu.VMEM_SHARED((NPAD, DIM), jnp.float32),
        pltpu.SemaphoreType.DMA,
        pltpu.SemaphoreType.DMA,
        pltpu.SemaphoreType.DMA,
        pltpu.SemaphoreType.DMA,
    ],
)
def _spmm_sc(x_hbm, src_hbm, dst_hbm, part_hbm, src_v, dst_v, rows_v, acc_sh,
             g0, g1, s0, s1):
    c = lax.axis_index("c")
    s = lax.axis_index("s")
    wid = s * NC + c

    def _zfill(t, carry):
        i = t // (DIM // LANES)
        k = t % (DIM // LANES)
        rows_v[0, i, pl.ds(k * LANES, LANES)] = jnp.zeros((LANES,), jnp.float32)
        return carry

    lax.fori_loop(0, ZCHUNK * (DIM // LANES), _zfill, 0)

    def _zcopy(t, carry):
        off = pl.multiple_of(s * ROWS_PER_TILE + t * ZCHUNK, 8)
        pltpu.sync_copy(rows_v.at[0, pl.ds(0, ZCHUNK)],
                        acc_sh.at[pl.ds(off, ZCHUNK)])
        return carry

    lax.fori_loop(0, ROWS_PER_TILE // ZCHUNK, _zcopy, 0)
    plsc.subcore_barrier()

    npairs = SCHUNK // 2
    for sbase in range(0, NCHUNK, SCHUNK):
        pltpu.sync_copy(src_hbm.at[wid, pl.ds(sbase, SCHUNK)], src_v)
        pltpu.sync_copy(dst_hbm.at[wid, pl.ds(sbase, SCHUNK)], dst_v)
        pltpu.async_copy(x_hbm.at[src_v.at[0]], rows_v.at[0], g0)

        def _pair(p, carry):
            j0 = p * 2
            j1 = j0 + 1
            pltpu.make_async_copy(x_hbm.at[src_v.at[j0]], rows_v.at[0],
                                  g0).wait()
            dg1 = pltpu.async_copy(x_hbm.at[src_v.at[j1]], rows_v.at[1], g1)
            ds0 = pltpu.async_copy(rows_v.at[0], acc_sh.at[dst_v.at[j0]], s0,
                                   add=True)
            dg1.wait()
            ds0.wait()

            @pl.when(p < npairs - 1)
            def _():
                pltpu.async_copy(x_hbm.at[src_v.at[j0 + 2]], rows_v.at[0], g0)

            pltpu.async_copy(rows_v.at[1], acc_sh.at[dst_v.at[j1]], s1,
                             add=True).wait()
            return carry

        lax.fori_loop(0, npairs, _pair, 0)
    plsc.subcore_barrier()

    def _wback(t, carry):
        off = pl.multiple_of(s * ROWS_PER_TILE + t * WCHUNK, 8)
        pltpu.sync_copy(acc_sh.at[pl.ds(off, WCHUNK)],
                        part_hbm.at[c, pl.ds(off, WCHUNK)])
        return carry

    lax.fori_loop(0, ROWS_PER_TILE // WCHUNK, _wback, 0)


RBLK = 2000


def _mix_mm_tc(part_ref, init_ref, w_ref, b_ref, out_ref):
    h = (1.0 - ALPHA) * (part_ref[0] + part_ref[1]) + ALPHA * init_ref[...]
    mm = lax.dot_general(h, w_ref[...], (((1,), (1,)), ((), ())),
                         preferred_element_type=jnp.float32)
    out_ref[...] = BETA * (mm + b_ref[...]) + (1.0 - BETA) * h


def kernel(x, init_x, edge_index, W, b):
    npad = EPAD - N_EDGES
    pad_src = jnp.arange(npad, dtype=jnp.int32) % N_NODES
    src = jnp.concatenate(
        [edge_index[0], pad_src]
    ).reshape(NW, NCHUNK, CHUNK)
    pad_dst = PAD_DST + jnp.arange(npad, dtype=jnp.int32) % (NPAD - N_NODES)
    dst = jnp.concatenate(
        [edge_index[1], pad_dst]
    ).reshape(NW, NCHUNK, CHUNK)
    part = _spmm_sc(x, src, dst)
    out = pl.pallas_call(
        _mix_mm_tc,
        grid=(N_NODES // RBLK,),
        in_specs=[
            pl.BlockSpec((NC, RBLK, DIM), lambda i: (0, i, 0)),
            pl.BlockSpec((RBLK, DIM), lambda i: (i, 0)),
            pl.BlockSpec((DIM, DIM), lambda i: (0, 0)),
            pl.BlockSpec((1, DIM), lambda i: (0, 0)),
        ],
        out_specs=pl.BlockSpec((RBLK, DIM), lambda i: (i, 0)),
        out_shape=jax.ShapeDtypeStruct((N_NODES, DIM), jnp.float32),
    )(part, init_x, W, b.reshape(1, DIM))
    return out

# --- scband reference (transcript-rebuilt; emitter-appended) ---
"""Pipeline reference for scband-auto-layer-53060025975244 (READ-ONLY COPY).

The authoritative reference and input builder live on the scoring server;
editing this copy changes nothing except your own understanding.
"""

import jax, jax.numpy as jnp
import numpy as np

N = 10000
E = 320000
D = 128
ALPHA = 0.1
BETA = 1.0


def setup_inputs(seed: int = 0) -> dict:
    key = jax.random.key(seed)
    k1, k2, k3, k4, k5 = jax.random.split(key, 5)
    x = jax.random.normal(k1, (N, D), dtype=jnp.float32)
    init_x = jax.random.normal(k2, (N, D), dtype=jnp.float32)
    # graph represented as edge_index [2, E] (src, dst); spmm = unweighted adjacency matmul
    edge_index = jax.random.randint(k3, (2, E), 0, N, dtype=jnp.int32)
    stdv = 1.0 / np.sqrt(D)
    W = jax.random.uniform(k4, (D, D), dtype=jnp.float32, minval=-stdv, maxval=stdv)
    b = jax.random.uniform(k5, (D,), dtype=jnp.float32, minval=-stdv, maxval=stdv)
    return {"x": x, "init_x": init_x, "edge_index": edge_index, "W": W, "b": b}


def reference(x, init_x, edge_index, W, b):
    src = edge_index[0]
    dst = edge_index[1]
    # spmm(graph, x): scatter-add of gathered neighbor features
    hidden = jax.ops.segment_sum(jnp.take(x, src, axis=0), dst, num_segments=N)
    # GCNII-style initial-residual mix
    hidden = (1.0 - ALPHA) * hidden + ALPHA * init_x
    # out = beta * linear(hidden) + (1 - beta) * hidden  (identity mapping mix)
    out = BETA * (hidden @ W.T + b) + (1.0 - BETA) * hidden
    return out

if __name__ == "__main__":
    import jax
    _d = setup_inputs()
    print(jax.jit(kernel)(*tuple(_d.values())))

</pallas_src>

<mosaic_0001>
#map = affine_map<(d0, d1) -> (0, 0)>
#map1 = affine_map<(d0, d1) -> (0, 0, 0)>
module attributes {stable_mosaic.version = 14 : i64} {
  func.func @_spmm_sc(%arg0: i32, %arg1: i32, %arg2: memref<10000x128xf32, #tpu.memory_space<hbm>>, %arg3: memref<32x80x128xi32, #tpu.memory_space<hbm>>, %arg4: memref<32x80x128xi32, #tpu.memory_space<hbm>>, %arg5: memref<2x10240x128xf32, #tpu.memory_space<hbm>>, %arg6: memref<8x128xi32, #tpu.memory_space<vmem>>, %arg7: memref<8x128xi32, #tpu.memory_space<vmem>>, %arg8: memref<2x128x128xf32, #tpu.memory_space<vmem>>, %arg9: memref<10240x128xf32, #tpu.memory_space<vmem_shared>>, %arg10: memref<!tpu.dma_semaphore, #tpu.memory_space<semaphore_mem>>, %arg11: memref<!tpu.dma_semaphore, #tpu.memory_space<semaphore_mem>>, %arg12: memref<!tpu.dma_semaphore, #tpu.memory_space<semaphore_mem>>, %arg13: memref<!tpu.dma_semaphore, #tpu.memory_space<semaphore_mem>>) attributes {dimension_semantics = [#tpu.dimension_semantics<core_parallel>, #tpu.dimension_semantics<subcore_parallel>], iteration_bounds = array<i64: 2, 16>, scalar_prefetch = 0 : i64, scratch_operands = 8 : i64, tpu.core_type = #tpu.core_type<sc_vector_subcore>, window_params = [{transform_indices = #map}, {transform_indices = #map1}, {transform_indices = #map1}, {transform_indices = #map1}]} {
    %mul3A = arith.constant 2 : i32
    %mul3A_0 = arith.muli %arg1, %mul3A : i32
    %add3A = arith.addi %mul3A_0, %arg0 : i32
    %scan3A = arith.constant 0 : i32
    %scan3A_1 = arith.constant 0 : i32
    %scan3A_2 = arith.constant 640 : i32
    %scan3A_3 = arith.addi %scan3A_1, %scan3A_2 : i32
    %scan3A_4 = arith.constant 1 : i32
    scf.for %scan3A_198 = %scan3A_1 to %scan3A_3 step %scan3A_4  : i32 {
      %jit3A = arith.constant 8 : i32
      %div3A = arith.divsi %scan3A_198, %jit3A : i32
      %sign3A = arith.constant 0 : i32
      %sign3A_199 = arith.cmpi sgt, %scan3A_198, %sign3A : i32
      %sign3A_200 = arith.extui %sign3A_199 : i1 to i32
      %sign3A_201 = arith.constant 0 : i32
      %sign3A_202 = arith.cmpi slt, %scan3A_198, %sign3A_201 : i32
      %sign3A_203 = arith.extui %sign3A_202 : i1 to i32
      %sign3A_204 = arith.subi %sign3A_200, %sign3A_203 : i32
      %sign3A_205 = arith.constant 0 : i32
      %sign3A_206 = arith.cmpi sgt, %jit3A, %sign3A_205 : i32
      %sign3A_207 = arith.extui %sign3A_206 : i1 to i32
      %sign3A_208 = arith.constant 0 : i32
      %sign3A_209 = arith.cmpi slt, %jit3A, %sign3A_208 : i32
      %sign3A_210 = arith.extui %sign3A_209 : i1 to i32
      %sign3A_211 = arith.subi %sign3A_207, %sign3A_210 : i32
      %ne3A = arith.cmpi ne, %sign3A_204, %sign3A_211 : i32
      %rem3A = arith.remsi %scan3A_198, %jit3A : i32
      %ne3A_212 = arith.constant 0 : i32
      %ne3A_213 = arith.cmpi ne, %rem3A, %ne3A_212 : i32
      %and3A = arith.andi %ne3A, %ne3A_213 : i1
      %sub3A = arith.constant 1 : i32
      %sub3A_214 = arith.subi %div3A, %sub3A : i32
      %select_n3A = arith.select %and3A, %sub3A_214, %div3A : i32
      %jit3A_215 = arith.constant 8 : i32
      %eq3A = arith.constant 0 : i32
      %eq3A_216 = arith.cmpi eq, %jit3A_215, %eq3A : i32
      %jit3A_217 = arith.constant 1 : i32
      %select_n3A_218 = arith.select %eq3A_216, %jit3A_217, %jit3A_215 : i32
      %rem3A_219 = arith.remsi %scan3A_198, %select_n3A_218 : i32
      %ne3A_220 = arith.constant 0 : i32
      %ne3A_221 = arith.cmpi ne, %rem3A_219, %ne3A_220 : i32
      %lt3A = arith.constant 0 : i32
      %lt3A_222 = arith.cmpi slt, %rem3A_219, %lt3A : i32
      %lt3A_223 = arith.constant 0 : i32
      %lt3A_224 = arith.cmpi slt, %select_n3A_218, %lt3A_223 : i32
      %ne3A_225 = arith.xori %lt3A_222, %lt3A_224 : i1
      %and3A_226 = arith.andi %ne3A_225, %ne3A_221 : i1
      %add3A_227 = arith.addi %rem3A_219, %select_n3A_218 : i32
      %select_n3A_228 = arith.select %and3A_226, %add3A_227, %rem3A_219 : i32
      %broadcast_in_dim3A = arith.constant 0.000000e+00 : f32
      %broadcast_in_dim3A_229 = vector.broadcast %broadcast_in_dim3A : f32 to vector<16xf32>
      %mul3A_230 = arith.constant 16 : i32
      %mul3A_231 = arith.muli %select_n3A_228, %mul3A_230 : i32
      %swap3A = arith.constant 0 : i32
      %swap3A_232 = arith.index_cast %swap3A : i32 to index
      %swap3A_233 = arith.index_cast %select_n3A : i32 to index
      %swap3A_234 = arith.index_cast %mul3A_231 : i32 to index
      %swap3A_235 = tpu.vector_load %arg8[%swap3A_232, %swap3A_233, %swap3A_234] {strides = array<i32>} : memref<2x128x128xf32, #tpu.memory_space<vmem>>, vector<1x1x16xf32>,
      %swap3A_236 = vector.shape_cast %swap3A_235 : vector<1x1x16xf32> to vector<16xf32>
      %swap3A_237 = vector.shape_cast %broadcast_in_dim3A_229 : vector<16xf32> to vector<1x1x16xf32>
      tpu.vector_store %arg8[%swap3A_232, %swap3A_233, %swap3A_234], %swap3A_237 {strides = array<i32>} : memref<2x128x128xf32, #tpu.memory_space<vmem>>, vector<1x1x16xf32>,
    }
    %scan3A_5 = arith.constant 640 : i32
    %scan3A_6 = arith.constant 0 : i32
    %scan3A_7 = arith.constant 0 : i32
    %scan3A_8 = arith.constant 8 : i32
    %scan3A_9 = arith.addi %scan3A_7, %scan3A_8 : i32
    %scan3A_10 = arith.constant 1 : i32
    scf.for %scan3A_198 = %scan3A_7 to %scan3A_9 step %scan3A_10  : i32 {
      %mul3A_199 = arith.constant 640 : i32
      %mul3A_200 = arith.muli %arg1, %mul3A_199 : i32
      %mul3A_201 = arith.constant 80 : i32
      %mul3A_202 = arith.muli %scan3A_198, %mul3A_201 : i32
      %add3A_203 = arith.addi %mul3A_200, %mul3A_202 : i32
      %multiple_of3A = tpu.assume_multiple %add3A_203, 8 : i32
      %run_scoped3A = arith.constant 0 : i32
      "tpu.region"() ({
        %run_scoped3A_204 = tpu.sem_alloc : memref<!tpu.dma_semaphore, #tpu.memory_space<semaphore_mem>>
        %dma_start3A_205 = arith.constant 0 : i32
        %dma_start3A_206 = arith.constant 0 : i32
        %dma_start3A_207 = tpu.memref_slice %arg8[%run_scoped3A, %dma_start3A_205, %dma_start3A_206] : memref<2x128x128xf32, #tpu.memory_space<vmem>> -> memref<1x80x128xf32, #tpu.memory_space<vmem>>
        %dma_start3A_208 = tpu.memref_squeeze %dma_start3A_207 : memref<1x80x128xf32, #tpu.memory_space<vmem>> -> memref<80x128xf32, #tpu.memory_space<vmem>>
        %dma_start3A_209 = arith.constant 0 : i32
        %dma_start3A_210 = tpu.memref_slice %arg9[%multiple_of3A, %dma_start3A_209] : memref<10240x128xf32, #tpu.memory_space<vmem_shared>> -> memref<80x128xf32, #tpu.memory_space<vmem_shared>>
        %dma_start3A_211 = arith.constant 0 : i32
        %dma_start3A_212 = tpu.memref_slice %arg9[%multiple_of3A, %dma_start3A_211] : memref<10240x128xf32, #tpu.memory_space<vmem_shared>> -> memref<80x128xf32, #tpu.memory_space<vmem_shared>>
        %dma_start3A_213 = arith.constant 0 : i32
        %dma_start3A_214 = arith.constant 0 : i32
        %dma_start3A_215 = tpu.memref_slice %arg8[%run_scoped3A, %dma_start3A_213, %dma_start3A_214] : memref<2x128x128xf32, #tpu.memory_space<vmem>> -> memref<1x80x128xf32, #tpu.memory_space<vmem>>
        %dma_start3A_216 = tpu.memref_squeeze %dma_start3A_215 : memref<1x80x128xf32, #tpu.memory_space<vmem>> -> memref<80x128xf32, #tpu.memory_space<vmem>>
        tpu.enqueue_dma source(%dma_start3A_216 : memref<80x128xf32, #tpu.memory_space<vmem>>) target(%dma_start3A_212 : memref<80x128xf32, #tpu.memory_space<vmem_shared>>) target_semaphore(%run_scoped3A_204 : memref<!tpu.dma_semaphore, #tpu.memory_space<semaphore_mem>>)
        %dma_wait3A = arith.constant 0 : i32
        %dma_wait3A_217 = arith.constant 0 : i32
        %dma_wait3A_218 = tpu.memref_slice %arg8[%run_scoped3A, %dma_wait3A, %dma_wait3A_217] : memref<2x128x128xf32, #tpu.memory_space<vmem>> -> memref<1x80x128xf32, #tpu.memory_space<vmem>>
        %dma_wait3A_219 = tpu.memref_squeeze %dma_wait3A_218 : memref<1x80x128xf32, #tpu.memory_space<vmem>> -> memref<80x128xf32, #tpu.memory_space<vmem>>
        %dma_wait3A_220 = arith.constant 0 : i32
        %dma_wait3A_221 = tpu.memref_slice %arg9[%multiple_of3A, %dma_wait3A_220] : memref<10240x128xf32, #tpu.memory_space<vmem_shared>> -> memref<80x128xf32, #tpu.memory_space<vmem_shared>>
        %dma_wait3A_222 = arith.constant 0 : i32
        %dma_wait3A_223 = tpu.memref_slice %arg9[%multiple_of3A, %dma_wait3A_222] : memref<10240x128xf32, #tpu.memory_space<vmem_shared>> -> memref<80x128xf32, #tpu.memory_space<vmem_shared>>
        %dma_wait3A_224 = arith.constant 0 : i32
        %dma_wait3A_225 = arith.constant 0 : i32
        %dma_wait3A_226 = tpu.memref_slice %arg8[%run_scoped3A, %dma_wait3A_224, %dma_wait3A_225] : memref<2x128x128xf32, #tpu.memory_space<vmem>> -> memref<1x80x128xf32, #tpu.memory_space<vmem>>
        %dma_wait3A_227 = tpu.memref_squeeze %dma_wait3A_226 : memref<1x80x128xf32, #tpu.memory_space<vmem>> -> memref<80x128xf32, #tpu.memory_space<vmem>>
        tpu.wait_dma2 semaphore(%run_scoped3A_204 : memref<!tpu.dma_semaphore, #tpu.memory_space<semaphore_mem>>) src(%dma_wait3A_227 : memref<80x128xf32, #tpu.memory_space<vmem>>) dst(%dma_wait3A_223 : memref<80x128xf32, #tpu.memory_space<vmem_shared>>)
        tpu.yield
      }) : () -> ()
    }
    %scan3A_11 = arith.constant 8 : i32
    %barrier3A = arith.constant 0 : index
    tpu.barrier barrier_id(%barrier3A)
    "tpu.region"() ({
      %run_scoped3A = tpu.sem_alloc : memref<!tpu.dma_semaphore, #tpu.memory_space<semaphore_mem>>
      %dma_start3A_198 = arith.constant 0 : i32
      %dma_start3A_199 = arith.constant 0 : i32
      %dma_start3A_200 = tpu.memref_slice %arg3[%add3A, %dma_start3A_198, %dma_start3A_199] : memref<32x80x128xi32, #tpu.memory_space<hbm>> -> memref<1x8x128xi32, #tpu.memory_space<hbm>>
      %dma_start3A_201 = tpu.memref_squeeze %dma_start3A_200 : memref<1x8x128xi32, #tpu.memory_space<hbm>> -> memref<8x128xi32, #tpu.memory_space<hbm>>
      %dma_start3A_202 = arith.constant 0 : i32
      %dma_start3A_203 = arith.constant 0 : i32
      %dma_start3A_204 = tpu.memref_slice %arg3[%add3A, %dma_start3A_202, %dma_start3A_203] : memref<32x80x128xi32, #tpu.memory_space<hbm>> -> memref<1x8x128xi32, #tpu.memory_space<hbm>>
      %dma_start3A_205 = tpu.memref_squeeze %dma_start3A_204 : memref<1x8x128xi32, #tpu.memory_space<hbm>> -> memref<8x128xi32, #tpu.memory_space<hbm>>
      tpu.enqueue_dma source(%dma_start3A_205 : memref<8x128xi32, #tpu.memory_space<hbm>>) target(%arg6 : memref<8x128xi32, #tpu.memory_space<vmem>>) target_semaphore(%run_scoped3A : memref<!tpu.dma_semaphore, #tpu.memory_space<semaphore_mem>>)
      %dma_wait3A = arith.constant 0 : i32
      %dma_wait3A_206 = arith.constant 0 : i32
      %dma_wait3A_207 = tpu.memref_slice %arg3[%add3A, %dma_wait3A, %dma_wait3A_206] : memref<32x80x128xi32, #tpu.memory_space<hbm>> -> memref<1x8x128xi32, #tpu.memory_space<hbm>>
      %dma_wait3A_208 = tpu.memref_squeeze %dma_wait3A_207 : memref<1x8x128xi32, #tpu.memory_space<hbm>> -> memref<8x128xi32, #tpu.memory_space<hbm>>
      %dma_wait3A_209 = arith.constant 0 : i32
      %dma_wait3A_210 = arith.constant 0 : i32
      %dma_wait3A_211 = tpu.memref_slice %arg3[%add3A, %dma_wait3A_209, %dma_wait3A_210] : memref<32x80x128xi32, #tpu.memory_space<hbm>> -> memref<1x8x128xi32, #tpu.memory_space<hbm>>
      %dma_wait3A_212 = tpu.memref_squeeze %dma_wait3A_211 : memref<1x8x128xi32, #tpu.memory_space<hbm>> -> memref<8x128xi32, #tpu.memory_space<hbm>>
      tpu.wait_dma2 semaphore(%run_scoped3A : memref<!tpu.dma_semaphore, #tpu.memory_space<semaphore_mem>>) src(%dma_wait3A_212 : memref<8x128xi32, #tpu.memory_space<hbm>>) dst(%arg6 : memref<8x128xi32, #tpu.memory_space<vmem>>)
      tpu.yield
    }) : () -> ()
    "tpu.region"() ({
      %run_scoped3A = tpu.sem_alloc : memref<!tpu.dma_semaphore, #tpu.memory_space<semaphore_mem>>
      %dma_start3A_198 = arith.constant 0 : i32
      %dma_start3A_199 = arith.constant 0 : i32
      %dma_start3A_200 = tpu.memref_slice %arg4[%add3A, %dma_start3A_198, %dma_start3A_199] : memref<32x80x128xi32, #tpu.memory_space<hbm>> -> memref<1x8x128xi32, #tpu.memory_space<hbm>>
      %dma_start3A_201 = tpu.memref_squeeze %dma_start3A_200 : memref<1x8x128xi32, #tpu.memory_space<hbm>> -> memref<8x128xi32, #tpu.memory_space<hbm>>
      %dma_start3A_202 = arith.constant 0 : i32
      %dma_start3A_203 = arith.constant 0 : i32
      %dma_start3A_204 = tpu.memref_slice %arg4[%add3A, %dma_start3A_202, %dma_start3A_203] : memref<32x80x128xi32, #tpu.memory_space<hbm>> -> memref<1x8x128xi32, #tpu.memory_space<hbm>>
      %dma_start3A_205 = tpu.memref_squeeze %dma_start3A_204 : memref<1x8x128xi32, #tpu.memory_space<hbm>> -> memref<8x128xi32, #tpu.memory_space<hbm>>
      tpu.enqueue_dma source(%dma_start3A_205 : memref<8x128xi32, #tpu.memory_space<hbm>>) target(%arg7 : memref<8x128xi32, #tpu.memory_space<vmem>>) target_semaphore(%run_scoped3A : memref<!tpu.dma_semaphore, #tpu.memory_space<semaphore_mem>>)
      %dma_wait3A = arith.constant 0 : i32
      %dma_wait3A_206 = arith.constant 0 : i32
      %dma_wait3A_207 = tpu.memref_slice %arg4[%add3A, %dma_wait3A, %dma_wait3A_206] : memref<32x80x128xi32, #tpu.memory_space<hbm>> -> memref<1x8x128xi32, #tpu.memory_space<hbm>>
      %dma_wait3A_208 = tpu.memref_squeeze %dma_wait3A_207 : memref<1x8x128xi32, #tpu.memory_space<hbm>> -> memref<8x128xi32, #tpu.memory_space<hbm>>
      %dma_wait3A_209 = arith.constant 0 : i32
      %dma_wait3A_210 = arith.constant 0 : i32
      %dma_wait3A_211 = tpu.memref_slice %arg4[%add3A, %dma_wait3A_209, %dma_wait3A_210] : memref<32x80x128xi32, #tpu.memory_space<hbm>> -> memref<1x8x128xi32, #tpu.memory_space<hbm>>
      %dma_wait3A_212 = tpu.memref_squeeze %dma_wait3A_211 : memref<1x8x128xi32, #tpu.memory_space<hbm>> -> memref<8x128xi32, #tpu.memory_space<hbm>>
      tpu.wait_dma2 semaphore(%run_scoped3A : memref<!tpu.dma_semaphore, #tpu.memory_space<semaphore_mem>>) src(%dma_wait3A_212 : memref<8x128xi32, #tpu.memory_space<hbm>>) dst(%arg7 : memref<8x128xi32, #tpu.memory_space<vmem>>)
      tpu.yield
    }) : () -> ()
    %dma_start3A = arith.constant 0 : i32
    %dma_start3A_12 = arith.constant 0 : i32
    %dma_start3A_13 = arith.constant 0 : i32
    %dma_start3A_14 = arith.constant 0 : i32
    %dma_start3A_15 = tpu.memref_slice %arg8[%dma_start3A_12, %dma_start3A_13, %dma_start3A_14] : memref<2x128x128xf32, #tpu.memory_space<vmem>> -> memref<1x128x128xf32, #tpu.memory_space<vmem>>
    %dma_start3A_16 = tpu.memref_squeeze %dma_start3A_15 : memref<1x128x128xf32, #tpu.memory_space<vmem>> -> memref<128x128xf32, #tpu.memory_space<vmem>>
    %dma_start3A_17 = arith.constant 0 : i32
    %dma_start3A_18 = tpu.memref_slice %arg6[%dma_start3A, %dma_start3A_17] : memref<8x128xi32, #tpu.memory_space<vmem>> -> memref<1x128xi32, #tpu.memory_space<vmem>>
    %dma_start3A_19 = tpu.memref_squeeze %dma_start3A_18 : memref<1x128xi32, #tpu.memory_space<vmem>> -> memref<128xi32, #tpu.memory_space<vmem>>
    %dma_start3A_20 = arith.constant 0 : i32
    %dma_start3A_21 = arith.constant 0 : i32
    %dma_start3A_22 = tpu.memref_slice %arg2[%dma_start3A_20, %dma_start3A_21] : memref<10000x128xf32, #tpu.memory_space<hbm>> -> memref<10000x128xf32, #tpu.memory_space<hbm>>
    tpu.enqueue_indirect_dma source(%dma_start3A_22 : memref<10000x128xf32, #tpu.memory_space<hbm>>) target(%dma_start3A_16 : memref<128x128xf32, #tpu.memory_space<vmem>>) offsets(%dma_start3A_19 : memref<128xi32, #tpu.memory_space<vmem>>) semaphore(%arg10 : memref<!tpu.dma_semaphore, #tpu.memory_space<semaphore_mem>>)
    %scan3A_23 = arith.constant 0 : i32
    %scan3A_24 = arith.constant 0 : i32
    %scan3A_25 = arith.constant 4 : i32
    %scan3A_26 = arith.addi %scan3A_24, %scan3A_25 : i32
    %scan3A_27 = arith.constant 1 : i32
    scf.for %scan3A_198 = %scan3A_24 to %scan3A_26 step %scan3A_27  : i32 {
      %mul3A_199 = arith.constant 2 : i32
      %mul3A_200 = arith.muli %scan3A_198, %mul3A_199 : i32
      %add3A_201 = arith.constant 1 : i32
      %add3A_202 = arith.addi %mul3A_200, %add3A_201 : i32
      %dma_wait3A = arith.constant 0 : i32
      %dma_wait3A_203 = arith.constant 0 : i32
      %dma_wait3A_204 = arith.constant 0 : i32
      %dma_wait3A_205 = tpu.memref_slice %arg8[%dma_wait3A, %dma_wait3A_203, %dma_wait3A_204] : memref<2x128x128xf32, #tpu.memory_space<vmem>> -> memref<1x128x128xf32, #tpu.memory_space<vmem>>
      %dma_wait3A_206 = tpu.memref_squeeze %dma_wait3A_205 : memref<1x128x128xf32, #tpu.memory_space<vmem>> -> memref<128x128xf32, #tpu.memory_space<vmem>>
      %dma_wait3A_207 = arith.constant 0 : i32
      %dma_wait3A_208 = tpu.memref_slice %arg6[%mul3A_200, %dma_wait3A_207] : memref<8x128xi32, #tpu.memory_space<vmem>> -> memref<1x128xi32, #tpu.memory_space<vmem>>
      %dma_wait3A_209 = tpu.memref_squeeze %dma_wait3A_208 : memref<1x128xi32, #tpu.memory_space<vmem>> -> memref<128xi32, #tpu.memory_space<vmem>>
      %dma_wait3A_210 = arith.constant 0 : i32
      %dma_wait3A_211 = arith.constant 0 : i32
      %dma_wait3A_212 = tpu.memref_slice %arg2[%dma_wait3A_210, %dma_wait3A_211] : memref<10000x128xf32, #tpu.memory_space<hbm>> -> memref<10000x128xf32, #tpu.memory_space<hbm>>
      tpu.wait_indirect_dma semaphore(%arg10 : memref<!tpu.dma_semaphore, #tpu.memory_space<semaphore_mem>>) src(%dma_wait3A_212 : memref<10000x128xf32, #tpu.memory_space<hbm>>) dst(%dma_wait3A_206 : memref<128x128xf32, #tpu.memory_space<vmem>>)
      %dma_start3A_213 = arith.constant 1 : i32
      %dma_start3A_214 = arith.constant 0 : i32
      %dma_start3A_215 = arith.constant 0 : i32
      %dma_start3A_216 = tpu.memref_slice %arg8[%dma_start3A_213, %dma_start3A_214, %dma_start3A_215] : memref<2x128x128xf32, #tpu.memory_space<vmem>> -> memref<1x128x128xf32, #tpu.memory_space<vmem>>
      %dma_start3A_217 = tpu.memref_squeeze %dma_start3A_216 : memref<1x128x128xf32, #tpu.memory_space<vmem>> -> memref<128x128xf32, #tpu.memory_space<vmem>>
      %dma_start3A_218 = arith.constant 0 : i32
      %dma_start3A_219 = tpu.memref_slice %arg6[%add3A_202, %dma_start3A_218] : memref<8x128xi32, #tpu.memory_space<vmem>> -> memref<1x128xi32, #tpu.memory_space<vmem>>
      %dma_start3A_220 = tpu.memref_squeeze %dma_start3A_219 : memref<1x128xi32, #tpu.memory_space<vmem>> -> memref<128xi32, #tpu.memory_space<vmem>>
      %dma_start3A_221 = arith.constant 0 : i32
      %dma_start3A_222 = arith.constant 0 : i32
      %dma_start3A_223 = tpu.memref_slice %arg2[%dma_start3A_221, %dma_start3A_222] : memref<10000x128xf32, #tpu.memory_space<hbm>> -> memref<10000x128xf32, #tpu.memory_space<hbm>>
      tpu.enqueue_indirect_dma source(%dma_start3A_223 : memref<10000x128xf32, #tpu.memory_space<hbm>>) target(%dma_start3A_217 : memref<128x128xf32, #tpu.memory_space<vmem>>) offsets(%dma_start3A_220 : memref<128xi32, #tpu.memory_space<vmem>>) semaphore(%arg11 : memref<!tpu.dma_semaphore, #tpu.memory_space<semaphore_mem>>)
      %dma_start3A_224 = arith.constant 0 : i32
      %dma_start3A_225 = arith.constant 0 : i32
      %dma_start3A_226 = arith.constant 0 : i32
      %dma_start3A_227 = tpu.memref_slice %arg8[%dma_start3A_224, %dma_start3A_225, %dma_start3A_226] : memref<2x128x128xf32, #tpu.memory_space<vmem>> -> memref<1x128x128xf32, #tpu.memory_space<vmem>>
      %dma_start3A_228 = tpu.memref_squeeze %dma_start3A_227 : memref<1x128x128xf32, #tpu.memory_space<vmem>> -> memref<128x128xf32, #tpu.memory_space<vmem>>
      %dma_start3A_229 = arith.constant 0 : i32
      %dma_start3A_230 = tpu.memref_slice %arg7[%mul3A_200, %dma_start3A_229] : memref<8x128xi32, #tpu.memory_space<vmem>> -> memref<1x128xi32, #tpu.memory_space<vmem>>
      %dma_start3A_231 = tpu.memref_squeeze %dma_start3A_230 : memref<1x128xi32, #tpu.memory_space<vmem>> -> memref<128xi32, #tpu.memory_space<vmem>>
      %dma_start3A_232 = arith.constant 0 : i32
      %dma_start3A_233 = arith.constant 0 : i32
      %dma_start3A_234 = tpu.memref_slice %arg9[%dma_start3A_232, %dma_start3A_233] : memref<10240x128xf32, #tpu.memory_space<vmem_shared>> -> memref<10240x128xf32, #tpu.memory_space<vmem_shared>>
      tpu.enqueue_indirect_dma source(%dma_start3A_228 : memref<128x128xf32, #tpu.memory_space<vmem>>) target(%dma_start3A_234 : memref<10240x128xf32, #tpu.memory_space<vmem_shared>>) offsets(%dma_start3A_231 : memref<128xi32, #tpu.memory_space<vmem>>) semaphore(%arg12 : memref<!tpu.dma_semaphore, #tpu.memory_space<semaphore_mem>>) {add = true}
      %dma_wait3A_235 = arith.constant 1 : i32
      %dma_wait3A_236 = arith.constant 0 : i32
      %dma_wait3A_237 = arith.constant 0 : i32
      %dma_wait3A_238 = tpu.memref_slice %arg8[%dma_wait3A_235, %dma_wait3A_236, %dma_wait3A_237] : memref<2x128x128xf32, #tpu.memory_space<vmem>> -> memref<1x128x128xf32, #tpu.memory_space<vmem>>
      %dma_wait3A_239 = tpu.memref_squeeze %dma_wait3A_238 : memref<1x128x128xf32, #tpu.memory_space<vmem>> -> memref<128x128xf32, #tpu.memory_space<vmem>>
      %dma_wait3A_240 = arith.constant 0 : i32
      %dma_wait3A_241 = tpu.memref_slice %arg6[%add3A_202, %dma_wait3A_240] : memref<8x128xi32, #tpu.memory_space<vmem>> -> memref<1x128xi32, #tpu.memory_space<vmem>>
      %dma_wait3A_242 = tpu.memref_squeeze %dma_wait3A_241 : memref<1x128xi32, #tpu.memory_space<vmem>> -> memref<128xi32, #tpu.memory_space<vmem>>
      %dma_wait3A_243 = arith.constant 0 : i32
      %dma_wait3A_244 = arith.constant 0 : i32
      %dma_wait3A_245 = tpu.memref_slice %arg2[%dma_wait3A_243, %dma_wait3A_244] : memref<10000x128xf32, #tpu.memory_space<hbm>> -> memref<10000x128xf32, #tpu.memory_space<hbm>>
      tpu.wait_indirect_dma semaphore(%arg11 : memref<!tpu.dma_semaphore, #tpu.memory_space<semaphore_mem>>) src(%dma_wait3A_245 : memref<10000x128xf32, #tpu.memory_space<hbm>>) dst(%dma_wait3A_239 : memref<128x128xf32, #tpu.memory_space<vmem>>)
      %dma_wait3A_246 = arith.constant 0 : i32
      %dma_wait3A_247 = arith.constant 0 : i32
      %dma_wait3A_248 = arith.constant 0 : i32
      %dma_wait3A_249 = tpu.memref_slice %arg8[%dma_wait3A_246, %dma_wait3A_247, %dma_wait3A_248] : memref<2x128x128xf32, #tpu.memory_space<vmem>> -> memref<1x128x128xf32, #tpu.memory_space<vmem>>
      %dma_wait3A_250 = tpu.memref_squeeze %dma_wait3A_249 : memref<1x128x128xf32, #tpu.memory_space<vmem>> -> memref<128x128xf32, #tpu.memory_space<vmem>>
      %dma_wait3A_251 = arith.constant 0 : i32
      %dma_wait3A_252 = tpu.memref_slice %arg7[%mul3A_200, %dma_wait3A_251] : memref<8x128xi32, #tpu.memory_space<vmem>> -> memref<1x128xi32, #tpu.memory_space<vmem>>
      %dma_wait3A_253 = tpu.memref_squeeze %dma_wait3A_252 : memref<1x128xi32, #tpu.memory_space<vmem>> -> memref<128xi32, #tpu.memory_space<vmem>>
      %dma_wait3A_254 = arith.constant 0 : i32
      %dma_wait3A_255 = arith.constant 0 : i32
      %dma_wait3A_256 = tpu.memref_slice %arg9[%dma_wait3A_254, %dma_wait3A_255] : memref<10240x128xf32, #tpu.memory_space<vmem_shared>> -> memref<10240x128xf32, #tpu.memory_space<vmem_shared>>
      tpu.wait_indirect_dma semaphore(%arg12 : memref<!tpu.dma_semaphore, #tpu.memory_space<semaphore_mem>>) src(%dma_wait3A_250 : memref<128x128xf32, #tpu.memory_space<vmem>>) dst(%dma_wait3A_256 : memref<10240x128xf32, #tpu.memory_space<vmem_shared>>)
      %lt3A = arith.constant 3 : i32
      %lt3A_257 = arith.cmpi slt, %scan3A_198, %lt3A : i32
      %convert_element_type3A = arith.extui %lt3A_257 : i1 to i32
      %cond3A = arith.constant 0 : i32
      %cond3A_258 = arith.cmpi ne, %convert_element_type3A, %cond3A : i32
      scf.if %cond3A_258 {
        %add3A_281 = arith.constant 2 : i32
        %add3A_282 = arith.addi %mul3A_200, %add3A_281 : i32
        %dma_start3A_283 = arith.constant 0 : i32
        %dma_start3A_284 = arith.constant 0 : i32
        %dma_start3A_285 = arith.constant 0 : i32
        %dma_start3A_286 = tpu.memref_slice %arg8[%dma_start3A_283, %dma_start3A_284, %dma_start3A_285] : memref<2x128x128xf32, #tpu.memory_space<vmem>> -> memref<1x128x128xf32, #tpu.memory_space<vmem>>
        %dma_start3A_287 = tpu.memref_squeeze %dma_start3A_286 : memref<1x128x128xf32, #tpu.memory_space<vmem>> -> memref<128x128xf32, #tpu.memory_space<vmem>>
        %dma_start3A_288 = arith.constant 0 : i32
        %dma_start3A_289 = tpu.memref_slice %arg6[%add3A_282, %dma_start3A_288] : memref<8x128xi32, #tpu.memory_space<vmem>> -> memref<1x128xi32, #tpu.memory_space<vmem>>
        %dma_start3A_290 = tpu.memref_squeeze %dma_start3A_289 : memref<1x128xi32, #tpu.memory_space<vmem>> -> memref<128xi32, #tpu.memory_space<vmem>>
        %dma_start3A_291 = arith.constant 0 : i32
        %dma_start3A_292 = arith.constant 0 : i32
        %dma_start3A_293 = tpu.memref_slice %arg2[%dma_start3A_291, %dma_start3A_292] : memref<10000x128xf32, #tpu.memory_space<hbm>> -> memref<10000x128xf32, #tpu.memory_space<hbm>>
        tpu.enqueue_indirect_dma source(%dma_start3A_293 : memref<10000x128xf32, #tpu.memory_space<hbm>>) target(%dma_start3A_287 : memref<128x128xf32, #tpu.memory_space<vmem>>) offsets(%dma_start3A_290 : memref<128xi32, #tpu.memory_space<vmem>>) semaphore(%arg10 : memref<!tpu.dma_semaphore, #tpu.memory_space<semaphore_mem>>)
      } else {
      }
      %dma_start3A_259 = arith.constant 1 : i32
      %dma_start3A_260 = arith.constant 0 : i32
      %dma_start3A_261 = arith.constant 0 : i32
      %dma_start3A_262 = tpu.memref_slice %arg8[%dma_start3A_259, %dma_start3A_260, %dma_start3A_261] : memref<2x128x128xf32, #tpu.memory_space<vmem>> -> memref<1x128x128xf32, #tpu.memory_space<vmem>>
      %dma_start3A_263 = tpu.memref_squeeze %dma_start3A_262 : memref<1x128x128xf32, #tpu.memory_space<vmem>> -> memref<128x128xf32, #tpu.memory_space<vmem>>
      %dma_start3A_264 = arith.constant 0 : i32
      %dma_start3A_265 = tpu.memref_slice %arg7[%add3A_202, %dma_start3A_264] : memref<8x128xi32, #tpu.memory_space<vmem>> -> memref<1x128xi32, #tpu.memory_space<vmem>>
      %dma_start3A_266 = tpu.memref_squeeze %dma_start3A_265 : memref<1x128xi32, #tpu.memory_space<vmem>> -> memref<128xi32, #tpu.memory_space<vmem>>
      %dma_start3A_267 = arith.constant 0 : i32
      %dma_start3A_268 = arith.constant 0 : i32
      %dma_start3A_269 = tpu.memref_slice %arg9[%dma_start3A_267, %dma_start3A_268] : memref<10240x128xf32, #tpu.memory_space<vmem_shared>> -> memref<10240x128xf32, #tpu.memory_space<vmem_shared>>
      tpu.enqueue_indirect_dma source(%dma_start3A_263 : memref<128x128xf32, #tpu.memory_space<vmem>>) target(%dma_start3A_269 : memref<10240x128xf32, #tpu.memory_space<vmem_shared>>) offsets(%dma_start3A_266 : memref<128xi32, #tpu.memory_space<vmem>>) semaphore(%arg13 : memref<!tpu.dma_semaphore, #tpu.memory_space<semaphore_mem>>) {add = true}
      %dma_wait3A_270 = arith.constant 1 : i32
      %dma_wait3A_271 = arith.constant 0 : i32
      %dma_wait3A_272 = arith.constant 0 : i32
      %dma_wait3A_273 = tpu.memref_slice %arg8[%dma_wait3A_270, %dma_wait3A_271, %dma_wait3A_272] : memref<2x128x128xf32, #tpu.memory_space<vmem>> -> memref<1x128x128xf32, #tpu.memory_space<vmem>>
      %dma_wait3A_274 = tpu.memref_squeeze %dma_wait3A_273 : memref<1x128x128xf32, #tpu.memory_space<vmem>> -> memref<128x128xf32, #tpu.memory_space<vmem>>
      %dma_wait3A_275 = arith.constant 0 : i32
      %dma_wait3A_276 = tpu.memref_slice %arg7[%add3A_202, %dma_wait3A_275] : memref<8x128xi32, #tpu.memory_space<vmem>> -> memref<1x128xi32, #tpu.memory_space<vmem>>
      %dma_wait3A_277 = tpu.memref_squeeze %dma_wait3A_276 : memref<1x128xi32, #tpu.memory_space<vmem>> -> memref<128xi32, #tpu.memory_space<vmem>>
      %dma_wait3A_278 = arith.constant 0 : i32
      %dma_wait3A_279 = arith.constant 0 : i32
      %dma_wait3A_280 = tpu.memref_slice %arg9[%dma_wait3A_278, %dma_wait3A_279] : memref<10240x128xf32, #tpu.memory_space<vmem_shared>> -> memref<10240x128xf32, #tpu.memory_space<vmem_shared>>
      tpu.wait_indirect_dma semaphore(%arg13 : memref<!tpu.dma_semaphore, #tpu.memory_space<semaphore_mem>>) src(%dma_wait3A_274 : memref<128x128xf32, #tpu.memory_space<vmem>>) dst(%dma_wait3A_280 : memref<10240x128xf32, #tpu.memory_space<vmem_shared>>)
    }
    %scan3A_28 = arith.constant 4 : i32
    "tpu.region"() ({
      %run_scoped3A = tpu.sem_alloc : memref<!tpu.dma_semaphore, #tpu.memory_space<semaphore_mem>>
      %dma_start3A_198 = arith.constant 8 : i32
      %dma_start3A_199 = arith.constant 0 : i32
      %dma_start3A_200 = tpu.memref_slice %arg3[%add3A, %dma_start3A_198, %dma_start3A_199] : memref<32x80x128xi32, #tpu.memory_space<hbm>> -> memref<1x8x128xi32, #tpu.memory_space<hbm>>
      %dma_start3A_201 = tpu.memref_squeeze %dma_start3A_200 : memref<1x8x128xi32, #tpu.memory_space<hbm>> -> memref<8x128xi32, #tpu.memory_space<hbm>>
      %dma_start3A_202 = arith.constant 8 : i32
      %dma_start3A_203 = arith.constant 0 : i32
      %dma_start3A_204 = tpu.memref_slice %arg3[%add3A, %dma_start3A_202, %dma_start3A_203] : memref<32x80x128xi32, #tpu.memory_space<hbm>> -> memref<1x8x128xi32, #tpu.memory_space<hbm>>
      %dma_start3A_205 = tpu.memref_squeeze %dma_start3A_204 : memref<1x8x128xi32, #tpu.memory_space<hbm>> -> memref<8x128xi32, #tpu.memory_space<hbm>>
      tpu.enqueue_dma source(%dma_start3A_205 : memref<8x128xi32, #tpu.memory_space<hbm>>) target(%arg6 : memref<8x128xi32, #tpu.memory_space<vmem>>) target_semaphore(%run_scoped3A : memref<!tpu.dma_semaphore, #tpu.memory_space<semaphore_mem>>)
      %dma_wait3A = arith.constant 8 : i32
      %dma_wait3A_206 = arith.constant 0 : i32
      %dma_wait3A_207 = tpu.memref_slice %arg3[%add3A, %dma_wait3A, %dma_wait3A_206] : memref<32x80x128xi32, #tpu.memory_space<hbm>> -> memref<1x8x128xi32, #tpu.memory_space<hbm>>
      %dma_wait3A_208 = tpu.memref_squeeze %dma_wait3A_207 : memref<1x8x128xi32, #tpu.memory_space<hbm>> -> memref<8x128xi32, #tpu.memory_space<hbm>>
      %dma_wait3A_209 = arith.constant 8 : i32
      %dma_wait3A_210 = arith.constant 0 : i32
      %dma_wait3A_211 = tpu.memref_slice %arg3[%add3A, %dma_wait3A_209, %dma_wait3A_210] : memref<32x80x128xi32, #tpu.memory_space<hbm>> -> memref<1x8x128xi32, #tpu.memory_space<hbm>>
      %dma_wait3A_212 = tpu.memref_squeeze %dma_wait3A_211 : memref<1x8x128xi32, #tpu.memory_space<hbm>> -> memref<8x128xi32, #tpu.memory_space<hbm>>
      tpu.wait_dma2 semaphore(%run_scoped3A : memref<!tpu.dma_semaphore, #tpu.memory_space<semaphore_mem>>) src(%dma_wait3A_212 : memref<8x128xi32, #tpu.memory_space<hbm>>) dst(%arg6 : memref<8x128xi32, #tpu.memory_space<vmem>>)
      tpu.yield
    }) : () -> ()
    "tpu.region"() ({
      %run_scoped3A = tpu.sem_alloc : memref<!tpu.dma_semaphore, #tpu.memory_space<semaphore_mem>>
      %dma_start3A_198 = arith.constant 8 : i32
      %dma_start3A_199 = arith.constant 0 : i32
      %dma_start3A_200 = tpu.memref_slice %arg4[%add3A, %dma_start3A_198, %dma_start3A_199] : memref<32x80x128xi32, #tpu.memory_space<hbm>> -> memref<1x8x128xi32, #tpu.memory_space<hbm>>
      %dma_start3A_201 = tpu.memref_squeeze %dma_start3A_200 : memref<1x8x128xi32, #tpu.memory_space<hbm>> -> memref<8x128xi32, #tpu.memory_space<hbm>>
      %dma_start3A_202 = arith.constant 8 : i32
      %dma_start3A_203 = arith.constant 0 : i32
      %dma_start3A_204 = tpu.memref_slice %arg4[%add3A, %dma_start3A_202, %dma_start3A_203] : memref<32x80x128xi32, #tpu.memory_space<hbm>> -> memref<1x8x128xi32, #tpu.memory_space<hbm>>
      %dma_start3A_205 = tpu.memref_squeeze %dma_start3A_204 : memref<1x8x128xi32, #tpu.memory_space<hbm>> -> memref<8x128xi32, #tpu.memory_space<hbm>>
      tpu.enqueue_dma source(%dma_start3A_205 : memref<8x128xi32, #tpu.memory_space<hbm>>) target(%arg7 : memref<8x128xi32, #tpu.memory_space<vmem>>) target_semaphore(%run_scoped3A : memref<!tpu.dma_semaphore, #tpu.memory_space<semaphore_mem>>)
      %dma_wait3A = arith.constant 8 : i32
      %dma_wait3A_206 = arith.constant 0 : i32
      %dma_wait3A_207 = tpu.memref_slice %arg4[%add3A, %dma_wait3A, %dma_wait3A_206] : memref<32x80x128xi32, #tpu.memory_space<hbm>> -> memref<1x8x128xi32, #tpu.memory_space<hbm>>
      %dma_wait3A_208 = tpu.memref_squeeze %dma_wait3A_207 : memref<1x8x128xi32, #tpu.memory_space<hbm>> -> memref<8x128xi32, #tpu.memory_space<hbm>>
      %dma_wait3A_209 = arith.constant 8 : i32
      %dma_wait3A_210 = arith.constant 0 : i32
      %dma_wait3A_211 = tpu.memref_slice %arg4[%add3A, %dma_wait3A_209, %dma_wait3A_210] : memref<32x80x128xi32, #tpu.memory_space<hbm>> -> memref<1x8x128xi32, #tpu.memory_space<hbm>>
      %dma_wait3A_212 = tpu.memref_squeeze %dma_wait3A_211 : memref<1x8x128xi32, #tpu.memory_space<hbm>> -> memref<8x128xi32, #tpu.memory_space<hbm>>
      tpu.wait_dma2 semaphore(%run_scoped3A : memref<!tpu.dma_semaphore, #tpu.memory_space<semaphore_mem>>) src(%dma_wait3A_212 : memref<8x128xi32, #tpu.memory_space<hbm>>) dst(%arg7 : memref<8x128xi32, #tpu.memory_space<vmem>>)
      tpu.yield
    }) : () -> ()
    %dma_start3A_29 = arith.constant 0 : i32
    %dma_start3A_30 = arith.constant 0 : i32
    %dma_start3A_31 = arith.constant 0 : i32
    %dma_start3A_32 = arith.constant 0 : i32
    %dma_start3A_33 = tpu.memref_slice %arg8[%dma_start3A_30, %dma_start3A_31, %dma_start3A_32] : memref<2x128x128xf32, #tpu.memory_space<vmem>> -> memref<1x128x128xf32, #tpu.memory_space<vmem>>
    %dma_start3A_34 = tpu.memref_squeeze %dma_start3A_33 : memref<1x128x128xf32, #tpu.memory_space<vmem>> -> memref<128x128xf32, #tpu.memory_space<vmem>>
    %dma_start3A_35 = arith.constant 0 : i32
    %dma_start3A_36 = tpu.memref_slice %arg6[%dma_start3A_29, %dma_start3A_35] : memref<8x128xi32, #tpu.memory_space<vmem>> -> memref<1x128xi32, #tpu.memory_space<vmem>>
    %dma_start3A_37 = tpu.memref_squeeze %dma_start3A_36 : memref<1x128xi32, #tpu.memory_space<vmem>> -> memref<128xi32, #tpu.memory_space<vmem>>
    %dma_start3A_38 = arith.constant 0 : i32
    %dma_start3A_39 = arith.constant 0 : i32
    %dma_start3A_40 = tpu.memref_slice %arg2[%dma_start3A_38, %dma_start3A_39] : memref<10000x128xf32, #tpu.memory_space<hbm>> -> memref<10000x128xf32, #tpu.memory_space<hbm>>
    tpu.enqueue_indirect_dma source(%dma_start3A_40 : memref<10000x128xf32, #tpu.memory_space<hbm>>) target(%dma_start3A_34 : memref<128x128xf32, #tpu.memory_space<vmem>>) offsets(%dma_start3A_37 : memref<128xi32, #tpu.memory_space<vmem>>) semaphore(%arg10 : memref<!tpu.dma_semaphore, #tpu.memory_space<semaphore_mem>>)
    %scan3A_41 = arith.constant 0 : i32
    %scan3A_42 = arith.constant 0 : i32
    %scan3A_43 = arith.constant 4 : i32
    %scan3A_44 = arith.addi %scan3A_42, %scan3A_43 : i32
    %scan3A_45 = arith.constant 1 : i32
    scf.for %scan3A_198 = %scan3A_42 to %scan3A_44 step %scan3A_45  : i32 {
      %mul3A_199 = arith.constant 2 : i32
      %mul3A_200 = arith.muli %scan3A_198, %mul3A_199 : i32
      %add3A_201 = arith.constant 1 : i32
      %add3A_202 = arith.addi %mul3A_200, %add3A_201 : i32
      %dma_wait3A = arith.constant 0 : i32
      %dma_wait3A_203 = arith.constant 0 : i32
      %dma_wait3A_204 = arith.constant 0 : i32
      %dma_wait3A_205 = tpu.memref_slice %arg8[%dma_wait3A, %dma_wait3A_203, %dma_wait3A_204] : memref<2x128x128xf32, #tpu.memory_space<vmem>> -> memref<1x128x128xf32, #tpu.memory_space<vmem>>
      %dma_wait3A_206 = tpu.memref_squeeze %dma_wait3A_205 : memref<1x128x128xf32, #tpu.memory_space<vmem>> -> memref<128x128xf32, #tpu.memory_space<vmem>>
      %dma_wait3A_207 = arith.constant 0 : i32
      %dma_wait3A_208 = tpu.memref_slice %arg6[%mul3A_200, %dma_wait3A_207] : memref<8x128xi32, #tpu.memory_space<vmem>> -> memref<1x128xi32, #tpu.memory_space<vmem>>
      %dma_wait3A_209 = tpu.memref_squeeze %dma_wait3A_208 : memref<1x128xi32, #tpu.memory_space<vmem>> -> memref<128xi32, #tpu.memory_space<vmem>>
      %dma_wait3A_210 = arith.constant 0 : i32
      %dma_wait3A_211 = arith.constant 0 : i32
      %dma_wait3A_212 = tpu.memref_slice %arg2[%dma_wait3A_210, %dma_wait3A_211] : memref<10000x128xf32, #tpu.memory_space<hbm>> -> memref<10000x128xf32, #tpu.memory_space<hbm>>
      tpu.wait_indirect_dma semaphore(%arg10 : memref<!tpu.dma_semaphore, #tpu.memory_space<semaphore_mem>>) src(%dma_wait3A_212 : memref<10000x128xf32, #tpu.memory_space<hbm>>) dst(%dma_wait3A_206 : memref<128x128xf32, #tpu.memory_space<vmem>>)
      %dma_start3A_213 = arith.constant 1 : i32
      %dma_start3A_214 = arith.constant 0 : i32
      %dma_start3A_215 = arith.constant 0 : i32
      %dma_start3A_216 = tpu.memref_slice %arg8[%dma_start3A_213, %dma_start3A_214, %dma_start3A_215] : memref<2x128x128xf32, #tpu.memory_space<vmem>> -> memref<1x128x128xf32, #tpu.memory_space<vmem>>
      %dma_start3A_217 = tpu.memref_squeeze %dma_start3A_216 : memref<1x128x128xf32, #tpu.memory_space<vmem>> -> memref<128x128xf32, #tpu.memory_space<vmem>>
      %dma_start3A_218 = arith.constant 0 : i32
      %dma_start3A_219 = tpu.memref_slice %arg6[%add3A_202, %dma_start3A_218] : memref<8x128xi32, #tpu.memory_space<vmem>> -> memref<1x128xi32, #tpu.memory_space<vmem>>
      %dma_start3A_220 = tpu.memref_squeeze %dma_start3A_219 : memref<1x128xi32, #tpu.memory_space<vmem>> -> memref<128xi32, #tpu.memory_space<vmem>>
      %dma_start3A_221 = arith.constant 0 : i32
      %dma_start3A_222 = arith.constant 0 : i32
      %dma_start3A_223 = tpu.memref_slice %arg2[%dma_start3A_221, %dma_start3A_222] : memref<10000x128xf32, #tpu.memory_space<hbm>> -> memref<10000x128xf32, #tpu.memory_space<hbm>>
      tpu.enqueue_indirect_dma source(%dma_start3A_223 : memref<10000x128xf32, #tpu.memory_space<hbm>>) target(%dma_start3A_217 : memref<128x128xf32, #tpu.memory_space<vmem>>) offsets(%dma_start3A_220 : memref<128xi32, #tpu.memory_space<vmem>>) semaphore(%arg11 : memref<!tpu.dma_semaphore, #tpu.memory_space<semaphore_mem>>)
      %dma_start3A_224 = arith.constant 0 : i32
      %dma_start3A_225 = arith.constant 0 : i32
      %dma_start3A_226 = arith.constant 0 : i32
      %dma_start3A_227 = tpu.memref_slice %arg8[%dma_start3A_224, %dma_start3A_225, %dma_start3A_226] : memref<2x128x128xf32, #tpu.memory_space<vmem>> -> memref<1x128x128xf32, #tpu.memory_space<vmem>>
      %dma_start3A_228 = tpu.memref_squeeze %dma_start3A_227 : memref<1x128x128xf32, #tpu.memory_space<vmem>> -> memref<128x128xf32, #tpu.memory_space<vmem>>
      %dma_start3A_229 = arith.constant 0 : i32
      %dma_start3A_230 = tpu.memref_slice %arg7[%mul3A_200, %dma_start3A_229] : memref<8x128xi32, #tpu.memory_space<vmem>> -> memref<1x128xi32, #tpu.memory_space<vmem>>
      %dma_start3A_231 = tpu.memref_squeeze %dma_start3A_230 : memref<1x128xi32, #tpu.memory_space<vmem>> -> memref<128xi32, #tpu.memory_space<vmem>>
      %dma_start3A_232 = arith.constant 0 : i32
      %dma_start3A_233 = arith.constant 0 : i32
      %dma_start3A_234 = tpu.memref_slice %arg9[%dma_start3A_232, %dma_start3A_233] : memref<10240x128xf32, #tpu.memory_space<vmem_shared>> -> memref<10240x128xf32, #tpu.memory_space<vmem_shared>>
      tpu.enqueue_indirect_dma source(%dma_start3A_228 : memref<128x128xf32, #tpu.memory_space<vmem>>) target(%dma_start3A_234 : memref<10240x128xf32, #tpu.memory_space<vmem_shared>>) offsets(%dma_start3A_231 : memref<128xi32, #tpu.memory_space<vmem>>) semaphore(%arg12 : memref<!tpu.dma_semaphore, #tpu.memory_space<semaphore_mem>>) {add = true}
      %dma_wait3A_235 = arith.constant 1 : i32
      %dma_wait3A_236 = arith.constant 0 : i32
      %dma_wait3A_237 = arith.constant 0 : i32
      %dma_wait3A_238 = tpu.memref_slice %arg8[%dma_wait3A_235, %dma_wait3A_236, %dma_wait3A_237] : memref<2x128x128xf32, #tpu.memory_space<vmem>> -> memref<1x128x128xf32, #tpu.memory_space<vmem>>
      %dma_wait3A_239 = tpu.memref_squeeze %dma_wait3A_238 : memref<1x128x128xf32, #tpu.memory_space<vmem>> -> memref<128x128xf32, #tpu.memory_space<vmem>>
      %dma_wait3A_240 = arith.constant 0 : i32
      %dma_wait3A_241 = tpu.memref_slice %arg6[%add3A_202, %dma_wait3A_240] : memref<8x128xi32, #tpu.memory_space<vmem>> -> memref<1x128xi32, #tpu.memory_space<vmem>>
      %dma_wait3A_242 = tpu.memref_squeeze %dma_wait3A_241 : memref<1x128xi32, #tpu.memory_space<vmem>> -> memref<128xi32, #tpu.memory_space<vmem>>
      %dma_wait3A_243 = arith.constant 0 : i32
      %dma_wait3A_244 = arith.constant 0 : i32
      %dma_wait3A_245 = tpu.memref_slice %arg2[%dma_wait3A_243, %dma_wait3A_244] : memref<10000x128xf32, #tpu.memory_space<hbm>> -> memref<10000x128xf32, #tpu.memory_space<hbm>>
      tpu.wait_indirect_dma semaphore(%arg11 : memref<!tpu.dma_semaphore, #tpu.memory_space<semaphore_mem>>) src(%dma_wait3A_245 : memref<10000x128xf32, #tpu.memory_space<hbm>>) dst(%dma_wait3A_239 : memref<128x128xf32, #tpu.memory_space<vmem>>)
      %dma_wait3A_246 = arith.constant 0 : i32
      %dma_wait3A_247 = arith.constant 0 : i32
      %dma_wait3A_248 = arith.constant 0 : i32
      %dma_wait3A_249 = tpu.memref_slice %arg8[%dma_wait3A_246, %dma_wait3A_247, %dma_wait3A_248] : memref<2x128x128xf32, #tpu.memory_space<vmem>> -> memref<1x128x128xf32, #tpu.memory_space<vmem>>
      %dma_wait3A_250 = tpu.memref_squeeze %dma_wait3A_249 : memref<1x128x128xf32, #tpu.memory_space<vmem>> -> memref<128x128xf32, #tpu.memory_space<vmem>>
      %dma_wait3A_251 = arith.constant 0 : i32
      %dma_wait3A_252 = tpu.memref_slice %arg7[%mul3A_200, %dma_wait3A_251] : memref<8x128xi32, #tpu.memory_space<vmem>> -> memref<1x128xi32, #tpu.memory_space<vmem>>
      %dma_wait3A_253 = tpu.memref_squeeze %dma_wait3A_252 : memref<1x128xi32, #tpu.memory_space<vmem>> -> memref<128xi32, #tpu.memory_space<vmem>>
      %dma_wait3A_254 = arith.constant 0 : i32
      %dma_wait3A_255 = arith.constant 0 : i32
      %dma_wait3A_256 = tpu.memref_slice %arg9[%dma_wait3A_254, %dma_wait3A_255] : memref<10240x128xf32, #tpu.memory_space<vmem_shared>> -> memref<10240x128xf32, #tpu.memory_space<vmem_shared>>
      tpu.wait_indirect_dma semaphore(%arg12 : memref<!tpu.dma_semaphore, #tpu.memory_space<semaphore_mem>>) src(%dma_wait3A_250 : memref<128x128xf32, #tpu.memory_space<vmem>>) dst(%dma_wait3A_256 : memref<10240x128xf32, #tpu.memory_space<vmem_shared>>)
      %lt3A = arith.constant 3 : i32
      %lt3A_257 = arith.cmpi slt, %scan3A_198, %lt3A : i32
      %convert_element_type3A = arith.extui %lt3A_257 : i1 to i32
      %cond3A = arith.constant 0 : i32
      %cond3A_258 = arith.cmpi ne, %convert_element_type3A, %cond3A : i32
      scf.if %cond3A_258 {
        %add3A_281 = arith.constant 2 : i32
        %add3A_282 = arith.addi %mul3A_200, %add3A_281 : i32
        %dma_start3A_283 = arith.constant 0 : i32
        %dma_start3A_284 = arith.constant 0 : i32
        %dma_start3A_285 = arith.constant 0 : i32
        %dma_start3A_286 = tpu.memref_slice %arg8[%dma_start3A_283, %dma_start3A_284, %dma_start3A_285] : memref<2x128x128xf32, #tpu.memory_space<vmem>> -> memref<1x128x128xf32, #tpu.memory_space<vmem>>
        %dma_start3A_287 = tpu.memref_squeeze %dma_start3A_286 : memref<1x128x128xf32, #tpu.memory_space<vmem>> -> memref<128x128xf32, #tpu.memory_space<vmem>>
        %dma_start3A_288 = arith.constant 0 : i32
        %dma_start3A_289 = tpu.memref_slice %arg6[%add3A_282, %dma_start3A_288] : memref<8x128xi32, #tpu.memory_space<vmem>> -> memref<1x128xi32, #tpu.memory_space<vmem>>
        %dma_start3A_290 = tpu.memref_squeeze %dma_start3A_289 : memref<1x128xi32, #tpu.memory_space<vmem>> -> memref<128xi32, #tpu.memory_space<vmem>>
        %dma_start3A_291 = arith.constant 0 : i32
        %dma_start3A_292 = arith.constant 0 : i32
        %dma_start3A_293 = tpu.memref_slice %arg2[%dma_start3A_291, %dma_start3A_292] : memref<10000x128xf32, #tpu.memory_space<hbm>> -> memref<10000x128xf32, #tpu.memory_space<hbm>>
        tpu.enqueue_indirect_dma source(%dma_start3A_293 : memref<10000x128xf32, #tpu.memory_space<hbm>>) target(%dma_start3A_287 : memref<128x128xf32, #tpu.memory_space<vmem>>) offsets(%dma_start3A_290 : memref<128xi32, #tpu.memory_space<vmem>>) semaphore(%arg10 : memref<!tpu.dma_semaphore, #tpu.memory_space<semaphore_mem>>)
      } else {
      }
      %dma_start3A_259 = arith.constant 1 : i32
      %dma_start3A_260 = arith.constant 0 : i32
      %dma_start3A_261 = arith.constant 0 : i32
      %dma_start3A_262 = tpu.memref_slice %arg8[%dma_start3A_259, %dma_start3A_260, %dma_start3A_261] : memref<2x128x128xf32, #tpu.memory_space<vmem>> -> memref<1x128x128xf32, #tpu.memory_space<vmem>>
      %dma_start3A_263 = tpu.memref_squeeze %dma_start3A_262 : memref<1x128x128xf32, #tpu.memory_space<vmem>> -> memref<128x128xf32, #tpu.memory_space<vmem>>
      %dma_start3A_264 = arith.constant 0 : i32
      %dma_start3A_265 = tpu.memref_slice %arg7[%add3A_202, %dma_start3A_264] : memref<8x128xi32, #tpu.memory_space<vmem>> -> memref<1x128xi32, #tpu.memory_space<vmem>>
      %dma_start3A_266 = tpu.memref_squeeze %dma_start3A_265 : memref<1x128xi32, #tpu.memory_space<vmem>> -> memref<128xi32, #tpu.memory_space<vmem>>
      %dma_start3A_267 = arith.constant 0 : i32
      %dma_start3A_268 = arith.constant 0 : i32
      %dma_start3A_269 = tpu.memref_slice %arg9[%dma_start3A_267, %dma_start3A_268] : memref<10240x128xf32, #tpu.memory_space<vmem_shared>> -> memref<10240x128xf32, #tpu.memory_space<vmem_shared>>
      tpu.enqueue_indirect_dma source(%dma_start3A_263 : memref<128x128xf32, #tpu.memory_space<vmem>>) target(%dma_start3A_269 : memref<10240x128xf32, #tpu.memory_space<vmem_shared>>) offsets(%dma_start3A_266 : memref<128xi32, #tpu.memory_space<vmem>>) semaphore(%arg13 : memref<!tpu.dma_semaphore, #tpu.memory_space<semaphore_mem>>) {add = true}
      %dma_wait3A_270 = arith.constant 1 : i32
      %dma_wait3A_271 = arith.constant 0 : i32
      %dma_wait3A_272 = arith.constant 0 : i32
      %dma_wait3A_273 = tpu.memref_slice %arg8[%dma_wait3A_270, %dma_wait3A_271, %dma_wait3A_272] : memref<2x128x128xf32, #tpu.memory_space<vmem>> -> memref<1x128x128xf32, #tpu.memory_space<vmem>>
      %dma_wait3A_274 = tpu.memref_squeeze %dma_wait3A_273 : memref<1x128x128xf32, #tpu.memory_space<vmem>> -> memref<128x128xf32, #tpu.memory_space<vmem>>
      %dma_wait3A_275 = arith.constant 0 : i32
      %dma_wait3A_276 = tpu.memref_slice %arg7[%add3A_202, %dma_wait3A_275] : memref<8x128xi32, #tpu.memory_space<vmem>> -> memref<1x128xi32, #tpu.memory_space<vmem>>
      %dma_wait3A_277 = tpu.memref_squeeze %dma_wait3A_276 : memref<1x128xi32, #tpu.memory_space<vmem>> -> memref<128xi32, #tpu.memory_space<vmem>>
      %dma_wait3A_278 = arith.constant 0 : i32
      %dma_wait3A_279 = arith.constant 0 : i32
      %dma_wait3A_280 = tpu.memref_slice %arg9[%dma_wait3A_278, %dma_wait3A_279] : memref<10240x128xf32, #tpu.memory_space<vmem_shared>> -> memref<10240x128xf32, #tpu.memory_space<vmem_shared>>
      tpu.wait_indirect_dma semaphore(%arg13 : memref<!tpu.dma_semaphore, #tpu.memory_space<semaphore_mem>>) src(%dma_wait3A_274 : memref<128x128xf32, #tpu.memory_space<vmem>>) dst(%dma_wait3A_280 : memref<10240x128xf32, #tpu.memory_space<vmem_shared>>)
    }
    %scan3A_46 = arith.constant 4 : i32
    "tpu.region"() ({
      %run_scoped3A = tpu.sem_alloc : memref<!tpu.dma_semaphore, #tpu.memory_space<semaphore_mem>>
      %dma_start3A_198 = arith.constant 16 : i32
      %dma_start3A_199 = arith.constant 0 : i32
      %dma_start3A_200 = tpu.memref_slice %arg3[%add3A, %dma_start3A_198, %dma_start3A_199] : memref<32x80x128xi32, #tpu.memory_space<hbm>> -> memref<1x8x128xi32, #tpu.memory_space<hbm>>
      %dma_start3A_201 = tpu.memref_squeeze %dma_start3A_200 : memref<1x8x128xi32, #tpu.memory_space<hbm>> -> memref<8x128xi32, #tpu.memory_space<hbm>>
      %dma_start3A_202 = arith.constant 16 : i32
      %dma_start3A_203 = arith.constant 0 : i32
      %dma_start3A_204 = tpu.memref_slice %arg3[%add3A, %dma_start3A_202, %dma_start3A_203] : memref<32x80x128xi32, #tpu.memory_space<hbm>> -> memref<1x8x128xi32, #tpu.memory_space<hbm>>
      %dma_start3A_205 = tpu.memref_squeeze %dma_start3A_204 : memref<1x8x128xi32, #tpu.memory_space<hbm>> -> memref<8x128xi32, #tpu.memory_space<hbm>>
      tpu.enqueue_dma source(%dma_start3A_205 : memref<8x128xi32, #tpu.memory_space<hbm>>) target(%arg6 : memref<8x128xi32, #tpu.memory_space<vmem>>) target_semaphore(%run_scoped3A : memref<!tpu.dma_semaphore, #tpu.memory_space<semaphore_mem>>)
      %dma_wait3A = arith.constant 16 : i32
      %dma_wait3A_206 = arith.constant 0 : i32
      %dma_wait3A_207 = tpu.memref_slice %arg3[%add3A, %dma_wait3A, %dma_wait3A_206] : memref<32x80x128xi32, #tpu.memory_space<hbm>> -> memref<1x8x128xi32, #tpu.memory_space<hbm>>
      %dma_wait3A_208 = tpu.memref_squeeze %dma_wait3A_207 : memref<1x8x128xi32, #tpu.memory_space<hbm>> -> memref<8x128xi32, #tpu.memory_space<hbm>>
      %dma_wait3A_209 = arith.constant 16 : i32
      %dma_wait3A_210 = arith.constant 0 : i32
      %dma_wait3A_211 = tpu.memref_slice %arg3[%add3A, %dma_wait3A_209, %dma_wait3A_210] : memref<32x80x128xi32, #tpu.memory_space<hbm>> -> memref<1x8x128xi32, #tpu.memory_space<hbm>>
      %dma_wait3A_212 = tpu.memref_squeeze %dma_wait3A_211 : memref<1x8x128xi32, #tpu.memory_space<hbm>> -> memref<8x128xi32, #tpu.memory_space<hbm>>
      tpu.wait_dma2 semaphore(%run_scoped3A : memref<!tpu.dma_semaphore, #tpu.memory_space<semaphore_mem>>) src(%dma_wait3A_212 : memref<8x128xi32, #tpu.memory_space<hbm>>) dst(%arg6 : memref<8x128xi32, #tpu.memory_space<vmem>>)
      tpu.yield
    }) : () -> ()
    "tpu.region"() ({
      %run_scoped3A = tpu.sem_alloc : memref<!tpu.dma_semaphore, #tpu.memory_space<semaphore_mem>>
      %dma_start3A_198 = arith.constant 16 : i32
      %dma_start3A_199 = arith.constant 0 : i32
      %dma_start3A_200 = tpu.memref_slice %arg4[%add3A, %dma_start3A_198, %dma_start3A_199] : memref<32x80x128xi32, #tpu.memory_space<hbm>> -> memref<1x8x128xi32, #tpu.memory_space<hbm>>
      %dma_start3A_201 = tpu.memref_squeeze %dma_start3A_200 : memref<1x8x128xi32, #tpu.memory_space<hbm>> -> memref<8x128xi32, #tpu.memory_space<hbm>>
      %dma_start3A_202 = arith.constant 16 : i32
      %dma_start3A_203 = arith.constant 0 : i32
      %dma_start3A_204 = tpu.memref_slice %arg4[%add3A, %dma_start3A_202, %dma_start3A_203] : memref<32x80x128xi32, #tpu.memory_space<hbm>> -> memref<1x8x128xi32, #tpu.memory_space<hbm>>
      %dma_start3A_205 = tpu.memref_squeeze %dma_start3A_204 : memref<1x8x128xi32, #tpu.memory_space<hbm>> -> memref<8x128xi32, #tpu.memory_space<hbm>>
      tpu.enqueue_dma source(%dma_start3A_205 : memref<8x128xi32, #tpu.memory_space<hbm>>) target(%arg7 : memref<8x128xi32, #tpu.memory_space<vmem>>) target_semaphore(%run_scoped3A : memref<!tpu.dma_semaphore, #tpu.memory_space<semaphore_mem>>)
      %dma_wait3A = arith.constant 16 : i32
      %dma_wait3A_206 = arith.constant 0 : i32
      %dma_wait3A_207 = tpu.memref_slice %arg4[%add3A, %dma_wait3A, %dma_wait3A_206] : memref<32x80x128xi32, #tpu.memory_space<hbm>> -> memref<1x8x128xi32, #tpu.memory_space<hbm>>
      %dma_wait3A_208 = tpu.memref_squeeze %dma_wait3A_207 : memref<1x8x128xi32, #tpu.memory_space<hbm>> -> memref<8x128xi32, #tpu.memory_space<hbm>>
      %dma_wait3A_209 = arith.constant 16 : i32
      %dma_wait3A_210 = arith.constant 0 : i32
      %dma_wait3A_211 = tpu.memref_slice %arg4[%add3A, %dma_wait3A_209, %dma_wait3A_210] : memref<32x80x128xi32, #tpu.memory_space<hbm>> -> memref<1x8x128xi32, #tpu.memory_space<hbm>>
      %dma_wait3A_212 = tpu.memref_squeeze %dma_wait3A_211 : memref<1x8x128xi32, #tpu.memory_space<hbm>> -> memref<8x128xi32, #tpu.memory_space<hbm>>
      tpu.wait_dma2 semaphore(%run_scoped3A : memref<!tpu.dma_semaphore, #tpu.memory_space<semaphore_mem>>) src(%dma_wait3A_212 : memref<8x128xi32, #tpu.memory_space<hbm>>) dst(%arg7 : memref<8x128xi32, #tpu.memory_space<vmem>>)
      tpu.yield
    }) : () -> ()
    %dma_start3A_47 = arith.constant 0 : i32
    %dma_start3A_48 = arith.constant 0 : i32
    %dma_start3A_49 = arith.constant 0 : i32
    %dma_start3A_50 = arith.constant 0 : i32
    %dma_start3A_51 = tpu.memref_slice %arg8[%dma_start3A_48, %dma_start3A_49, %dma_start3A_50] : memref<2x128x128xf32, #tpu.memory_space<vmem>> -> memref<1x128x128xf32, #tpu.memory_space<vmem>>
    %dma_start3A_52 = tpu.memref_squeeze %dma_start3A_51 : memref<1x128x128xf32, #tpu.memory_space<vmem>> -> memref<128x128xf32, #tpu.memory_space<vmem>>
    %dma_start3A_53 = arith.constant 0 : i32
    %dma_start3A_54 = tpu.memref_slice %arg6[%dma_start3A_47, %dma_start3A_53] : memref<8x128xi32, #tpu.memory_space<vmem>> -> memref<1x128xi32, #tpu.memory_space<vmem>>
    %dma_start3A_55 = tpu.memref_squeeze %dma_start3A_54 : memref<1x128xi32, #tpu.memory_space<vmem>> -> memref<128xi32, #tpu.memory_space<vmem>>
    %dma_start3A_56 = arith.constant 0 : i32
    %dma_start3A_57 = arith.constant 0 : i32
    %dma_start3A_58 = tpu.memref_slice %arg2[%dma_start3A_56, %dma_start3A_57] : memref<10000x128xf32, #tpu.memory_space<hbm>> -> memref<10000x128xf32, #tpu.memory_space<hbm>>
    tpu.enqueue_indirect_dma source(%dma_start3A_58 : memref<10000x128xf32, #tpu.memory_space<hbm>>) target(%dma_start3A_52 : memref<128x128xf32, #tpu.memory_space<vmem>>) offsets(%dma_start3A_55 : memref<128xi32, #tpu.memory_space<vmem>>) semaphore(%arg10 : memref<!tpu.dma_semaphore, #tpu.memory_space<semaphore_mem>>)
    %scan3A_59 = arith.constant 0 : i32
    %scan3A_60 = arith.constant 0 : i32
    %scan3A_61 = arith.constant 4 : i32
    %scan3A_62 = arith.addi %scan3A_60, %scan3A_61 : i32
    %scan3A_63 = arith.constant 1 : i32
    scf.for %scan3A_198 = %scan3A_60 to %scan3A_62 step %scan3A_63  : i32 {
      %mul3A_199 = arith.constant 2 : i32
      %mul3A_200 = arith.muli %scan3A_198, %mul3A_199 : i32
      %add3A_201 = arith.constant 1 : i32
      %add3A_202 = arith.addi %mul3A_200, %add3A_201 : i32
      %dma_wait3A = arith.constant 0 : i32
      %dma_wait3A_203 = arith.constant 0 : i32
      %dma_wait3A_204 = arith.constant 0 : i32
      %dma_wait3A_205 = tpu.memref_slice %arg8[%dma_wait3A, %dma_wait3A_203, %dma_wait3A_204] : memref<2x128x128xf32, #tpu.memory_space<vmem>> -> memref<1x128x128xf32, #tpu.memory_space<vmem>>
      %dma_wait3A_206 = tpu.memref_squeeze %dma_wait3A_205 : memref<1x128x128xf32, #tpu.memory_space<vmem>> -> memref<128x128xf32, #tpu.memory_space<vmem>>
      %dma_wait3A_207 = arith.constant 0 : i32
      %dma_wait3A_208 = tpu.memref_slice %arg6[%mul3A_200, %dma_wait3A_207] : memref<8x128xi32, #tpu.memory_space<vmem>> -> memref<1x128xi32, #tpu.memory_space<vmem>>
      %dma_wait3A_209 = tpu.memref_squeeze %dma_wait3A_208 : memref<1x128xi32, #tpu.memory_space<vmem>> -> memref<128xi32, #tpu.memory_space<vmem>>
      %dma_wait3A_210 = arith.constant 0 : i32
      %dma_wait3A_211 = arith.constant 0 : i32
      %dma_wait3A_212 = tpu.memref_slice %arg2[%dma_wait3A_210, %dma_wait3A_211] : memref<10000x128xf32, #tpu.memory_space<hbm>> -> memref<10000x128xf32, #tpu.memory_space<hbm>>
      tpu.wait_indirect_dma semaphore(%arg10 : memref<!tpu.dma_semaphore, #tpu.memory_space<semaphore_mem>>) src(%dma_wait3A_212 : memref<10000x128xf32, #tpu.memory_space<hbm>>) dst(%dma_wait3A_206 : memref<128x128xf32, #tpu.memory_space<vmem>>)
      %dma_start3A_213 = arith.constant 1 : i32
      %dma_start3A_214 = arith.constant 0 : i32
      %dma_start3A_215 = arith.constant 0 : i32
      %dma_start3A_216 = tpu.memref_slice %arg8[%dma_start3A_213, %dma_start3A_214, %dma_start3A_215] : memref<2x128x128xf32, #tpu.memory_space<vmem>> -> memref<1x128x128xf32, #tpu.memory_space<vmem>>
      %dma_start3A_217 = tpu.memref_squeeze %dma_start3A_216 : memref<1x128x128xf32, #tpu.memory_space<vmem>> -> memref<128x128xf32, #tpu.memory_space<vmem>>
      %dma_start3A_218 = arith.constant 0 : i32
      %dma_start3A_219 = tpu.memref_slice %arg6[%add3A_202, %dma_start3A_218] : memref<8x128xi32, #tpu.memory_space<vmem>> -> memref<1x128xi32, #tpu.memory_space<vmem>>
      %dma_start3A_220 = tpu.memref_squeeze %dma_start3A_219 : memref<1x128xi32, #tpu.memory_space<vmem>> -> memref<128xi32, #tpu.memory_space<vmem>>
      %dma_start3A_221 = arith.constant 0 : i32
      %dma_start3A_222 = arith.constant 0 : i32
      %dma_start3A_223 = tpu.memref_slice %arg2[%dma_start3A_221, %dma_start3A_222] : memref<10000x128xf32, #tpu.memory_space<hbm>> -> memref<10000x128xf32, #tpu.memory_space<hbm>>
      tpu.enqueue_indirect_dma source(%dma_start3A_223 : memref<10000x128xf32, #tpu.memory_space<hbm>>) target(%dma_start3A_217 : memref<128x128xf32, #tpu.memory_space<vmem>>) offsets(%dma_start3A_220 : memref<128xi32, #tpu.memory_space<vmem>>) semaphore(%arg11 : memref<!tpu.dma_semaphore, #tpu.memory_space<semaphore_mem>>)
      %dma_start3A_224 = arith.constant 0 : i32
      %dma_start3A_225 = arith.constant 0 : i32
      %dma_start3A_226 = arith.constant 0 : i32
      %dma_start3A_227 = tpu.memref_slice %arg8[%dma_start3A_224, %dma_start3A_225, %dma_start3A_226] : memref<2x128x128xf32, #tpu.memory_space<vmem>> -> memref<1x128x128xf32, #tpu.memory_space<vmem>>
      %dma_start3A_228 = tpu.memref_squeeze %dma_start3A_227 : memref<1x128x128xf32, #tpu.memory_space<vmem>> -> memref<128x128xf32, #tpu.memory_space<vmem>>
      %dma_start3A_229 = arith.constant 0 : i32
      %dma_start3A_230 = tpu.memref_slice %arg7[%mul3A_200, %dma_start3A_229] : memref<8x128xi32, #tpu.memory_space<vmem>> -> memref<1x128xi32, #tpu.memory_space<vmem>>
      %dma_start3A_231 = tpu.memref_squeeze %dma_start3A_230 : memref<1x128xi32, #tpu.memory_space<vmem>> -> memref<128xi32, #tpu.memory_space<vmem>>
      %dma_start3A_232 = arith.constant 0 : i32
      %dma_start3A_233 = arith.constant 0 : i32
      %dma_start3A_234 = tpu.memref_slice %arg9[%dma_start3A_232, %dma_start3A_233] : memref<10240x128xf32, #tpu.memory_space<vmem_shared>> -> memref<10240x128xf32, #tpu.memory_space<vmem_shared>>
      tpu.enqueue_indirect_dma source(%dma_start3A_228 : memref<128x128xf32, #tpu.memory_space<vmem>>) target(%dma_start3A_234 : memref<10240x128xf32, #tpu.memory_space<vmem_shared>>) offsets(%dma_start3A_231 : memref<128xi32, #tpu.memory_space<vmem>>) semaphore(%arg12 : memref<!tpu.dma_semaphore, #tpu.memory_space<semaphore_mem>>) {add = true}
      %dma_wait3A_235 = arith.constant 1 : i32
      %dma_wait3A_236 = arith.constant 0 : i32
      %dma_wait3A_237 = arith.constant 0 : i32
      %dma_wait3A_238 = tpu.memref_slice %arg8[%dma_wait3A_235, %dma_wait3A_236, %dma_wait3A_237] : memref<2x128x128xf32, #tpu.memory_space<vmem>> -> memref<1x128x128xf32, #tpu.memory_space<vmem>>
      %dma_wait3A_239 = tpu.memref_squeeze %dma_wait3A_238 : memref<1x128x128xf32, #tpu.memory_space<vmem>> -> memref<128x128xf32, #tpu.memory_space<vmem>>
      %dma_wait3A_240 = arith.constant 0 : i32
      %dma_wait3A_241 = tpu.memref_slice %arg6[%add3A_202, %dma_wait3A_240] : memref<8x128xi32, #tpu.memory_space<vmem>> -> memref<1x128xi32, #tpu.memory_space<vmem>>
      %dma_wait3A_242 = tpu.memref_squeeze %dma_wait3A_241 : memref<1x128xi32, #tpu.memory_space<vmem>> -> memref<128xi32, #tpu.memory_space<vmem>>
      %dma_wait3A_243 = arith.constant 0 : i32
      %dma_wait3A_244 = arith.constant 0 : i32
      %dma_wait3A_245 = tpu.memref_slice %arg2[%dma_wait3A_243, %dma_wait3A_244] : memref<10000x128xf32, #tpu.memory_space<hbm>> -> memref<10000x128xf32, #tpu.memory_space<hbm>>
      tpu.wait_indirect_dma semaphore(%arg11 : memref<!tpu.dma_semaphore, #tpu.memory_space<semaphore_mem>>) src(%dma_wait3A_245 : memref<10000x128xf32, #tpu.memory_space<hbm>>) dst(%dma_wait3A_239 : memref<128x128xf32, #tpu.memory_space<vmem>>)
      %dma_wait3A_246 = arith.constant 0 : i32
      %dma_wait3A_247 = arith.constant 0 : i32
      %dma_wait3A_248 = arith.constant 0 : i32
      %dma_wait3A_249 = tpu.memref_slice %arg8[%dma_wait3A_246, %dma_wait3A_247, %dma_wait3A_248] : memref<2x128x128xf32, #tpu.memory_space<vmem>> -> memref<1x128x128xf32, #tpu.memory_space<vmem>>
      %dma_wait3A_250 = tpu.memref_squeeze %dma_wait3A_249 : memref<1x128x128xf32, #tpu.memory_space<vmem>> -> memref<128x128xf32, #tpu.memory_space<vmem>>
      %dma_wait3A_251 = arith.constant 0 : i32
      %dma_wait3A_252 = tpu.memref_slice %arg7[%mul3A_200, %dma_wait3A_251] : memref<8x128xi32, #tpu.memory_space<vmem>> -> memref<1x128xi32, #tpu.memory_space<vmem>>
      %dma_wait3A_253 = tpu.memref_squeeze %dma_wait3A_252 : memref<1x128xi32, #tpu.memory_space<vmem>> -> memref<128xi32, #tpu.memory_space<vmem>>
      %dma_wait3A_254 = arith.constant 0 : i32
      %dma_wait3A_255 = arith.constant 0 : i32
      %dma_wait3A_256 = tpu.memref_slice %arg9[%dma_wait3A_254, %dma_wait3A_255] : memref<10240x128xf32, #tpu.memory_space<vmem_shared>> -> memref<10240x128xf32, #tpu.memory_space<vmem_shared>>
      tpu.wait_indirect_dma semaphore(%arg12 : memref<!tpu.dma_semaphore, #tpu.memory_space<semaphore_mem>>) src(%dma_wait3A_250 : memref<128x128xf32, #tpu.memory_space<vmem>>) dst(%dma_wait3A_256 : memref<10240x128xf32, #tpu.memory_space<vmem_shared>>)
      %lt3A = arith.constant 3 : i32
      %lt3A_257 = arith.cmpi slt, %scan3A_198, %lt3A : i32
      %convert_element_type3A = arith.extui %lt3A_257 : i1 to i32
      %cond3A = arith.constant 0 : i32
      %cond3A_258 = arith.cmpi ne, %convert_element_type3A, %cond3A : i32
      scf.if %cond3A_258 {
        %add3A_281 = arith.constant 2 : i32
        %add3A_282 = arith.addi %mul3A_200, %add3A_281 : i32
        %dma_start3A_283 = arith.constant 0 : i32
        %dma_start3A_284 = arith.constant 0 : i32
        %dma_start3A_285 = arith.constant 0 : i32
        %dma_start3A_286 = tpu.memref_slice %arg8[%dma_start3A_283, %dma_start3A_284, %dma_start3A_285] : memref<2x128x128xf32, #tpu.memory_space<vmem>> -> memref<1x128x128xf32, #tpu.memory_space<vmem>>
        %dma_start3A_287 = tpu.memref_squeeze %dma_start3A_286 : memref<1x128x128xf32, #tpu.memory_space<vmem>> -> memref<128x128xf32, #tpu.memory_space<vmem>>
        %dma_start3A_288 = arith.constant 0 : i32
        %dma_start3A_289 = tpu.memref_slice %arg6[%add3A_282, %dma_start3A_288] : memref<8x128xi32, #tpu.memory_space<vmem>> -> memref<1x128xi32, #tpu.memory_space<vmem>>
        %dma_start3A_290 = tpu.memref_squeeze %dma_start3A_289 : memref<1x128xi32, #tpu.memory_space<vmem>> -> memref<128xi32, #tpu.memory_space<vmem>>
        %dma_start3A_291 = arith.constant 0 : i32
        %dma_start3A_292 = arith.constant 0 : i32
        %dma_start3A_293 = tpu.memref_slice %arg2[%dma_start3A_291, %dma_start3A_292] : memref<10000x128xf32, #tpu.memory_space<hbm>> -> memref<10000x128xf32, #tpu.memory_space<hbm>>
        tpu.enqueue_indirect_dma source(%dma_start3A_293 : memref<10000x128xf32, #tpu.memory_space<hbm>>) target(%dma_start3A_287 : memref<128x128xf32, #tpu.memory_space<vmem>>) offsets(%dma_start3A_290 : memref<128xi32, #tpu.memory_space<vmem>>) semaphore(%arg10 : memref<!tpu.dma_semaphore, #tpu.memory_space<semaphore_mem>>)
      } else {
      }
      %dma_start3A_259 = arith.constant 1 : i32
      %dma_start3A_260 = arith.constant 0 : i32
      %dma_start3A_261 = arith.constant 0 : i32
      %dma_start3A_262 = tpu.memref_slice %arg8[%dma_start3A_259, %dma_start3A_260, %dma_start3A_261] : memref<2x128x128xf32, #tpu.memory_space<vmem>> -> memref<1x128x128xf32, #tpu.memory_space<vmem>>
      %dma_start3A_263 = tpu.memref_squeeze %dma_start3A_262 : memref<1x128x128xf32, #tpu.memory_space<vmem>> -> memref<128x128xf32, #tpu.memory_space<vmem>>
      %dma_start3A_264 = arith.constant 0 : i32
      %dma_start3A_265 = tpu.memref_slice %arg7[%add3A_202, %dma_start3A_264] : memref<8x128xi32, #tpu.memory_space<vmem>> -> memref<1x128xi32, #tpu.memory_space<vmem>>
      %dma_start3A_266 = tpu.memref_squeeze %dma_start3A_265 : memref<1x128xi32, #tpu.memory_space<vmem>> -> memref<128xi32, #tpu.memory_space<vmem>>
      %dma_start3A_267 = arith.constant 0 : i32
      %dma_start3A_268 = arith.constant 0 : i32
      %dma_start3A_269 = tpu.memref_slice %arg9[%dma_start3A_267, %dma_start3A_268] : memref<10240x128xf32, #tpu.memory_space<vmem_shared>> -> memref<10240x128xf32, #tpu.memory_space<vmem_shared>>
      tpu.enqueue_indirect_dma source(%dma_start3A_263 : memref<128x128xf32, #tpu.memory_space<vmem>>) target(%dma_start3A_269 : memref<10240x128xf32, #tpu.memory_space<vmem_shared>>) offsets(%dma_start3A_266 : memref<128xi32, #tpu.memory_space<vmem>>) semaphore(%arg13 : memref<!tpu.dma_semaphore, #tpu.memory_space<semaphore_mem>>) {add = true}
      %dma_wait3A_270 = arith.constant 1 : i32
      %dma_wait3A_271 = arith.constant 0 : i32
      %dma_wait3A_272 = arith.constant 0 : i32
      %dma_wait3A_273 = tpu.memref_slice %arg8[%dma_wait3A_270, %dma_wait3A_271, %dma_wait3A_272] : memref<2x128x128xf32, #tpu.memory_space<vmem>> -> memref<1x128x128xf32, #tpu.memory_space<vmem>>
      %dma_wait3A_274 = tpu.memref_squeeze %dma_wait3A_273 : memref<1x128x128xf32, #tpu.memory_space<vmem>> -> memref<128x128xf32, #tpu.memory_space<vmem>>
      %dma_wait3A_275 = arith.constant 0 : i32
      %dma_wait3A_276 = tpu.memref_slice %arg7[%add3A_202, %dma_wait3A_275] : memref<8x128xi32, #tpu.memory_space<vmem>> -> memref<1x128xi32, #tpu.memory_space<vmem>>
      %dma_wait3A_277 = tpu.memref_squeeze %dma_wait3A_276 : memref<1x128xi32, #tpu.memory_space<vmem>> -> memref<128xi32, #tpu.memory_space<vmem>>
      %dma_wait3A_278 = arith.constant 0 : i32
      %dma_wait3A_279 = arith.constant 0 : i32
      %dma_wait3A_280 = tpu.memref_slice %arg9[%dma_wait3A_278, %dma_wait3A_279] : memref<10240x128xf32, #tpu.memory_space<vmem_shared>> -> memref<10240x128xf32, #tpu.memory_space<vmem_shared>>
      tpu.wait_indirect_dma semaphore(%arg13 : memref<!tpu.dma_semaphore, #tpu.memory_space<semaphore_mem>>) src(%dma_wait3A_274 : memref<128x128xf32, #tpu.memory_space<vmem>>) dst(%dma_wait3A_280 : memref<10240x128xf32, #tpu.memory_space<vmem_shared>>)
    }
    %scan3A_64 = arith.constant 4 : i32
    "tpu.region"() ({
      %run_scoped3A = tpu.sem_alloc : memref<!tpu.dma_semaphore, #tpu.memory_space<semaphore_mem>>
      %dma_start3A_198 = arith.constant 24 : i32
      %dma_start3A_199 = arith.constant 0 : i32
      %dma_start3A_200 = tpu.memref_slice %arg3[%add3A, %dma_start3A_198, %dma_start3A_199] : memref<32x80x128xi32, #tpu.memory_space<hbm>> -> memref<1x8x128xi32, #tpu.memory_space<hbm>>
      %dma_start3A_201 = tpu.memref_squeeze %dma_start3A_200 : memref<1x8x128xi32, #tpu.memory_space<hbm>> -> memref<8x128xi32, #tpu.memory_space<hbm>>
      %dma_start3A_202 = arith.constant 24 : i32
      %dma_start3A_203 = arith.constant 0 : i32
      %dma_start3A_204 = tpu.memref_slice %arg3[%add3A, %dma_start3A_202, %dma_start3A_203] : memref<32x80x128xi32, #tpu.memory_space<hbm>> -> memref<1x8x128xi32, #tpu.memory_space<hbm>>
      %dma_start3A_205 = tpu.memref_squeeze %dma_start3A_204 : memref<1x8x128xi32, #tpu.memory_space<hbm>> -> memref<8x128xi32, #tpu.memory_space<hbm>>
      tpu.enqueue_dma source(%dma_start3A_205 : memref<8x128xi32, #tpu.memory_space<hbm>>) target(%arg6 : memref<8x128xi32, #tpu.memory_space<vmem>>) target_semaphore(%run_scoped3A : memref<!tpu.dma_semaphore, #tpu.memory_space<semaphore_mem>>)
      %dma_wait3A = arith.constant 24 : i32
      %dma_wait3A_206 = arith.constant 0 : i32
      %dma_wait3A_207 = tpu.memref_slice %arg3[%add3A, %dma_wait3A, %dma_wait3A_206] : memref<32x80x128xi32, #tpu.memory_space<hbm>> -> memref<1x8x128xi32, #tpu.memory_space<hbm>>
      %dma_wait3A_208 = tpu.memref_squeeze %dma_wait3A_207 : memref<1x8x128xi32, #tpu.memory_space<hbm>> -> memref<8x128xi32, #tpu.memory_space<hbm>>
      %dma_wait3A_209 = arith.constant 24 : i32
      %dma_wait3A_210 = arith.constant 0 : i32
      %dma_wait3A_211 = tpu.memref_slice %arg3[%add3A, %dma_wait3A_209, %dma_wait3A_210] : memref<32x80x128xi32, #tpu.memory_space<hbm>> -> memref<1x8x128xi32, #tpu.memory_space<hbm>>
      %dma_wait3A_212 = tpu.memref_squeeze %dma_wait3A_211 : memref<1x8x128xi32, #tpu.memory_space<hbm>> -> memref<8x128xi32, #tpu.memory_space<hbm>>
      tpu.wait_dma2 semaphore(%run_scoped3A : memref<!tpu.dma_semaphore, #tpu.memory_space<semaphore_mem>>) src(%dma_wait3A_212 : memref<8x128xi32, #tpu.memory_space<hbm>>) dst(%arg6 : memref<8x128xi32, #tpu.memory_space<vmem>>)
      tpu.yield
    }) : () -> ()
    "tpu.region"() ({
      %run_scoped3A = tpu.sem_alloc : memref<!tpu.dma_semaphore, #tpu.memory_space<semaphore_mem>>
      %dma_start3A_198 = arith.constant 24 : i32
      %dma_start3A_199 = arith.constant 0 : i32
      %dma_start3A_200 = tpu.memref_slice %arg4[%add3A, %dma_start3A_198, %dma_start3A_199] : memref<32x80x128xi32, #tpu.memory_space<hbm>> -> memref<1x8x128xi32, #tpu.memory_space<hbm>>
      %dma_start3A_201 = tpu.memref_squeeze %dma_start3A_200 : memref<1x8x128xi32, #tpu.memory_space<hbm>> -> memref<8x128xi32, #tpu.memory_space<hbm>>
      %dma_start3A_202 = arith.constant 24 : i32
      %dma_start3A_203 = arith.constant 0 : i32
      %dma_start3A_204 = tpu.memref_slice %arg4[%add3A, %dma_start3A_202, %dma_start3A_203] : memref<32x80x128xi32, #tpu.memory_space<hbm>> -> memref<1x8x128xi32, #tpu.memory_space<hbm>>
      %dma_start3A_205 = tpu.memref_squeeze %dma_start3A_204 : memref<1x8x128xi32, #tpu.memory_space<hbm>> -> memref<8x128xi32, #tpu.memory_space<hbm>>
      tpu.enqueue_dma source(%dma_start3A_205 : memref<8x128xi32, #tpu.memory_space<hbm>>) target(%arg7 : memref<8x128xi32, #tpu.memory_space<vmem>>) target_semaphore(%run_scoped3A : memref<!tpu.dma_semaphore, #tpu.memory_space<semaphore_mem>>)
      %dma_wait3A = arith.constant 24 : i32
      %dma_wait3A_206 = arith.constant 0 : i32
      %dma_wait3A_207 = tpu.memref_slice %arg4[%add3A, %dma_wait3A, %dma_wait3A_206] : memref<32x80x128xi32, #tpu.memory_space<hbm>> -> memref<1x8x128xi32, #tpu.memory_space<hbm>>
      %dma_wait3A_208 = tpu.memref_squeeze %dma_wait3A_207 : memref<1x8x128xi32, #tpu.memory_space<hbm>> -> memref<8x128xi32, #tpu.memory_space<hbm>>
      %dma_wait3A_209 = arith.constant 24 : i32
      %dma_wait3A_210 = arith.constant 0 : i32
      %dma_wait3A_211 = tpu.memref_slice %arg4[%add3A, %dma_wait3A_209, %dma_wait3A_210] : memref<32x80x128xi32, #tpu.memory_space<hbm>> -> memref<1x8x128xi32, #tpu.memory_space<hbm>>
      %dma_wait3A_212 = tpu.memref_squeeze %dma_wait3A_211 : memref<1x8x128xi32, #tpu.memory_space<hbm>> -> memref<8x128xi32, #tpu.memory_space<hbm>>
      tpu.wait_dma2 semaphore(%run_scoped3A : memref<!tpu.dma_semaphore, #tpu.memory_space<semaphore_mem>>) src(%dma_wait3A_212 : memref<8x128xi32, #tpu.memory_space<hbm>>) dst(%arg7 : memref<8x128xi32, #tpu.memory_space<vmem>>)
      tpu.yield
    }) : () -> ()
    %dma_start3A_65 = arith.constant 0 : i32
    %dma_start3A_66 = arith.constant 0 : i32
    %dma_start3A_67 = arith.constant 0 : i32
    %dma_start3A_68 = arith.constant 0 : i32
    %dma_start3A_69 = tpu.memref_slice %arg8[%dma_start3A_66, %dma_start3A_67, %dma_start3A_68] : memref<2x128x128xf32, #tpu.memory_space<vmem>> -> memref<1x128x128xf32, #tpu.memory_space<vmem>>
    %dma_start3A_70 = tpu.memref_squeeze %dma_start3A_69 : memref<1x128x128xf32, #tpu.memory_space<vmem>> -> memref<128x128xf32, #tpu.memory_space<vmem>>
    %dma_start3A_71 = arith.constant 0 : i32
    %dma_start3A_72 = tpu.memref_slice %arg6[%dma_start3A_65, %dma_start3A_71] : memref<8x128xi32, #tpu.memory_space<vmem>> -> memref<1x128xi32, #tpu.memory_space<vmem>>
    %dma_start3A_73 = tpu.memref_squeeze %dma_start3A_72 : memref<1x128xi32, #tpu.memory_space<vmem>> -> memref<128xi32, #tpu.memory_space<vmem>>
    %dma_start3A_74 = arith.constant 0 : i32
    %dma_start3A_75 = arith.constant 0 : i32
    %dma_start3A_76 = tpu.memref_slice %arg2[%dma_start3A_74, %dma_start3A_75] : memref<10000x128xf32, #tpu.memory_space<hbm>> -> memref<10000x128xf32, #tpu.memory_space<hbm>>
    tpu.enqueue_indirect_dma source(%dma_start3A_76 : memref<10000x128xf32, #tpu.memory_space<hbm>>) target(%dma_start3A_70 : memref<128x128xf32, #tpu.memory_space<vmem>>) offsets(%dma_start3A_73 : memref<128xi32, #tpu.memory_space<vmem>>) semaphore(%arg10 : memref<!tpu.dma_semaphore, #tpu.memory_space<semaphore_mem>>)
    %scan3A_77 = arith.constant 0 : i32
    %scan3A_78 = arith.constant 0 : i32
    %scan3A_79 = arith.constant 4 : i32
    %scan3A_80 = arith.addi %scan3A_78, %scan3A_79 : i32
    %scan3A_81 = arith.constant 1 : i32
    scf.for %scan3A_198 = %scan3A_78 to %scan3A_80 step %scan3A_81  : i32 {
      %mul3A_199 = arith.constant 2 : i32
      %mul3A_200 = arith.muli %scan3A_198, %mul3A_199 : i32
      %add3A_201 = arith.constant 1 : i32
      %add3A_202 = arith.addi %mul3A_200, %add3A_201 : i32
      %dma_wait3A = arith.constant 0 : i32
      %dma_wait3A_203 = arith.constant 0 : i32
      %dma_wait3A_204 = arith.constant 0 : i32
      %dma_wait3A_205 = tpu.memref_slice %arg8[%dma_wait3A, %dma_wait3A_203, %dma_wait3A_204] : memref<2x128x128xf32, #tpu.memory_space<vmem>> -> memref<1x128x128xf32, #tpu.memory_space<vmem>>
      %dma_wait3A_206 = tpu.memref_squeeze %dma_wait3A_205 : memref<1x128x128xf32, #tpu.memory_space<vmem>> -> memref<128x128xf32, #tpu.memory_space<vmem>>
      %dma_wait3A_207 = arith.constant 0 : i32
      %dma_wait3A_208 = tpu.memref_slice %arg6[%mul3A_200, %dma_wait3A_207] : memref<8x128xi32, #tpu.memory_space<vmem>> -> memref<1x128xi32, #tpu.memory_space<vmem>>
      %dma_wait3A_209 = tpu.memref_squeeze %dma_wait3A_208 : memref<1x128xi32, #tpu.memory_space<vmem>> -> memref<128xi32, #tpu.memory_space<vmem>>
      %dma_wait3A_210 = arith.constant 0 : i32
      %dma_wait3A_211 = arith.constant 0 : i32
      %dma_wait3A_212 = tpu.memref_slice %arg2[%dma_wait3A_210, %dma_wait3A_211] : memref<10000x128xf32, #tpu.memory_space<hbm>> -> memref<10000x128xf32, #tpu.memory_space<hbm>>
      tpu.wait_indirect_dma semaphore(%arg10 : memref<!tpu.dma_semaphore, #tpu.memory_space<semaphore_mem>>) src(%dma_wait3A_212 : memref<10000x128xf32, #tpu.memory_space<hbm>>) dst(%dma_wait3A_206 : memref<128x128xf32, #tpu.memory_space<vmem>>)
      %dma_start3A_213 = arith.constant 1 : i32
      %dma_start3A_214 = arith.constant 0 : i32
      %dma_start3A_215 = arith.constant 0 : i32
      %dma_start3A_216 = tpu.memref_slice %arg8[%dma_start3A_213, %dma_start3A_214, %dma_start3A_215] : memref<2x128x128xf32, #tpu.memory_space<vmem>> -> memref<1x128x128xf32, #tpu.memory_space<vmem>>
      %dma_start3A_217 = tpu.memref_squeeze %dma_start3A_216 : memref<1x128x128xf32, #tpu.memory_space<vmem>> -> memref<128x128xf32, #tpu.memory_space<vmem>>
      %dma_start3A_218 = arith.constant 0 : i32
      %dma_start3A_219 = tpu.memref_slice %arg6[%add3A_202, %dma_start3A_218] : memref<8x128xi32, #tpu.memory_space<vmem>> -> memref<1x128xi32, #tpu.memory_space<vmem>>
      %dma_start3A_220 = tpu.memref_squeeze %dma_start3A_219 : memref<1x128xi32, #tpu.memory_space<vmem>> -> memref<128xi32, #tpu.memory_space<vmem>>
      %dma_start3A_221 = arith.constant 0 : i32
      %dma_start3A_222 = arith.constant 0 : i32
      %dma_start3A_223 = tpu.memref_slice %arg2[%dma_start3A_221, %dma_start3A_222] : memref<10000x128xf32, #tpu.memory_space<hbm>> -> memref<10000x128xf32, #tpu.memory_space<hbm>>
      tpu.enqueue_indirect_dma source(%dma_start3A_223 : memref<10000x128xf32, #tpu.memory_space<hbm>>) target(%dma_start3A_217 : memref<128x128xf32, #tpu.memory_space<vmem>>) offsets(%dma_start3A_220 : memref<128xi32, #tpu.memory_space<vmem>>) semaphore(%arg11 : memref<!tpu.dma_semaphore, #tpu.memory_space<semaphore_mem>>)
      %dma_start3A_224 = arith.constant 0 : i32
      %dma_start3A_225 = arith.constant 0 : i32
      %dma_start3A_226 = arith.constant 0 : i32
      %dma_start3A_227 = tpu.memref_slice %arg8[%dma_start3A_224, %dma_start3A_225, %dma_start3A_226] : memref<2x128x128xf32, #tpu.memory_space<vmem>> -> memref<1x128x128xf32, #tpu.memory_space<vmem>>
      %dma_start3A_228 = tpu.memref_squeeze %dma_start3A_227 : memref<1x128x128xf32, #tpu.memory_space<vmem>> -> memref<128x128xf32, #tpu.memory_space<vmem>>
      %dma_start3A_229 = arith.constant 0 : i32
      %dma_start3A_230 = tpu.memref_slice %arg7[%mul3A_200, %dma_start3A_229] : memref<8x128xi32, #tpu.memory_space<vmem>> -> memref<1x128xi32, #tpu.memory_space<vmem>>
      %dma_start3A_231 = tpu.memref_squeeze %dma_start3A_230 : memref<1x128xi32, #tpu.memory_space<vmem>> -> memref<128xi32, #tpu.memory_space<vmem>>
      %dma_start3A_232 = arith.constant 0 : i32
      %dma_start3A_233 = arith.constant 0 : i32
      %dma_start3A_234 = tpu.memref_slice %arg9[%dma_start3A_232, %dma_start3A_233] : memref<10240x128xf32, #tpu.memory_space<vmem_shared>> -> memref<10240x128xf32, #tpu.memory_space<vmem_shared>>
      tpu.enqueue_indirect_dma source(%dma_start3A_228 : memref<128x128xf32, #tpu.memory_space<vmem>>) target(%dma_start3A_234 : memref<10240x128xf32, #tpu.memory_space<vmem_shared>>) offsets(%dma_start3A_231 : memref<128xi32, #tpu.memory_space<vmem>>) semaphore(%arg12 : memref<!tpu.dma_semaphore, #tpu.memory_space<semaphore_mem>>) {add = true}
      %dma_wait3A_235 = arith.constant 1 : i32
      %dma_wait3A_236 = arith.constant 0 : i32
      %dma_wait3A_237 = arith.constant 0 : i32
      %dma_wait3A_238 = tpu.memref_slice %arg8[%dma_wait3A_235, %dma_wait3A_236, %dma_wait3A_237] : memref<2x128x128xf32, #tpu.memory_space<vmem>> -> memref<1x128x128xf32, #tpu.memory_space<vmem>>
      %dma_wait3A_239 = tpu.memref_squeeze %dma_wait3A_238 : memref<1x128x128xf32, #tpu.memory_space<vmem>> -> memref<128x128xf32, #tpu.memory_space<vmem>>
      %dma_wait3A_240 = arith.constant 0 : i32
      %dma_wait3A_241 = tpu.memref_slice %arg6[%add3A_202, %dma_wait3A_240] : memref<8x128xi32, #tpu.memory_space<vmem>> -> memref<1x128xi32, #tpu.memory_space<vmem>>
      %dma_wait3A_242 = tpu.memref_squeeze %dma_wait3A_241 : memref<1x128xi32, #tpu.memory_space<vmem>> -> memref<128xi32, #tpu.memory_space<vmem>>
      %dma_wait3A_243 = arith.constant 0 : i32
      %dma_wait3A_244 = arith.constant 0 : i32
      %dma_wait3A_245 = tpu.memref_slice %arg2[%dma_wait3A_243, %dma_wait3A_244] : memref<10000x128xf32, #tpu.memory_space<hbm>> -> memref<10000x128xf32, #tpu.memory_space<hbm>>
      tpu.wait_indirect_dma semaphore(%arg11 : memref<!tpu.dma_semaphore, #tpu.memory_space<semaphore_mem>>) src(%dma_wait3A_245 : memref<10000x128xf32, #tpu.memory_space<hbm>>) dst(%dma_wait3A_239 : memref<128x128xf32, #tpu.memory_space<vmem>>)
      %dma_wait3A_246 = arith.constant 0 : i32
      %dma_wait3A_247 = arith.constant 0 : i32
      %dma_wait3A_248 = arith.constant 0 : i32
      %dma_wait3A_249 = tpu.memref_slice %arg8[%dma_wait3A_246, %dma_wait3A_247, %dma_wait3A_248] : memref<2x128x128xf32, #tpu.memory_space<vmem>> -> memref<1x128x128xf32, #tpu.memory_space<vmem>>
      %dma_wait3A_250 = tpu.memref_squeeze %dma_wait3A_249 : memref<1x128x128xf32, #tpu.memory_space<vmem>> -> memref<128x128xf32, #tpu.memory_space<vmem>>
      %dma_wait3A_251 = arith.constant 0 : i32
      %dma_wait3A_252 = tpu.memref_slice %arg7[%mul3A_200, %dma_wait3A_251] : memref<8x128xi32, #tpu.memory_space<vmem>> -> memref<1x128xi32, #tpu.memory_space<vmem>>
      %dma_wait3A_253 = tpu.memref_squeeze %dma_wait3A_252 : memref<1x128xi32, #tpu.memory_space<vmem>> -> memref<128xi32, #tpu.memory_space<vmem>>
      %dma_wait3A_254 = arith.constant 0 : i32
      %dma_wait3A_255 = arith.constant 0 : i32
      %dma_wait3A_256 = tpu.memref_slice %arg9[%dma_wait3A_254, %dma_wait3A_255] : memref<10240x128xf32, #tpu.memory_space<vmem_shared>> -> memref<10240x128xf32, #tpu.memory_space<vmem_shared>>
      tpu.wait_indirect_dma semaphore(%arg12 : memref<!tpu.dma_semaphore, #tpu.memory_space<semaphore_mem>>) src(%dma_wait3A_250 : memref<128x128xf32, #tpu.memory_space<vmem>>) dst(%dma_wait3A_256 : memref<10240x128xf32, #tpu.memory_space<vmem_shared>>)
      %lt3A = arith.constant 3 : i32
      %lt3A_257 = arith.cmpi slt, %scan3A_198, %lt3A : i32
      %convert_element_type3A = arith.extui %lt3A_257 : i1 to i32
      %cond3A = arith.constant 0 : i32
      %cond3A_258 = arith.cmpi ne, %convert_element_type3A, %cond3A : i32
      scf.if %cond3A_258 {
        %add3A_281 = arith.constant 2 : i32
        %add3A_282 = arith.addi %mul3A_200, %add3A_281 : i32
        %dma_start3A_283 = arith.constant 0 : i32
        %dma_start3A_284 = arith.constant 0 : i32
        %dma_start3A_285 = arith.constant 0 : i32
        %dma_start3A_286 = tpu.memref_slice %arg8[%dma_start3A_283, %dma_start3A_284, %dma_start3A_285] : memref<2x128x128xf32, #tpu.memory_space<vmem>> -> memref<1x128x128xf32, #tpu.memory_space<vmem>>
        %dma_start3A_287 = tpu.memref_squeeze %dma_start3A_286 : memref<1x128x128xf32, #tpu.memory_space<vmem>> -> memref<128x128xf32, #tpu.memory_space<vmem>>
        %dma_start3A_288 = arith.constant 0 : i32
        %dma_start3A_289 = tpu.memref_slice %arg6[%add3A_282, %dma_start3A_288] : memref<8x128xi32, #tpu.memory_space<vmem>> -> memref<1x128xi32, #tpu.memory_space<vmem>>
        %dma_start3A_290 = tpu.memref_squeeze %dma_start3A_289 : memref<1x128xi32, #tpu.memory_space<vmem>> -> memref<128xi32, #tpu.memory_space<vmem>>
        %dma_start3A_291 = arith.constant 0 : i32
        %dma_start3A_292 = arith.constant 0 : i32
        %dma_start3A_293 = tpu.memref_slice %arg2[%dma_start3A_291, %dma_start3A_292] : memref<10000x128xf32, #tpu.memory_space<hbm>> -> memref<10000x128xf32, #tpu.memory_space<hbm>>
        tpu.enqueue_indirect_dma source(%dma_start3A_293 : memref<10000x128xf32, #tpu.memory_space<hbm>>) target(%dma_start3A_287 : memref<128x128xf32, #tpu.memory_space<vmem>>) offsets(%dma_start3A_290 : memref<128xi32, #tpu.memory_space<vmem>>) semaphore(%arg10 : memref<!tpu.dma_semaphore, #tpu.memory_space<semaphore_mem>>)
      } else {
      }
      %dma_start3A_259 = arith.constant 1 : i32
      %dma_start3A_260 = arith.constant 0 : i32
      %dma_start3A_261 = arith.constant 0 : i32
      %dma_start3A_262 = tpu.memref_slice %arg8[%dma_start3A_259, %dma_start3A_260, %dma_start3A_261] : memref<2x128x128xf32, #tpu.memory_space<vmem>> -> memref<1x128x128xf32, #tpu.memory_space<vmem>>
      %dma_start3A_263 = tpu.memref_squeeze %dma_start3A_262 : memref<1x128x128xf32, #tpu.memory_space<vmem>> -> memref<128x128xf32, #tpu.memory_space<vmem>>
      %dma_start3A_264 = arith.constant 0 : i32
      %dma_start3A_265 = tpu.memref_slice %arg7[%add3A_202, %dma_start3A_264] : memref<8x128xi32, #tpu.memory_space<vmem>> -> memref<1x128xi32, #tpu.memory_space<vmem>>
      %dma_start3A_266 = tpu.memref_squeeze %dma_start3A_265 : memref<1x128xi32, #tpu.memory_space<vmem>> -> memref<128xi32, #tpu.memory_space<vmem>>
      %dma_start3A_267 = arith.constant 0 : i32
      %dma_start3A_268 = arith.constant 0 : i32
      %dma_start3A_269 = tpu.memref_slice %arg9[%dma_start3A_267, %dma_start3A_268] : memref<10240x128xf32, #tpu.memory_space<vmem_shared>> -> memref<10240x128xf32, #tpu.memory_space<vmem_shared>>
      tpu.enqueue_indirect_dma source(%dma_start3A_263 : memref<128x128xf32, #tpu.memory_space<vmem>>) target(%dma_start3A_269 : memref<10240x128xf32, #tpu.memory_space<vmem_shared>>) offsets(%dma_start3A_266 : memref<128xi32, #tpu.memory_space<vmem>>) semaphore(%arg13 : memref<!tpu.dma_semaphore, #tpu.memory_space<semaphore_mem>>) {add = true}
      %dma_wait3A_270 = arith.constant 1 : i32
      %dma_wait3A_271 = arith.constant 0 : i32
      %dma_wait3A_272 = arith.constant 0 : i32
      %dma_wait3A_273 = tpu.memref_slice %arg8[%dma_wait3A_270, %dma_wait3A_271, %dma_wait3A_272] : memref<2x128x128xf32, #tpu.memory_space<vmem>> -> memref<1x128x128xf32, #tpu.memory_space<vmem>>
      %dma_wait3A_274 = tpu.memref_squeeze %dma_wait3A_273 : memref<1x128x128xf32, #tpu.memory_space<vmem>> -> memref<128x128xf32, #tpu.memory_space<vmem>>
      %dma_wait3A_275 = arith.constant 0 : i32
      %dma_wait3A_276 = tpu.memref_slice %arg7[%add3A_202, %dma_wait3A_275] : memref<8x128xi32, #tpu.memory_space<vmem>> -> memref<1x128xi32, #tpu.memory_space<vmem>>
      %dma_wait3A_277 = tpu.memref_squeeze %dma_wait3A_276 : memref<1x128xi32, #tpu.memory_space<vmem>> -> memref<128xi32, #tpu.memory_space<vmem>>
      %dma_wait3A_278 = arith.constant 0 : i32
      %dma_wait3A_279 = arith.constant 0 : i32
      %dma_wait3A_280 = tpu.memref_slice %arg9[%dma_wait3A_278, %dma_wait3A_279] : memref<10240x128xf32, #tpu.memory_space<vmem_shared>> -> memref<10240x128xf32, #tpu.memory_space<vmem_shared>>
      tpu.wait_indirect_dma semaphore(%arg13 : memref<!tpu.dma_semaphore, #tpu.memory_space<semaphore_mem>>) src(%dma_wait3A_274 : memref<128x128xf32, #tpu.memory_space<vmem>>) dst(%dma_wait3A_280 : memref<10240x128xf32, #tpu.memory_space<vmem_shared>>)
    }
    %scan3A_82 = arith.constant 4 : i32
    "tpu.region"() ({
      %run_scoped3A = tpu.sem_alloc : memref<!tpu.dma_semaphore, #tpu.memory_space<semaphore_mem>>
      %dma_start3A_198 = arith.constant 32 : i32
      %dma_start3A_199 = arith.constant 0 : i32
      %dma_start3A_200 = tpu.memref_slice %arg3[%add3A, %dma_start3A_198, %dma_start3A_199] : memref<32x80x128xi32, #tpu.memory_space<hbm>> -> memref<1x8x128xi32, #tpu.memory_space<hbm>>
      %dma_start3A_201 = tpu.memref_squeeze %dma_start3A_200 : memref<1x8x128xi32, #tpu.memory_space<hbm>> -> memref<8x128xi32, #tpu.memory_space<hbm>>
      %dma_start3A_202 = arith.constant 32 : i32
      %dma_start3A_203 = arith.constant 0 : i32
      %dma_start3A_204 = tpu.memref_slice %arg3[%add3A, %dma_start3A_202, %dma_start3A_203] : memref<32x80x128xi32, #tpu.memory_space<hbm>> -> memref<1x8x128xi32, #tpu.memory_space<hbm>>
      %dma_start3A_205 = tpu.memref_squeeze %dma_start3A_204 : memref<1x8x128xi32, #tpu.memory_space<hbm>> -> memref<8x128xi32, #tpu.memory_space<hbm>>
      tpu.enqueue_dma source(%dma_start3A_205 : memref<8x128xi32, #tpu.memory_space<hbm>>) target(%arg6 : memref<8x128xi32, #tpu.memory_space<vmem>>) target_semaphore(%run_scoped3A : memref<!tpu.dma_semaphore, #tpu.memory_space<semaphore_mem>>)
      %dma_wait3A = arith.constant 32 : i32
      %dma_wait3A_206 = arith.constant 0 : i32
      %dma_wait3A_207 = tpu.memref_slice %arg3[%add3A, %dma_wait3A, %dma_wait3A_206] : memref<32x80x128xi32, #tpu.memory_space<hbm>> -> memref<1x8x128xi32, #tpu.memory_space<hbm>>
      %dma_wait3A_208 = tpu.memref_squeeze %dma_wait3A_207 : memref<1x8x128xi32, #tpu.memory_space<hbm>> -> memref<8x128xi32, #tpu.memory_space<hbm>>
      %dma_wait3A_209 = arith.constant 32 : i32
      %dma_wait3A_210 = arith.constant 0 : i32
      %dma_wait3A_211 = tpu.memref_slice %arg3[%add3A, %dma_wait3A_209, %dma_wait3A_210] : memref<32x80x128xi32, #tpu.memory_space<hbm>> -> memref<1x8x128xi32, #tpu.memory_space<hbm>>
      %dma_wait3A_212 = tpu.memref_squeeze %dma_wait3A_211 : memref<1x8x128xi32, #tpu.memory_space<hbm>> -> memref<8x128xi32, #tpu.memory_space<hbm>>
      tpu.wait_dma2 semaphore(%run_scoped3A : memref<!tpu.dma_semaphore, #tpu.memory_space<semaphore_mem>>) src(%dma_wait3A_212 : memref<8x128xi32, #tpu.memory_space<hbm>>) dst(%arg6 : memref<8x128xi32, #tpu.memory_space<vmem>>)
      tpu.yield
    }) : () -> ()
    "tpu.region"() ({
      %run_scoped3A = tpu.sem_alloc : memref<!tpu.dma_semaphore, #tpu.memory_space<semaphore_mem>>
      %dma_start3A_198 = arith.constant 32 : i32
      %dma_start3A_199 = arith.constant 0 : i32
      %dma_start3A_200 = tpu.memref_slice %arg4[%add3A, %dma_start3A_198, %dma_start3A_199] : memref<32x80x128xi32, #tpu.memory_space<hbm>> -> memref<1x8x128xi32, #tpu.memory_space<hbm>>
      %dma_start3A_201 = tpu.memref_squeeze %dma_start3A_200 : memref<1x8x128xi32, #tpu.memory_space<hbm>> -> memref<8x128xi32, #tpu.memory_space<hbm>>
      %dma_start3A_202 = arith.constant 32 : i32
      %dma_start3A_203 = arith.constant 0 : i32
      %dma_start3A_204 = tpu.memref_slice %arg4[%add3A, %dma_start3A_202, %dma_start3A_203] : memref<32x80x128xi32, #tpu.memory_space<hbm>> -> memref<1x8x128xi32, #tpu.memory_space<hbm>>
      %dma_start3A_205 = tpu.memref_squeeze %dma_start3A_204 : memref<1x8x128xi32, #tpu.memory_space<hbm>> -> memref<8x128xi32, #tpu.memory_space<hbm>>
      tpu.enqueue_dma source(%dma_start3A_205 : memref<8x128xi32, #tpu.memory_space<hbm>>) target(%arg7 : memref<8x128xi32, #tpu.memory_space<vmem>>) target_semaphore(%run_scoped3A : memref<!tpu.dma_semaphore, #tpu.memory_space<semaphore_mem>>)
      %dma_wait3A = arith.constant 32 : i32
      %dma_wait3A_206 = arith.constant 0 : i32
      %dma_wait3A_207 = tpu.memref_slice %arg4[%add3A, %dma_wait3A, %dma_wait3A_206] : memref<32x80x128xi32, #tpu.memory_space<hbm>> -> memref<1x8x128xi32, #tpu.memory_space<hbm>>
      %dma_wait3A_208 = tpu.memref_squeeze %dma_wait3A_207 : memref<1x8x128xi32, #tpu.memory_space<hbm>> -> memref<8x128xi32, #tpu.memory_space<hbm>>
      %dma_wait3A_209 = arith.constant 32 : i32
      %dma_wait3A_210 = arith.constant 0 : i32
      %dma_wait3A_211 = tpu.memref_slice %arg4[%add3A, %dma_wait3A_209, %dma_wait3A_210] : memref<32x80x128xi32, #tpu.memory_space<hbm>> -> memref<1x8x128xi32, #tpu.memory_space<hbm>>
      %dma_wait3A_212 = tpu.memref_squeeze %dma_wait3A_211 : memref<1x8x128xi32, #tpu.memory_space<hbm>> -> memref<8x128xi32, #tpu.memory_space<hbm>>
      tpu.wait_dma2 semaphore(%run_scoped3A : memref<!tpu.dma_semaphore, #tpu.memory_space<semaphore_mem>>) src(%dma_wait3A_212 : memref<8x128xi32, #tpu.memory_space<hbm>>) dst(%arg7 : memref<8x128xi32, #tpu.memory_space<vmem>>)
      tpu.yield
    }) : () -> ()
    %dma_start3A_83 = arith.constant 0 : i32
    %dma_start3A_84 = arith.constant 0 : i32
    %dma_start3A_85 = arith.constant 0 : i32
    %dma_start3A_86 = arith.constant 0 : i32
    %dma_start3A_87 = tpu.memref_slice %arg8[%dma_start3A_84, %dma_start3A_85, %dma_start3A_86] : memref<2x128x128xf32, #tpu.memory_space<vmem>> -> memref<1x128x128xf32, #tpu.memory_space<vmem>>
    %dma_start3A_88 = tpu.memref_squeeze %dma_start3A_87 : memref<1x128x128xf32, #tpu.memory_space<vmem>> -> memref<128x128xf32, #tpu.memory_space<vmem>>
    %dma_start3A_89 = arith.constant 0 : i32
    %dma_start3A_90 = tpu.memref_slice %arg6[%dma_start3A_83, %dma_start3A_89] : memref<8x128xi32, #tpu.memory_space<vmem>> -> memref<1x128xi32, #tpu.memory_space<vmem>>
    %dma_start3A_91 = tpu.memref_squeeze %dma_start3A_90 : memref<1x128xi32, #tpu.memory_space<vmem>> -> memref<128xi32, #tpu.memory_space<vmem>>
    %dma_start3A_92 = arith.constant 0 : i32
    %dma_start3A_93 = arith.constant 0 : i32
    %dma_start3A_94 = tpu.memref_slice %arg2[%dma_start3A_92, %dma_start3A_93] : memref<10000x128xf32, #tpu.memory_space<hbm>> -> memref<10000x128xf32, #tpu.memory_space<hbm>>
    tpu.enqueue_indirect_dma source(%dma_start3A_94 : memref<10000x128xf32, #tpu.memory_space<hbm>>) target(%dma_start3A_88 : memref<128x128xf32, #tpu.memory_space<vmem>>) offsets(%dma_start3A_91 : memref<128xi32, #tpu.memory_space<vmem>>) semaphore(%arg10 : memref<!tpu.dma_semaphore, #tpu.memory_space<semaphore_mem>>)
    %scan3A_95 = arith.constant 0 : i32
    %scan3A_96 = arith.constant 0 : i32
    %scan3A_97 = arith.constant 4 : i32
    %scan3A_98 = arith.addi %scan3A_96, %scan3A_97 : i32
    %scan3A_99 = arith.constant 1 : i32
    scf.for %scan3A_198 = %scan3A_96 to %scan3A_98 step %scan3A_99  : i32 {
      %mul3A_199 = arith.constant 2 : i32
      %mul3A_200 = arith.muli %scan3A_198, %mul3A_199 : i32
      %add3A_201 = arith.constant 1 : i32
      %add3A_202 = arith.addi %mul3A_200, %add3A_201 : i32
      %dma_wait3A = arith.constant 0 : i32
      %dma_wait3A_203 = arith.constant 0 : i32
      %dma_wait3A_204 = arith.constant 0 : i32
      %dma_wait3A_205 = tpu.memref_slice %arg8[%dma_wait3A, %dma_wait3A_203, %dma_wait3A_204] : memref<2x128x128xf32, #tpu.memory_space<vmem>> -> memref<1x128x128xf32, #tpu.memory_space<vmem>>
      %dma_wait3A_206 = tpu.memref_squeeze %dma_wait3A_205 : memref<1x128x128xf32, #tpu.memory_space<vmem>> -> memref<128x128xf32, #tpu.memory_space<vmem>>
      %dma_wait3A_207 = arith.constant 0 : i32
      %dma_wait3A_208 = tpu.memref_slice %arg6[%mul3A_200, %dma_wait3A_207] : memref<8x128xi32, #tpu.memory_space<vmem>> -> memref<1x128xi32, #tpu.memory_space<vmem>>
      %dma_wait3A_209 = tpu.memref_squeeze %dma_wait3A_208 : memref<1x128xi32, #tpu.memory_space<vmem>> -> memref<128xi32, #tpu.memory_space<vmem>>
      %dma_wait3A_210 = arith.constant 0 : i32
      %dma_wait3A_211 = arith.constant 0 : i32
      %dma_wait3A_212 = tpu.memref_slice %arg2[%dma_wait3A_210, %dma_wait3A_211] : memref<10000x128xf32, #tpu.memory_space<hbm>> -> memref<10000x128xf32, #tpu.memory_space<hbm>>
      tpu.wait_indirect_dma semaphore(%arg10 : memref<!tpu.dma_semaphore, #tpu.memory_space<semaphore_mem>>) src(%dma_wait3A_212 : memref<10000x128xf32, #tpu.memory_space<hbm>>) dst(%dma_wait3A_206 : memref<128x128xf32, #tpu.memory_space<vmem>>)
      %dma_start3A_213 = arith.constant 1 : i32
      %dma_start3A_214 = arith.constant 0 : i32
      %dma_start3A_215 = arith.constant 0 : i32
      %dma_start3A_216 = tpu.memref_slice %arg8[%dma_start3A_213, %dma_start3A_214, %dma_start3A_215] : memref<2x128x128xf32, #tpu.memory_space<vmem>> -> memref<1x128x128xf32, #tpu.memory_space<vmem>>
      %dma_start3A_217 = tpu.memref_squeeze %dma_start3A_216 : memref<1x128x128xf32, #tpu.memory_space<vmem>> -> memref<128x128xf32, #tpu.memory_space<vmem>>
      %dma_start3A_218 = arith.constant 0 : i32
      %dma_start3A_219 = tpu.memref_slice %arg6[%add3A_202, %dma_start3A_218] : memref<8x128xi32, #tpu.memory_space<vmem>> -> memref<1x128xi32, #tpu.memory_space<vmem>>
      %dma_start3A_220 = tpu.memref_squeeze %dma_start3A_219 : memref<1x128xi32, #tpu.memory_space<vmem>> -> memref<128xi32, #tpu.memory_space<vmem>>
      %dma_start3A_221 = arith.constant 0 : i32
      %dma_start3A_222 = arith.constant 0 : i32
      %dma_start3A_223 = tpu.memref_slice %arg2[%dma_start3A_221, %dma_start3A_222] : memref<10000x128xf32, #tpu.memory_space<hbm>> -> memref<10000x128xf32, #tpu.memory_space<hbm>>
      tpu.enqueue_indirect_dma source(%dma_start3A_223 : memref<10000x128xf32, #tpu.memory_space<hbm>>) target(%dma_start3A_217 : memref<128x128xf32, #tpu.memory_space<vmem>>) offsets(%dma_start3A_220 : memref<128xi32, #tpu.memory_space<vmem>>) semaphore(%arg11 : memref<!tpu.dma_semaphore, #tpu.memory_space<semaphore_mem>>)
      %dma_start3A_224 = arith.constant 0 : i32
      %dma_start3A_225 = arith.constant 0 : i32
      %dma_start3A_226 = arith.constant 0 : i32
      %dma_start3A_227 = tpu.memref_slice %arg8[%dma_start3A_224, %dma_start3A_225, %dma_start3A_226] : memref<2x128x128xf32, #tpu.memory_space<vmem>> -> memref<1x128x128xf32, #tpu.memory_space<vmem>>
      %dma_start3A_228 = tpu.memref_squeeze %dma_start3A_227 : memref<1x128x128xf32, #tpu.memory_space<vmem>> -> memref<128x128xf32, #tpu.memory_space<vmem>>
      %dma_start3A_229 = arith.constant 0 : i32
      %dma_start3A_230 = tpu.memref_slice %arg7[%mul3A_200, %dma_start3A_229] : memref<8x128xi32, #tpu.memory_space<vmem>> -> memref<1x128xi32, #tpu.memory_space<vmem>>
      %dma_start3A_231 = tpu.memref_squeeze %dma_start3A_230 : memref<1x128xi32, #tpu.memory_space<vmem>> -> memref<128xi32, #tpu.memory_space<vmem>>
      %dma_start3A_232 = arith.constant 0 : i32
      %dma_start3A_233 = arith.constant 0 : i32
      %dma_start3A_234 = tpu.memref_slice %arg9[%dma_start3A_232, %dma_start3A_233] : memref<10240x128xf32, #tpu.memory_space<vmem_shared>> -> memref<10240x128xf32, #tpu.memory_space<vmem_shared>>
      tpu.enqueue_indirect_dma source(%dma_start3A_228 : memref<128x128xf32, #tpu.memory_space<vmem>>) target(%dma_start3A_234 : memref<10240x128xf32, #tpu.memory_space<vmem_shared>>) offsets(%dma_start3A_231 : memref<128xi32, #tpu.memory_space<vmem>>) semaphore(%arg12 : memref<!tpu.dma_semaphore, #tpu.memory_space<semaphore_mem>>) {add = true}
      %dma_wait3A_235 = arith.constant 1 : i32
      %dma_wait3A_236 = arith.constant 0 : i32
      %dma_wait3A_237 = arith.constant 0 : i32
      %dma_wait3A_238 = tpu.memref_slice %arg8[%dma_wait3A_235, %dma_wait3A_236, %dma_wait3A_237] : memref<2x128x128xf32, #tpu.memory_space<vmem>> -> memref<1x128x128xf32, #tpu.memory_space<vmem>>
      %dma_wait3A_239 = tpu.memref_squeeze %dma_wait3A_238 : memref<1x128x128xf32, #tpu.memory_space<vmem>> -> memref<128x128xf32, #tpu.memory_space<vmem>>
      %dma_wait3A_240 = arith.constant 0 : i32
      %dma_wait3A_241 = tpu.memref_slice %arg6[%add3A_202, %dma_wait3A_240] : memref<8x128xi32, #tpu.memory_space<vmem>> -> memref<1x128xi32, #tpu.memory_space<vmem>>
      %dma_wait3A_242 = tpu.memref_squeeze %dma_wait3A_241 : memref<1x128xi32, #tpu.memory_space<vmem>> -> memref<128xi32, #tpu.memory_space<vmem>>
      %dma_wait3A_243 = arith.constant 0 : i32
      %dma_wait3A_244 = arith.constant 0 : i32
      %dma_wait3A_245 = tpu.memref_slice %arg2[%dma_wait3A_243, %dma_wait3A_244] : memref<10000x128xf32, #tpu.memory_space<hbm>> -> memref<10000x128xf32, #tpu.memory_space<hbm>>
      tpu.wait_indirect_dma semaphore(%arg11 : memref<!tpu.dma_semaphore, #tpu.memory_space<semaphore_mem>>) src(%dma_wait3A_245 : memref<10000x128xf32, #tpu.memory_space<hbm>>) dst(%dma_wait3A_239 : memref<128x128xf32, #tpu.memory_space<vmem>>)
      %dma_wait3A_246 = arith.constant 0 : i32
      %dma_wait3A_247 = arith.constant 0 : i32
      %dma_wait3A_248 = arith.constant 0 : i32
      %dma_wait3A_249 = tpu.memref_slice %arg8[%dma_wait3A_246, %dma_wait3A_247, %dma_wait3A_248] : memref<2x128x128xf32, #tpu.memory_space<vmem>> -> memref<1x128x128xf32, #tpu.memory_space<vmem>>
      %dma_wait3A_250 = tpu.memref_squeeze %dma_wait3A_249 : memref<1x128x128xf32, #tpu.memory_space<vmem>> -> memref<128x128xf32, #tpu.memory_space<vmem>>
      %dma_wait3A_251 = arith.constant 0 : i32
      %dma_wait3A_252 = tpu.memref_slice %arg7[%mul3A_200, %dma_wait3A_251] : memref<8x128xi32, #tpu.memory_space<vmem>> -> memref<1x128xi32, #tpu.memory_space<vmem>>
      %dma_wait3A_253 = tpu.memref_squeeze %dma_wait3A_252 : memref<1x128xi32, #tpu.memory_space<vmem>> -> memref<128xi32, #tpu.memory_space<vmem>>
      %dma_wait3A_254 = arith.constant 0 : i32
      %dma_wait3A_255 = arith.constant 0 : i32
      %dma_wait3A_256 = tpu.memref_slice %arg9[%dma_wait3A_254, %dma_wait3A_255] : memref<10240x128xf32, #tpu.memory_space<vmem_shared>> -> memref<10240x128xf32, #tpu.memory_space<vmem_shared>>
      tpu.wait_indirect_dma semaphore(%arg12 : memref<!tpu.dma_semaphore, #tpu.memory_space<semaphore_mem>>) src(%dma_wait3A_250 : memref<128x128xf32, #tpu.memory_space<vmem>>) dst(%dma_wait3A_256 : memref<10240x128xf32, #tpu.memory_space<vmem_shared>>)
      %lt3A = arith.constant 3 : i32
      %lt3A_257 = arith.cmpi slt, %scan3A_198, %lt3A : i32
      %convert_element_type3A = arith.extui %lt3A_257 : i1 to i32
      %cond3A = arith.constant 0 : i32
      %cond3A_258 = arith.cmpi ne, %convert_element_type3A, %cond3A : i32
      scf.if %cond3A_258 {
        %add3A_281 = arith.constant 2 : i32
        %add3A_282 = arith.addi %mul3A_200, %add3A_281 : i32
        %dma_start3A_283 = arith.constant 0 : i32
        %dma_start3A_284 = arith.constant 0 : i32
        %dma_start3A_285 = arith.constant 0 : i32
        %dma_start3A_286 = tpu.memref_slice %arg8[%dma_start3A_283, %dma_start3A_284, %dma_start3A_285] : memref<2x128x128xf32, #tpu.memory_space<vmem>> -> memref<1x128x128xf32, #tpu.memory_space<vmem>>
        %dma_start3A_287 = tpu.memref_squeeze %dma_start3A_286 : memref<1x128x128xf32, #tpu.memory_space<vmem>> -> memref<128x128xf32, #tpu.memory_space<vmem>>
        %dma_start3A_288 = arith.constant 0 : i32
        %dma_start3A_289 = tpu.memref_slice %arg6[%add3A_282, %dma_start3A_288] : memref<8x128xi32, #tpu.memory_space<vmem>> -> memref<1x128xi32, #tpu.memory_space<vmem>>
        %dma_start3A_290 = tpu.memref_squeeze %dma_start3A_289 : memref<1x128xi32, #tpu.memory_space<vmem>> -> memref<128xi32, #tpu.memory_space<vmem>>
        %dma_start3A_291 = arith.constant 0 : i32
        %dma_start3A_292 = arith.constant 0 : i32
        %dma_start3A_293 = tpu.memref_slice %arg2[%dma_start3A_291, %dma_start3A_292] : memref<10000x128xf32, #tpu.memory_space<hbm>> -> memref<10000x128xf32, #tpu.memory_space<hbm>>
        tpu.enqueue_indirect_dma source(%dma_start3A_293 : memref<10000x128xf32, #tpu.memory_space<hbm>>) target(%dma_start3A_287 : memref<128x128xf32, #tpu.memory_space<vmem>>) offsets(%dma_start3A_290 : memref<128xi32, #tpu.memory_space<vmem>>) semaphore(%arg10 : memref<!tpu.dma_semaphore, #tpu.memory_space<semaphore_mem>>)
      } else {
      }
      %dma_start3A_259 = arith.constant 1 : i32
      %dma_start3A_260 = arith.constant 0 : i32
      %dma_start3A_261 = arith.constant 0 : i32
      %dma_start3A_262 = tpu.memref_slice %arg8[%dma_start3A_259, %dma_start3A_260, %dma_start3A_261] : memref<2x128x128xf32, #tpu.memory_space<vmem>> -> memref<1x128x128xf32, #tpu.memory_space<vmem>>
      %dma_start3A_263 = tpu.memref_squeeze %dma_start3A_262 : memref<1x128x128xf32, #tpu.memory_space<vmem>> -> memref<128x128xf32, #tpu.memory_space<vmem>>
      %dma_start3A_264 = arith.constant 0 : i32
      %dma_start3A_265 = tpu.memref_slice %arg7[%add3A_202, %dma_start3A_264] : memref<8x128xi32, #tpu.memory_space<vmem>> -> memref<1x128xi32, #tpu.memory_space<vmem>>
      %dma_start3A_266 = tpu.memref_squeeze %dma_start3A_265 : memref<1x128xi32, #tpu.memory_space<vmem>> -> memref<128xi32, #tpu.memory_space<vmem>>
      %dma_start3A_267 = arith.constant 0 : i32
      %dma_start3A_268 = arith.constant 0 : i32
      %dma_start3A_269 = tpu.memref_slice %arg9[%dma_start3A_267, %dma_start3A_268] : memref<10240x128xf32, #tpu.memory_space<vmem_shared>> -> memref<10240x128xf32, #tpu.memory_space<vmem_shared>>
      tpu.enqueue_indirect_dma source(%dma_start3A_263 : memref<128x128xf32, #tpu.memory_space<vmem>>) target(%dma_start3A_269 : memref<10240x128xf32, #tpu.memory_space<vmem_shared>>) offsets(%dma_start3A_266 : memref<128xi32, #tpu.memory_space<vmem>>) semaphore(%arg13 : memref<!tpu.dma_semaphore, #tpu.memory_space<semaphore_mem>>) {add = true}
      %dma_wait3A_270 = arith.constant 1 : i32
      %dma_wait3A_271 = arith.constant 0 : i32
      %dma_wait3A_272 = arith.constant 0 : i32
      %dma_wait3A_273 = tpu.memref_slice %arg8[%dma_wait3A_270, %dma_wait3A_271, %dma_wait3A_272] : memref<2x128x128xf32, #tpu.memory_space<vmem>> -> memref<1x128x128xf32, #tpu.memory_space<vmem>>
      %dma_wait3A_274 = tpu.memref_squeeze %dma_wait3A_273 : memref<1x128x128xf32, #tpu.memory_space<vmem>> -> memref<128x128xf32, #tpu.memory_space<vmem>>
      %dma_wait3A_275 = arith.constant 0 : i32
      %dma_wait3A_276 = tpu.memref_slice %arg7[%add3A_202, %dma_wait3A_275] : memref<8x128xi32, #tpu.memory_space<vmem>> -> memref<1x128xi32, #tpu.memory_space<vmem>>
      %dma_wait3A_277 = tpu.memref_squeeze %dma_wait3A_276 : memref<1x128xi32, #tpu.memory_space<vmem>> -> memref<128xi32, #tpu.memory_space<vmem>>
      %dma_wait3A_278 = arith.constant 0 : i32
      %dma_wait3A_279 = arith.constant 0 : i32
      %dma_wait3A_280 = tpu.memref_slice %arg9[%dma_wait3A_278, %dma_wait3A_279] : memref<10240x128xf32, #tpu.memory_space<vmem_shared>> -> memref<10240x128xf32, #tpu.memory_space<vmem_shared>>
      tpu.wait_indirect_dma semaphore(%arg13 : memref<!tpu.dma_semaphore, #tpu.memory_space<semaphore_mem>>) src(%dma_wait3A_274 : memref<128x128xf32, #tpu.memory_space<vmem>>) dst(%dma_wait3A_280 : memref<10240x128xf32, #tpu.memory_space<vmem_shared>>)
    }
    %scan3A_100 = arith.constant 4 : i32
    "tpu.region"() ({
      %run_scoped3A = tpu.sem_alloc : memref<!tpu.dma_semaphore, #tpu.memory_space<semaphore_mem>>
      %dma_start3A_198 = arith.constant 40 : i32
      %dma_start3A_199 = arith.constant 0 : i32
      %dma_start3A_200 = tpu.memref_slice %arg3[%add3A, %dma_start3A_198, %dma_start3A_199] : memref<32x80x128xi32, #tpu.memory_space<hbm>> -> memref<1x8x128xi32, #tpu.memory_space<hbm>>
      %dma_start3A_201 = tpu.memref_squeeze %dma_start3A_200 : memref<1x8x128xi32, #tpu.memory_space<hbm>> -> memref<8x128xi32, #tpu.memory_space<hbm>>
      %dma_start3A_202 = arith.constant 40 : i32
      %dma_start3A_203 = arith.constant 0 : i32
      %dma_start3A_204 = tpu.memref_slice %arg3[%add3A, %dma_start3A_202, %dma_start3A_203] : memref<32x80x128xi32, #tpu.memory_space<hbm>> -> memref<1x8x128xi32, #tpu.memory_space<hbm>>
      %dma_start3A_205 = tpu.memref_squeeze %dma_start3A_204 : memref<1x8x128xi32, #tpu.memory_space<hbm>> -> memref<8x128xi32, #tpu.memory_space<hbm>>
      tpu.enqueue_dma source(%dma_start3A_205 : memref<8x128xi32, #tpu.memory_space<hbm>>) target(%arg6 : memref<8x128xi32, #tpu.memory_space<vmem>>) target_semaphore(%run_scoped3A : memref<!tpu.dma_semaphore, #tpu.memory_space<semaphore_mem>>)
      %dma_wait3A = arith.constant 40 : i32
      %dma_wait3A_206 = arith.constant 0 : i32
      %dma_wait3A_207 = tpu.memref_slice %arg3[%add3A, %dma_wait3A, %dma_wait3A_206] : memref<32x80x128xi32, #tpu.memory_space<hbm>> -> memref<1x8x128xi32, #tpu.memory_space<hbm>>
      %dma_wait3A_208 = tpu.memref_squeeze %dma_wait3A_207 : memref<1x8x128xi32, #tpu.memory_space<hbm>> -> memref<8x128xi32, #tpu.memory_space<hbm>>
      %dma_wait3A_209 = arith.constant 40 : i32
      %dma_wait3A_210 = arith.constant 0 : i32
      %dma_wait3A_211 = tpu.memref_slice %arg3[%add3A, %dma_wait3A_209, %dma_wait3A_210] : memref<32x80x128xi32, #tpu.memory_space<hbm>> -> memref<1x8x128xi32, #tpu.memory_space<hbm>>
      %dma_wait3A_212 = tpu.memref_squeeze %dma_wait3A_211 : memref<1x8x128xi32, #tpu.memory_space<hbm>> -> memref<8x128xi32, #tpu.memory_space<hbm>>
      tpu.wait_dma2 semaphore(%run_scoped3A : memref<!tpu.dma_semaphore, #tpu.memory_space<semaphore_mem>>) src(%dma_wait3A_212 : memref<8x128xi32, #tpu.memory_space<hbm>>) dst(%arg6 : memref<8x128xi32, #tpu.memory_space<vmem>>)
      tpu.yield
    }) : () -> ()
    "tpu.region"() ({
      %run_scoped3A = tpu.sem_alloc : memref<!tpu.dma_semaphore, #tpu.memory_space<semaphore_mem>>
      %dma_start3A_198 = arith.constant 40 : i32
      %dma_start3A_199 = arith.constant 0 : i32
      %dma_start3A_200 = tpu.memref_slice %arg4[%add3A, %dma_start3A_198, %dma_start3A_199] : memref<32x80x128xi32, #tpu.memory_space<hbm>> -> memref<1x8x128xi32, #tpu.memory_space<hbm>>
      %dma_start3A_201 = tpu.memref_squeeze %dma_start3A_200 : memref<1x8x128xi32, #tpu.memory_space<hbm>> -> memref<8x128xi32, #tpu.memory_space<hbm>>
      %dma_start3A_202 = arith.constant 40 : i32
      %dma_start3A_203 = arith.constant 0 : i32
      %dma_start3A_204 = tpu.memref_slice %arg4[%add3A, %dma_start3A_202, %dma_start3A_203] : memref<32x80x128xi32, #tpu.memory_space<hbm>> -> memref<1x8x128xi32, #tpu.memory_space<hbm>>
      %dma_start3A_205 = tpu.memref_squeeze %dma_start3A_204 : memref<1x8x128xi32, #tpu.memory_space<hbm>> -> memref<8x128xi32, #tpu.memory_space<hbm>>
      tpu.enqueue_dma source(%dma_start3A_205 : memref<8x128xi32, #tpu.memory_space<hbm>>) target(%arg7 : memref<8x128xi32, #tpu.memory_space<vmem>>) target_semaphore(%run_scoped3A : memref<!tpu.dma_semaphore, #tpu.memory_space<semaphore_mem>>)
      %dma_wait3A = arith.constant 40 : i32
      %dma_wait3A_206 = arith.constant 0 : i32
      %dma_wait3A_207 = tpu.memref_slice %arg4[%add3A, %dma_wait3A, %dma_wait3A_206] : memref<32x80x128xi32, #tpu.memory_space<hbm>> -> memref<1x8x128xi32, #tpu.memory_space<hbm>>
      %dma_wait3A_208 = tpu.memref_squeeze %dma_wait3A_207 : memref<1x8x128xi32, #tpu.memory_space<hbm>> -> memref<8x128xi32, #tpu.memory_space<hbm>>
      %dma_wait3A_209 = arith.constant 40 : i32
      %dma_wait3A_210 = arith.constant 0 : i32
      %dma_wait3A_211 = tpu.memref_slice %arg4[%add3A, %dma_wait3A_209, %dma_wait3A_210] : memref<32x80x128xi32, #tpu.memory_space<hbm>> -> memref<1x8x128xi32, #tpu.memory_space<hbm>>
      %dma_wait3A_212 = tpu.memref_squeeze %dma_wait3A_211 : memref<1x8x128xi32, #tpu.memory_space<hbm>> -> memref<8x128xi32, #tpu.memory_space<hbm>>
      tpu.wait_dma2 semaphore(%run_scoped3A : memref<!tpu.dma_semaphore, #tpu.memory_space<semaphore_mem>>) src(%dma_wait3A_212 : memref<8x128xi32, #tpu.memory_space<hbm>>) dst(%arg7 : memref<8x128xi32, #tpu.memory_space<vmem>>)
      tpu.yield
    }) : () -> ()
    %dma_start3A_101 = arith.constant 0 : i32
    %dma_start3A_102 = arith.constant 0 : i32
    %dma_start3A_103 = arith.constant 0 : i32
    %dma_start3A_104 = arith.constant 0 : i32
    %dma_start3A_105 = tpu.memref_slice %arg8[%dma_start3A_102, %dma_start3A_103, %dma_start3A_104] : memref<2x128x128xf32, #tpu.memory_space<vmem>> -> memref<1x128x128xf32, #tpu.memory_space<vmem>>
    %dma_start3A_106 = tpu.memref_squeeze %dma_start3A_105 : memref<1x128x128xf32, #tpu.memory_space<vmem>> -> memref<128x128xf32, #tpu.memory_space<vmem>>
    %dma_start3A_107 = arith.constant 0 : i32
    %dma_start3A_108 = tpu.memref_slice %arg6[%dma_start3A_101, %dma_start3A_107] : memref<8x128xi32, #tpu.memory_space<vmem>> -> memref<1x128xi32, #tpu.memory_space<vmem>>
    %dma_start3A_109 = tpu.memref_squeeze %dma_start3A_108 : memref<1x128xi32, #tpu.memory_space<vmem>> -> memref<128xi32, #tpu.memory_space<vmem>>
    %dma_start3A_110 = arith.constant 0 : i32
    %dma_start3A_111 = arith.constant 0 : i32
    %dma_start3A_112 = tpu.memref_slice %arg2[%dma_start3A_110, %dma_start3A_111] : memref<10000x128xf32, #tpu.memory_space<hbm>> -> memref<10000x128xf32, #tpu.memory_space<hbm>>
    tpu.enqueue_indirect_dma source(%dma_start3A_112 : memref<10000x128xf32, #tpu.memory_space<hbm>>) target(%dma_start3A_106 : memref<128x128xf32, #tpu.memory_space<vmem>>) offsets(%dma_start3A_109 : memref<128xi32, #tpu.memory_space<vmem>>) semaphore(%arg10 : memref<!tpu.dma_semaphore, #tpu.memory_space<semaphore_mem>>)
    %scan3A_113 = arith.constant 0 : i32
    %scan3A_114 = arith.constant 0 : i32
    %scan3A_115 = arith.constant 4 : i32
    %scan3A_116 = arith.addi %scan3A_114, %scan3A_115 : i32
    %scan3A_117 = arith.constant 1 : i32
    scf.for %scan3A_198 = %scan3A_114 to %scan3A_116 step %scan3A_117  : i32 {
      %mul3A_199 = arith.constant 2 : i32
      %mul3A_200 = arith.muli %scan3A_198, %mul3A_199 : i32
      %add3A_201 = arith.constant 1 : i32
      %add3A_202 = arith.addi %mul3A_200, %add3A_201 : i32
      %dma_wait3A = arith.constant 0 : i32
      %dma_wait3A_203 = arith.constant 0 : i32
      %dma_wait3A_204 = arith.constant 0 : i32
      %dma_wait3A_205 = tpu.memref_slice %arg8[%dma_wait3A, %dma_wait3A_203, %dma_wait3A_204] : memref<2x128x128xf32, #tpu.memory_space<vmem>> -> memref<1x128x128xf32, #tpu.memory_space<vmem>>
      %dma_wait3A_206 = tpu.memref_squeeze %dma_wait3A_205 : memref<1x128x128xf32, #tpu.memory_space<vmem>> -> memref<128x128xf32, #tpu.memory_space<vmem>>
      %dma_wait3A_207 = arith.constant 0 : i32
      %dma_wait3A_208 = tpu.memref_slice %arg6[%mul3A_200, %dma_wait3A_207] : memref<8x128xi32, #tpu.memory_space<vmem>> -> memref<1x128xi32, #tpu.memory_space<vmem>>
      %dma_wait3A_209 = tpu.memref_squeeze %dma_wait3A_208 : memref<1x128xi32, #tpu.memory_space<vmem>> -> memref<128xi32, #tpu.memory_space<vmem>>
      %dma_wait3A_210 = arith.constant 0 : i32
      %dma_wait3A_211 = arith.constant 0 : i32
      %dma_wait3A_212 = tpu.memref_slice %arg2[%dma_wait3A_210, %dma_wait3A_211] : memref<10000x128xf32, #tpu.memory_space<hbm>> -> memref<10000x128xf32, #tpu.memory_space<hbm>>
      tpu.wait_indirect_dma semaphore(%arg10 : memref<!tpu.dma_semaphore, #tpu.memory_space<semaphore_mem>>) src(%dma_wait3A_212 : memref<10000x128xf32, #tpu.memory_space<hbm>>) dst(%dma_wait3A_206 : memref<128x128xf32, #tpu.memory_space<vmem>>)
      %dma_start3A_213 = arith.constant 1 : i32
      %dma_start3A_214 = arith.constant 0 : i32
      %dma_start3A_215 = arith.constant 0 : i32
      %dma_start3A_216 = tpu.memref_slice %arg8[%dma_start3A_213, %dma_start3A_214, %dma_start3A_215] : memref<2x128x128xf32, #tpu.memory_space<vmem>> -> memref<1x128x128xf32, #tpu.memory_space<vmem>>
      %dma_start3A_217 = tpu.memref_squeeze %dma_start3A_216 : memref<1x128x128xf32, #tpu.memory_space<vmem>> -> memref<128x128xf32, #tpu.memory_space<vmem>>
      %dma_start3A_218 = arith.constant 0 : i32
      %dma_start3A_219 = tpu.memref_slice %arg6[%add3A_202, %dma_start3A_218] : memref<8x128xi32, #tpu.memory_space<vmem>> -> memref<1x128xi32, #tpu.memory_space<vmem>>
      %dma_start3A_220 = tpu.memref_squeeze %dma_start3A_219 : memref<1x128xi32, #tpu.memory_space<vmem>> -> memref<128xi32, #tpu.memory_space<vmem>>
      %dma_start3A_221 = arith.constant 0 : i32
      %dma_start3A_222 = arith.constant 0 : i32
      %dma_start3A_223 = tpu.memref_slice %arg2[%dma_start3A_221, %dma_start3A_222] : memref<10000x128xf32, #tpu.memory_space<hbm>> -> memref<10000x128xf32, #tpu.memory_space<hbm>>
      tpu.enqueue_indirect_dma source(%dma_start3A_223 : memref<10000x128xf32, #tpu.memory_space<hbm>>) target(%dma_start3A_217 : memref<128x128xf32, #tpu.memory_space<vmem>>) offsets(%dma_start3A_220 : memref<128xi32, #tpu.memory_space<vmem>>) semaphore(%arg11 : memref<!tpu.dma_semaphore, #tpu.memory_space<semaphore_mem>>)
      %dma_start3A_224 = arith.constant 0 : i32
      %dma_start3A_225 = arith.constant 0 : i32
      %dma_start3A_226 = arith.constant 0 : i32
      %dma_start3A_227 = tpu.memref_slice %arg8[%dma_start3A_224, %dma_start3A_225, %dma_start3A_226] : memref<2x128x128xf32, #tpu.memory_space<vmem>> -> memref<1x128x128xf32, #tpu.memory_space<vmem>>
      %dma_start3A_228 = tpu.memref_squeeze %dma_start3A_227 : memref<1x128x128xf32, #tpu.memory_space<vmem>> -> memref<128x128xf32, #tpu.memory_space<vmem>>
      %dma_start3A_229 = arith.constant 0 : i32
      %dma_start3A_230 = tpu.memref_slice %arg7[%mul3A_200, %dma_start3A_229] : memref<8x128xi32, #tpu.memory_space<vmem>> -> memref<1x128xi32, #tpu.memory_space<vmem>>
      %dma_start3A_231 = tpu.memref_squeeze %dma_start3A_230 : memref<1x128xi32, #tpu.memory_space<vmem>> -> memref<128xi32, #tpu.memory_space<vmem>>
      %dma_start3A_232 = arith.constant 0 : i32
      %dma_start3A_233 = arith.constant 0 : i32
      %dma_start3A_234 = tpu.memref_slice %arg9[%dma_start3A_232, %dma_start3A_233] : memref<10240x128xf32, #tpu.memory_space<vmem_shared>> -> memref<10240x128xf32, #tpu.memory_space<vmem_shared>>
      tpu.enqueue_indirect_dma source(%dma_start3A_228 : memref<128x128xf32, #tpu.memory_space<vmem>>) target(%dma_start3A_234 : memref<10240x128xf32, #tpu.memory_space<vmem_shared>>) offsets(%dma_start3A_231 : memref<128xi32, #tpu.memory_space<vmem>>) semaphore(%arg12 : memref<!tpu.dma_semaphore, #tpu.memory_space<semaphore_mem>>) {add = true}
      %dma_wait3A_235 = arith.constant 1 : i32
      %dma_wait3A_236 = arith.constant 0 : i32
      %dma_wait3A_237 = arith.constant 0 : i32
      %dma_wait3A_238 = tpu.memref_slice %arg8[%dma_wait3A_235, %dma_wait3A_236, %dma_wait3A_237] : memref<2x128x128xf32, #tpu.memory_space<vmem>> -> memref<1x128x128xf32, #tpu.memory_space<vmem>>
      %dma_wait3A_239 = tpu.memref_squeeze %dma_wait3A_238 : memref<1x128x128xf32, #tpu.memory_space<vmem>> -> memref<128x128xf32, #tpu.memory_space<vmem>>
      %dma_wait3A_240 = arith.constant 0 : i32
      %dma_wait3A_241 = tpu.memref_slice %arg6[%add3A_202, %dma_wait3A_240] : memref<8x128xi32, #tpu.memory_space<vmem>> -> memref<1x128xi32, #tpu.memory_space<vmem>>
      %dma_wait3A_242 = tpu.memref_squeeze %dma_wait3A_241 : memref<1x128xi32, #tpu.memory_space<vmem>> -> memref<128xi32, #tpu.memory_space<vmem>>
      %dma_wait3A_243 = arith.constant 0 : i32
      %dma_wait3A_244 = arith.constant 0 : i32
      %dma_wait3A_245 = tpu.memref_slice %arg2[%dma_wait3A_243, %dma_wait3A_244] : memref<10000x128xf32, #tpu.memory_space<hbm>> -> memref<10000x128xf32, #tpu.memory_space<hbm>>
      tpu.wait_indirect_dma semaphore(%arg11 : memref<!tpu.dma_semaphore, #tpu.memory_space<semaphore_mem>>) src(%dma_wait3A_245 : memref<10000x128xf32, #tpu.memory_space<hbm>>) dst(%dma_wait3A_239 : memref<128x128xf32, #tpu.memory_space<vmem>>)
      %dma_wait3A_246 = arith.constant 0 : i32
      %dma_wait3A_247 = arith.constant 0 : i32
      %dma_wait3A_248 = arith.constant 0 : i32
      %dma_wait3A_249 = tpu.memref_slice %arg8[%dma_wait3A_246, %dma_wait3A_247, %dma_wait3A_248] : memref<2x128x128xf32, #tpu.memory_space<vmem>> -> memref<1x128x128xf32, #tpu.memory_space<vmem>>
      %dma_wait3A_250 = tpu.memref_squeeze %dma_wait3A_249 : memref<1x128x128xf32, #tpu.memory_space<vmem>> -> memref<128x128xf32, #tpu.memory_space<vmem>>
      %dma_wait3A_251 = arith.constant 0 : i32
      %dma_wait3A_252 = tpu.memref_slice %arg7[%mul3A_200, %dma_wait3A_251] : memref<8x128xi32, #tpu.memory_space<vmem>> -> memref<1x128xi32, #tpu.memory_space<vmem>>
      %dma_wait3A_253 = tpu.memref_squeeze %dma_wait3A_252 : memref<1x128xi32, #tpu.memory_space<vmem>> -> memref<128xi32, #tpu.memory_space<vmem>>
      %dma_wait3A_254 = arith.constant 0 : i32
      %dma_wait3A_255 = arith.constant 0 : i32
      %dma_wait3A_256 = tpu.memref_slice %arg9[%dma_wait3A_254, %dma_wait3A_255] : memref<10240x128xf32, #tpu.memory_space<vmem_shared>> -> memref<10240x128xf32, #tpu.memory_space<vmem_shared>>
      tpu.wait_indirect_dma semaphore(%arg12 : memref<!tpu.dma_semaphore, #tpu.memory_space<semaphore_mem>>) src(%dma_wait3A_250 : memref<128x128xf32, #tpu.memory_space<vmem>>) dst(%dma_wait3A_256 : memref<10240x128xf32, #tpu.memory_space<vmem_shared>>)
      %lt3A = arith.constant 3 : i32
      %lt3A_257 = arith.cmpi slt, %scan3A_198, %lt3A : i32
      %convert_element_type3A = arith.extui %lt3A_257 : i1 to i32
      %cond3A = arith.constant 0 : i32
      %cond3A_258 = arith.cmpi ne, %convert_element_type3A, %cond3A : i32
      scf.if %cond3A_258 {
        %add3A_281 = arith.constant 2 : i32
        %add3A_282 = arith.addi %mul3A_200, %add3A_281 : i32
        %dma_start3A_283 = arith.constant 0 : i32
        %dma_start3A_284 = arith.constant 0 : i32
        %dma_start3A_285 = arith.constant 0 : i32
        %dma_start3A_286 = tpu.memref_slice %arg8[%dma_start3A_283, %dma_start3A_284, %dma_start3A_285] : memref<2x128x128xf32, #tpu.memory_space<vmem>> -> memref<1x128x128xf32, #tpu.memory_space<vmem>>
        %dma_start3A_287 = tpu.memref_squeeze %dma_start3A_286 : memref<1x128x128xf32, #tpu.memory_space<vmem>> -> memref<128x128xf32, #tpu.memory_space<vmem>>
        %dma_start3A_288 = arith.constant 0 : i32
        %dma_start3A_289 = tpu.memref_slice %arg6[%add3A_282, %dma_start3A_288] : memref<8x128xi32, #tpu.memory_space<vmem>> -> memref<1x128xi32, #tpu.memory_space<vmem>>
        %dma_start3A_290 = tpu.memref_squeeze %dma_start3A_289 : memref<1x128xi32, #tpu.memory_space<vmem>> -> memref<128xi32, #tpu.memory_space<vmem>>
        %dma_start3A_291 = arith.constant 0 : i32
        %dma_start3A_292 = arith.constant 0 : i32
        %dma_start3A_293 = tpu.memref_slice %arg2[%dma_start3A_291, %dma_start3A_292] : memref<10000x128xf32, #tpu.memory_space<hbm>> -> memref<10000x128xf32, #tpu.memory_space<hbm>>
        tpu.enqueue_indirect_dma source(%dma_start3A_293 : memref<10000x128xf32, #tpu.memory_space<hbm>>) target(%dma_start3A_287 : memref<128x128xf32, #tpu.memory_space<vmem>>) offsets(%dma_start3A_290 : memref<128xi32, #tpu.memory_space<vmem>>) semaphore(%arg10 : memref<!tpu.dma_semaphore, #tpu.memory_space<semaphore_mem>>)
      } else {
      }
      %dma_start3A_259 = arith.constant 1 : i32
      %dma_start3A_260 = arith.constant 0 : i32
      %dma_start3A_261 = arith.constant 0 : i32
      %dma_start3A_262 = tpu.memref_slice %arg8[%dma_start3A_259, %dma_start3A_260, %dma_start3A_261] : memref<2x128x128xf32, #tpu.memory_space<vmem>> -> memref<1x128x128xf32, #tpu.memory_space<vmem>>
      %dma_start3A_263 = tpu.memref_squeeze %dma_start3A_262 : memref<1x128x128xf32, #tpu.memory_space<vmem>> -> memref<128x128xf32, #tpu.memory_space<vmem>>
      %dma_start3A_264 = arith.constant 0 : i32
      %dma_start3A_265 = tpu.memref_slice %arg7[%add3A_202, %dma_start3A_264] : memref<8x128xi32, #tpu.memory_space<vmem>> -> memref<1x128xi32, #tpu.memory_space<vmem>>
      %dma_start3A_266 = tpu.memref_squeeze %dma_start3A_265 : memref<1x128xi32, #tpu.memory_space<vmem>> -> memref<128xi32, #tpu.memory_space<vmem>>
      %dma_start3A_267 = arith.constant 0 : i32
      %dma_start3A_268 = arith.constant 0 : i32
      %dma_start3A_269 = tpu.memref_slice %arg9[%dma_start3A_267, %dma_start3A_268] : memref<10240x128xf32, #tpu.memory_space<vmem_shared>> -> memref<10240x128xf32, #tpu.memory_space<vmem_shared>>
      tpu.enqueue_indirect_dma source(%dma_start3A_263 : memref<128x128xf32, #tpu.memory_space<vmem>>) target(%dma_start3A_269 : memref<10240x128xf32, #tpu.memory_space<vmem_shared>>) offsets(%dma_start3A_266 : memref<128xi32, #tpu.memory_space<vmem>>) semaphore(%arg13 : memref<!tpu.dma_semaphore, #tpu.memory_space<semaphore_mem>>) {add = true}
      %dma_wait3A_270 = arith.constant 1 : i32
      %dma_wait3A_271 = arith.constant 0 : i32
      %dma_wait3A_272 = arith.constant 0 : i32
      %dma_wait3A_273 = tpu.memref_slice %arg8[%dma_wait3A_270, %dma_wait3A_271, %dma_wait3A_272] : memref<2x128x128xf32, #tpu.memory_space<vmem>> -> memref<1x128x128xf32, #tpu.memory_space<vmem>>
      %dma_wait3A_274 = tpu.memref_squeeze %dma_wait3A_273 : memref<1x128x128xf32, #tpu.memory_space<vmem>> -> memref<128x128xf32, #tpu.memory_space<vmem>>
      %dma_wait3A_275 = arith.constant 0 : i32
      %dma_wait3A_276 = tpu.memref_slice %arg7[%add3A_202, %dma_wait3A_275] : memref<8x128xi32, #tpu.memory_space<vmem>> -> memref<1x128xi32, #tpu.memory_space<vmem>>
      %dma_wait3A_277 = tpu.memref_squeeze %dma_wait3A_276 : memref<1x128xi32, #tpu.memory_space<vmem>> -> memref<128xi32, #tpu.memory_space<vmem>>
      %dma_wait3A_278 = arith.constant 0 : i32
      %dma_wait3A_279 = arith.constant 0 : i32
      %dma_wait3A_280 = tpu.memref_slice %arg9[%dma_wait3A_278, %dma_wait3A_279] : memref<10240x128xf32, #tpu.memory_space<vmem_shared>> -> memref<10240x128xf32, #tpu.memory_space<vmem_shared>>
      tpu.wait_indirect_dma semaphore(%arg13 : memref<!tpu.dma_semaphore, #tpu.memory_space<semaphore_mem>>) src(%dma_wait3A_274 : memref<128x128xf32, #tpu.memory_space<vmem>>) dst(%dma_wait3A_280 : memref<10240x128xf32, #tpu.memory_space<vmem_shared>>)
    }
    %scan3A_118 = arith.constant 4 : i32
    "tpu.region"() ({
      %run_scoped3A = tpu.sem_alloc : memref<!tpu.dma_semaphore, #tpu.memory_space<semaphore_mem>>
      %dma_start3A_198 = arith.constant 48 : i32
      %dma_start3A_199 = arith.constant 0 : i32
      %dma_start3A_200 = tpu.memref_slice %arg3[%add3A, %dma_start3A_198, %dma_start3A_199] : memref<32x80x128xi32, #tpu.memory_space<hbm>> -> memref<1x8x128xi32, #tpu.memory_space<hbm>>
      %dma_start3A_201 = tpu.memref_squeeze %dma_start3A_200 : memref<1x8x128xi32, #tpu.memory_space<hbm>> -> memref<8x128xi32, #tpu.memory_space<hbm>>
      %dma_start3A_202 = arith.constant 48 : i32
      %dma_start3A_203 = arith.constant 0 : i32
      %dma_start3A_204 = tpu.memref_slice %arg3[%add3A, %dma_start3A_202, %dma_start3A_203] : memref<32x80x128xi32, #tpu.memory_space<hbm>> -> memref<1x8x128xi32, #tpu.memory_space<hbm>>
      %dma_start3A_205 = tpu.memref_squeeze %dma_start3A_204 : memref<1x8x128xi32, #tpu.memory_space<hbm>> -> memref<8x128xi32, #tpu.memory_space<hbm>>
      tpu.enqueue_dma source(%dma_start3A_205 : memref<8x128xi32, #tpu.memory_space<hbm>>) target(%arg6 : memref<8x128xi32, #tpu.memory_space<vmem>>) target_semaphore(%run_scoped3A : memref<!tpu.dma_semaphore, #tpu.memory_space<semaphore_mem>>)
      %dma_wait3A = arith.constant 48 : i32
      %dma_wait3A_206 = arith.constant 0 : i32
      %dma_wait3A_207 = tpu.memref_slice %arg3[%add3A, %dma_wait3A, %dma_wait3A_206] : memref<32x80x128xi32, #tpu.memory_space<hbm>> -> memref<1x8x128xi32, #tpu.memory_space<hbm>>
      %dma_wait3A_208 = tpu.memref_squeeze %dma_wait3A_207 : memref<1x8x128xi32, #tpu.memory_space<hbm>> -> memref<8x128xi32, #tpu.memory_space<hbm>>
      %dma_wait3A_209 = arith.constant 48 : i32
      %dma_wait3A_210 = arith.constant 0 : i32
      %dma_wait3A_211 = tpu.memref_slice %arg3[%add3A, %dma_wait3A_209, %dma_wait3A_210] : memref<32x80x128xi32, #tpu.memory_space<hbm>> -> memref<1x8x128xi32, #tpu.memory_space<hbm>>
      %dma_wait3A_212 = tpu.memref_squeeze %dma_wait3A_211 : memref<1x8x128xi32, #tpu.memory_space<hbm>> -> memref<8x128xi32, #tpu.memory_space<hbm>>
      tpu.wait_dma2 semaphore(%run_scoped3A : memref<!tpu.dma_semaphore, #tpu.memory_space<semaphore_mem>>) src(%dma_wait3A_212 : memref<8x128xi32, #tpu.memory_space<hbm>>) dst(%arg6 : memref<8x128xi32, #tpu.memory_space<vmem>>)
      tpu.yield
    }) : () -> ()
    "tpu.region"() ({
      %run_scoped3A = tpu.sem_alloc : memref<!tpu.dma_semaphore, #tpu.memory_space<semaphore_mem>>
      %dma_start3A_198 = arith.constant 48 : i32
      %dma_start3A_199 = arith.constant 0 : i32
      %dma_start3A_200 = tpu.memref_slice %arg4[%add3A, %dma_start3A_198, %dma_start3A_199] : memref<32x80x128xi32, #tpu.memory_space<hbm>> -> memref<1x8x128xi32, #tpu.memory_space<hbm>>
      %dma_start3A_201 = tpu.memref_squeeze %dma_start3A_200 : memref<1x8x128xi32, #tpu.memory_space<hbm>> -> memref<8x128xi32, #tpu.memory_space<hbm>>
      %dma_start3A_202 = arith.constant 48 : i32
      %dma_start3A_203 = arith.constant 0 : i32
      %dma_start3A_204 = tpu.memref_slice %arg4[%add3A, %dma_start3A_202, %dma_start3A_203] : memref<32x80x128xi32, #tpu.memory_space<hbm>> -> memref<1x8x128xi32, #tpu.memory_space<hbm>>
      %dma_start3A_205 = tpu.memref_squeeze %dma_start3A_204 : memref<1x8x128xi32, #tpu.memory_space<hbm>> -> memref<8x128xi32, #tpu.memory_space<hbm>>
      tpu.enqueue_dma source(%dma_start3A_205 : memref<8x128xi32, #tpu.memory_space<hbm>>) target(%arg7 : memref<8x128xi32, #tpu.memory_space<vmem>>) target_semaphore(%run_scoped3A : memref<!tpu.dma_semaphore, #tpu.memory_space<semaphore_mem>>)
      %dma_wait3A = arith.constant 48 : i32
      %dma_wait3A_206 = arith.constant 0 : i32
      %dma_wait3A_207 = tpu.memref_slice %arg4[%add3A, %dma_wait3A, %dma_wait3A_206] : memref<32x80x128xi32, #tpu.memory_space<hbm>> -> memref<1x8x128xi32, #tpu.memory_space<hbm>>
      %dma_wait3A_208 = tpu.memref_squeeze %dma_wait3A_207 : memref<1x8x128xi32, #tpu.memory_space<hbm>> -> memref<8x128xi32, #tpu.memory_space<hbm>>
      %dma_wait3A_209 = arith.constant 48 : i32
      %dma_wait3A_210 = arith.constant 0 : i32
      %dma_wait3A_211 = tpu.memref_slice %arg4[%add3A, %dma_wait3A_209, %dma_wait3A_210] : memref<32x80x128xi32, #tpu.memory_space<hbm>> -> memref<1x8x128xi32, #tpu.memory_space<hbm>>
      %dma_wait3A_212 = tpu.memref_squeeze %dma_wait3A_211 : memref<1x8x128xi32, #tpu.memory_space<hbm>> -> memref<8x128xi32, #tpu.memory_space<hbm>>
      tpu.wait_dma2 semaphore(%run_scoped3A : memref<!tpu.dma_semaphore, #tpu.memory_space<semaphore_mem>>) src(%dma_wait3A_212 : memref<8x128xi32, #tpu.memory_space<hbm>>) dst(%arg7 : memref<8x128xi32, #tpu.memory_space<vmem>>)
      tpu.yield
    }) : () -> ()
    %dma_start3A_119 = arith.constant 0 : i32
    %dma_start3A_120 = arith.constant 0 : i32
    %dma_start3A_121 = arith.constant 0 : i32
    %dma_start3A_122 = arith.constant 0 : i32
    %dma_start3A_123 = tpu.memref_slice %arg8[%dma_start3A_120, %dma_start3A_121, %dma_start3A_122] : memref<2x128x128xf32, #tpu.memory_space<vmem>> -> memref<1x128x128xf32, #tpu.memory_space<vmem>>
    %dma_start3A_124 = tpu.memref_squeeze %dma_start3A_123 : memref<1x128x128xf32, #tpu.memory_space<vmem>> -> memref<128x128xf32, #tpu.memory_space<vmem>>
    %dma_start3A_125 = arith.constant 0 : i32
    %dma_start3A_126 = tpu.memref_slice %arg6[%dma_start3A_119, %dma_start3A_125] : memref<8x128xi32, #tpu.memory_space<vmem>> -> memref<1x128xi32, #tpu.memory_space<vmem>>
    %dma_start3A_127 = tpu.memref_squeeze %dma_start3A_126 : memref<1x128xi32, #tpu.memory_space<vmem>> -> memref<128xi32, #tpu.memory_space<vmem>>
    %dma_start3A_128 = arith.constant 0 : i32
    %dma_start3A_129 = arith.constant 0 : i32
    %dma_start3A_130 = tpu.memref_slice %arg2[%dma_start3A_128, %dma_start3A_129] : memref<10000x128xf32, #tpu.memory_space<hbm>> -> memref<10000x128xf32, #tpu.memory_space<hbm>>
    tpu.enqueue_indirect_dma source(%dma_start3A_130 : memref<10000x128xf32, #tpu.memory_space<hbm>>) target(%dma_start3A_124 : memref<128x128xf32, #tpu.memory_space<vmem>>) offsets(%dma_start3A_127 : memref<128xi32, #tpu.memory_space<vmem>>) semaphore(%arg10 : memref<!tpu.dma_semaphore, #tpu.memory_space<semaphore_mem>>)
    %scan3A_131 = arith.constant 0 : i32
    %scan3A_132 = arith.constant 0 : i32
    %scan3A_133 = arith.constant 4 : i32
    %scan3A_134 = arith.addi %scan3A_132, %scan3A_133 : i32
    %scan3A_135 = arith.constant 1 : i32
    scf.for %scan3A_198 = %scan3A_132 to %scan3A_134 step %scan3A_135  : i32 {
      %mul3A_199 = arith.constant 2 : i32
      %mul3A_200 = arith.muli %scan3A_198, %mul3A_199 : i32
      %add3A_201 = arith.constant 1 : i32
      %add3A_202 = arith.addi %mul3A_200, %add3A_201 : i32
      %dma_wait3A = arith.constant 0 : i32
      %dma_wait3A_203 = arith.constant 0 : i32
      %dma_wait3A_204 = arith.constant 0 : i32
      %dma_wait3A_205 = tpu.memref_slice %arg8[%dma_wait3A, %dma_wait3A_203, %dma_wait3A_204] : memref<2x128x128xf32, #tpu.memory_space<vmem>> -> memref<1x128x128xf32, #tpu.memory_space<vmem>>
      %dma_wait3A_206 = tpu.memref_squeeze %dma_wait3A_205 : memref<1x128x128xf32, #tpu.memory_space<vmem>> -> memref<128x128xf32, #tpu.memory_space<vmem>>
      %dma_wait3A_207 = arith.constant 0 : i32
      %dma_wait3A_208 = tpu.memref_slice %arg6[%mul3A_200, %dma_wait3A_207] : memref<8x128xi32, #tpu.memory_space<vmem>> -> memref<1x128xi32, #tpu.memory_space<vmem>>
      %dma_wait3A_209 = tpu.memref_squeeze %dma_wait3A_208 : memref<1x128xi32, #tpu.memory_space<vmem>> -> memref<128xi32, #tpu.memory_space<vmem>>
      %dma_wait3A_210 = arith.constant 0 : i32
      %dma_wait3A_211 = arith.constant 0 : i32
      %dma_wait3A_212 = tpu.memref_slice %arg2[%dma_wait3A_210, %dma_wait3A_211] : memref<10000x128xf32, #tpu.memory_space<hbm>> -> memref<10000x128xf32, #tpu.memory_space<hbm>>
      tpu.wait_indirect_dma semaphore(%arg10 : memref<!tpu.dma_semaphore, #tpu.memory_space<semaphore_mem>>) src(%dma_wait3A_212 : memref<10000x128xf32, #tpu.memory_space<hbm>>) dst(%dma_wait3A_206 : memref<128x128xf32, #tpu.memory_space<vmem>>)
      %dma_start3A_213 = arith.constant 1 : i32
      %dma_start3A_214 = arith.constant 0 : i32
      %dma_start3A_215 = arith.constant 0 : i32
      %dma_start3A_216 = tpu.memref_slice %arg8[%dma_start3A_213, %dma_start3A_214, %dma_start3A_215] : memref<2x128x128xf32, #tpu.memory_space<vmem>> -> memref<1x128x128xf32, #tpu.memory_space<vmem>>
      %dma_start3A_217 = tpu.memref_squeeze %dma_start3A_216 : memref<1x128x128xf32, #tpu.memory_space<vmem>> -> memref<128x128xf32, #tpu.memory_space<vmem>>
      %dma_start3A_218 = arith.constant 0 : i32
      %dma_start3A_219 = tpu.memref_slice %arg6[%add3A_202, %dma_start3A_218] : memref<8x128xi32, #tpu.memory_space<vmem>> -> memref<1x128xi32, #tpu.memory_space<vmem>>
      %dma_start3A_220 = tpu.memref_squeeze %dma_start3A_219 : memref<1x128xi32, #tpu.memory_space<vmem>> -> memref<128xi32, #tpu.memory_space<vmem>>
      %dma_start3A_221 = arith.constant 0 : i32
      %dma_start3A_222 = arith.constant 0 : i32
      %dma_start3A_223 = tpu.memref_slice %arg2[%dma_start3A_221, %dma_start3A_222] : memref<10000x128xf32, #tpu.memory_space<hbm>> -> memref<10000x128xf32, #tpu.memory_space<hbm>>
      tpu.enqueue_indirect_dma source(%dma_start3A_223 : memref<10000x128xf32, #tpu.memory_space<hbm>>) target(%dma_start3A_217 : memref<128x128xf32, #tpu.memory_space<vmem>>) offsets(%dma_start3A_220 : memref<128xi32, #tpu.memory_space<vmem>>) semaphore(%arg11 : memref<!tpu.dma_semaphore, #tpu.memory_space<semaphore_mem>>)
      %dma_start3A_224 = arith.constant 0 : i32
      %dma_start3A_225 = arith.constant 0 : i32
      %dma_start3A_226 = arith.constant 0 : i32
      %dma_start3A_227 = tpu.memref_slice %arg8[%dma_start3A_224, %dma_start3A_225, %dma_start3A_226] : memref<2x128x128xf32, #tpu.memory_space<vmem>> -> memref<1x128x128xf32, #tpu.memory_space<vmem>>
      %dma_start3A_228 = tpu.memref_squeeze %dma_start3A_227 : memref<1x128x128xf32, #tpu.memory_space<vmem>> -> memref<128x128xf32, #tpu.memory_space<vmem>>
      %dma_start3A_229 = arith.constant 0 : i32
      %dma_start3A_230 = tpu.memref_slice %arg7[%mul3A_200, %dma_start3A_229] : memref<8x128xi32, #tpu.memory_space<vmem>> -> memref<1x128xi32, #tpu.memory_space<vmem>>
      %dma_start3A_231 = tpu.memref_squeeze %dma_start3A_230 : memref<1x128xi32, #tpu.memory_space<vmem>> -> memref<128xi32, #tpu.memory_space<vmem>>
      %dma_start3A_232 = arith.constant 0 : i32
      %dma_start3A_233 = arith.constant 0 : i32
      %dma_start3A_234 = tpu.memref_slice %arg9[%dma_start3A_232, %dma_start3A_233] : memref<10240x128xf32, #tpu.memory_space<vmem_shared>> -> memref<10240x128xf32, #tpu.memory_space<vmem_shared>>
      tpu.enqueue_indirect_dma source(%dma_start3A_228 : memref<128x128xf32, #tpu.memory_space<vmem>>) target(%dma_start3A_234 : memref<10240x128xf32, #tpu.memory_space<vmem_shared>>) offsets(%dma_start3A_231 : memref<128xi32, #tpu.memory_space<vmem>>) semaphore(%arg12 : memref<!tpu.dma_semaphore, #tpu.memory_space<semaphore_mem>>) {add = true}
      %dma_wait3A_235 = arith.constant 1 : i32
      %dma_wait3A_236 = arith.constant 0 : i32
      %dma_wait3A_237 = arith.constant 0 : i32
      %dma_wait3A_238 = tpu.memref_slice %arg8[%dma_wait3A_235, %dma_wait3A_236, %dma_wait3A_237] : memref<2x128x128xf32, #tpu.memory_space<vmem>> -> memref<1x128x128xf32, #tpu.memory_space<vmem>>
      %dma_wait3A_239 = tpu.memref_squeeze %dma_wait3A_238 : memref<1x128x128xf32, #tpu.memory_space<vmem>> -> memref<128x128xf32, #tpu.memory_space<vmem>>
      %dma_wait3A_240 = arith.constant 0 : i32
      %dma_wait3A_241 = tpu.memref_slice %arg6[%add3A_202, %dma_wait3A_240] : memref<8x128xi32, #tpu.memory_space<vmem>> -> memref<1x128xi32, #tpu.memory_space<vmem>>
      %dma_wait3A_242 = tpu.memref_squeeze %dma_wait3A_241 : memref<1x128xi32, #tpu.memory_space<vmem>> -> memref<128xi32, #tpu.memory_space<vmem>>
      %dma_wait3A_243 = arith.constant 0 : i32
      %dma_wait3A_244 = arith.constant 0 : i32
      %dma_wait3A_245 = tpu.memref_slice %arg2[%dma_wait3A_243, %dma_wait3A_244] : memref<10000x128xf32, #tpu.memory_space<hbm>> -> memref<10000x128xf32, #tpu.memory_space<hbm>>
      tpu.wait_indirect_dma semaphore(%arg11 : memref<!tpu.dma_semaphore, #tpu.memory_space<semaphore_mem>>) src(%dma_wait3A_245 : memref<10000x128xf32, #tpu.memory_space<hbm>>) dst(%dma_wait3A_239 : memref<128x128xf32, #tpu.memory_space<vmem>>)
      %dma_wait3A_246 = arith.constant 0 : i32
      %dma_wait3A_247 = arith.constant 0 : i32
      %dma_wait3A_248 = arith.constant 0 : i32
      %dma_wait3A_249 = tpu.memref_slice %arg8[%dma_wait3A_246, %dma_wait3A_247, %dma_wait3A_248] : memref<2x128x128xf32, #tpu.memory_space<vmem>> -> memref<1x128x128xf32, #tpu.memory_space<vmem>>
      %dma_wait3A_250 = tpu.memref_squeeze %dma_wait3A_249 : memref<1x128x128xf32, #tpu.memory_space<vmem>> -> memref<128x128xf32, #tpu.memory_space<vmem>>
      %dma_wait3A_251 = arith.constant 0 : i32
      %dma_wait3A_252 = tpu.memref_slice %arg7[%mul3A_200, %dma_wait3A_251] : memref<8x128xi32, #tpu.memory_space<vmem>> -> memref<1x128xi32, #tpu.memory_space<vmem>>
      %dma_wait3A_253 = tpu.memref_squeeze %dma_wait3A_252 : memref<1x128xi32, #tpu.memory_space<vmem>> -> memref<128xi32, #tpu.memory_space<vmem>>
      %dma_wait3A_254 = arith.constant 0 : i32
      %dma_wait3A_255 = arith.constant 0 : i32
      %dma_wait3A_256 = tpu.memref_slice %arg9[%dma_wait3A_254, %dma_wait3A_255] : memref<10240x128xf32, #tpu.memory_space<vmem_shared>> -> memref<10240x128xf32, #tpu.memory_space<vmem_shared>>
      tpu.wait_indirect_dma semaphore(%arg12 : memref<!tpu.dma_semaphore, #tpu.memory_space<semaphore_mem>>) src(%dma_wait3A_250 : memref<128x128xf32, #tpu.memory_space<vmem>>) dst(%dma_wait3A_256 : memref<10240x128xf32, #tpu.memory_space<vmem_shared>>)
      %lt3A = arith.constant 3 : i32
      %lt3A_257 = arith.cmpi slt, %scan3A_198, %lt3A : i32
      %convert_element_type3A = arith.extui %lt3A_257 : i1 to i32
      %cond3A = arith.constant 0 : i32
      %cond3A_258 = arith.cmpi ne, %convert_element_type3A, %cond3A : i32
      scf.if %cond3A_258 {
        %add3A_281 = arith.constant 2 : i32
        %add3A_282 = arith.addi %mul3A_200, %add3A_281 : i32
        %dma_start3A_283 = arith.constant 0 : i32
        %dma_start3A_284 = arith.constant 0 : i32
        %dma_start3A_285 = arith.constant 0 : i32
        %dma_start3A_286 = tpu.memref_slice %arg8[%dma_start3A_283, %dma_start3A_284, %dma_start3A_285] : memref<2x128x128xf32, #tpu.memory_space<vmem>> -> memref<1x128x128xf32, #tpu.memory_space<vmem>>
        %dma_start3A_287 = tpu.memref_squeeze %dma_start3A_286 : memref<1x128x128xf32, #tpu.memory_space<vmem>> -> memref<128x128xf32, #tpu.memory_space<vmem>>
        %dma_start3A_288 = arith.constant 0 : i32
        %dma_start3A_289 = tpu.memref_slice %arg6[%add3A_282, %dma_start3A_288] : memref<8x128xi32, #tpu.memory_space<vmem>> -> memref<1x128xi32, #tpu.memory_space<vmem>>
        %dma_start3A_290 = tpu.memref_squeeze %dma_start3A_289 : memref<1x128xi32, #tpu.memory_space<vmem>> -> memref<128xi32, #tpu.memory_space<vmem>>
        %dma_start3A_291 = arith.constant 0 : i32
        %dma_start3A_292 = arith.constant 0 : i32
        %dma_start3A_293 = tpu.memref_slice %arg2[%dma_start3A_291, %dma_start3A_292] : memref<10000x128xf32, #tpu.memory_space<hbm>> -> memref<10000x128xf32, #tpu.memory_space<hbm>>
        tpu.enqueue_indirect_dma source(%dma_start3A_293 : memref<10000x128xf32, #tpu.memory_space<hbm>>) target(%dma_start3A_287 : memref<128x128xf32, #tpu.memory_space<vmem>>) offsets(%dma_start3A_290 : memref<128xi32, #tpu.memory_space<vmem>>) semaphore(%arg10 : memref<!tpu.dma_semaphore, #tpu.memory_space<semaphore_mem>>)
      } else {
      }
      %dma_start3A_259 = arith.constant 1 : i32
      %dma_start3A_260 = arith.constant 0 : i32
      %dma_start3A_261 = arith.constant 0 : i32
      %dma_start3A_262 = tpu.memref_slice %arg8[%dma_start3A_259, %dma_start3A_260, %dma_start3A_261] : memref<2x128x128xf32, #tpu.memory_space<vmem>> -> memref<1x128x128xf32, #tpu.memory_space<vmem>>
      %dma_start3A_263 = tpu.memref_squeeze %dma_start3A_262 : memref<1x128x128xf32, #tpu.memory_space<vmem>> -> memref<128x128xf32, #tpu.memory_space<vmem>>
      %dma_start3A_264 = arith.constant 0 : i32
      %dma_start3A_265 = tpu.memref_slice %arg7[%add3A_202, %dma_start3A_264] : memref<8x128xi32, #tpu.memory_space<vmem>> -> memref<1x128xi32, #tpu.memory_space<vmem>>
      %dma_start3A_266 = tpu.memref_squeeze %dma_start3A_265 : memref<1x128xi32, #tpu.memory_space<vmem>> -> memref<128xi32, #tpu.memory_space<vmem>>
      %dma_start3A_267 = arith.constant 0 : i32
      %dma_start3A_268 = arith.constant 0 : i32
      %dma_start3A_269 = tpu.memref_slice %arg9[%dma_start3A_267, %dma_start3A_268] : memref<10240x128xf32, #tpu.memory_space<vmem_shared>> -> memref<10240x128xf32, #tpu.memory_space<vmem_shared>>
      tpu.enqueue_indirect_dma source(%dma_start3A_263 : memref<128x128xf32, #tpu.memory_space<vmem>>) target(%dma_start3A_269 : memref<10240x128xf32, #tpu.memory_space<vmem_shared>>) offsets(%dma_start3A_266 : memref<128xi32, #tpu.memory_space<vmem>>) semaphore(%arg13 : memref<!tpu.dma_semaphore, #tpu.memory_space<semaphore_mem>>) {add = true}
      %dma_wait3A_270 = arith.constant 1 : i32
      %dma_wait3A_271 = arith.constant 0 : i32
      %dma_wait3A_272 = arith.constant 0 : i32
      %dma_wait3A_273 = tpu.memref_slice %arg8[%dma_wait3A_270, %dma_wait3A_271, %dma_wait3A_272] : memref<2x128x128xf32, #tpu.memory_space<vmem>> -> memref<1x128x128xf32, #tpu.memory_space<vmem>>
      %dma_wait3A_274 = tpu.memref_squeeze %dma_wait3A_273 : memref<1x128x128xf32, #tpu.memory_space<vmem>> -> memref<128x128xf32, #tpu.memory_space<vmem>>
      %dma_wait3A_275 = arith.constant 0 : i32
      %dma_wait3A_276 = tpu.memref_slice %arg7[%add3A_202, %dma_wait3A_275] : memref<8x128xi32, #tpu.memory_space<vmem>> -> memref<1x128xi32, #tpu.memory_space<vmem>>
      %dma_wait3A_277 = tpu.memref_squeeze %dma_wait3A_276 : memref<1x128xi32, #tpu.memory_space<vmem>> -> memref<128xi32, #tpu.memory_space<vmem>>
      %dma_wait3A_278 = arith.constant 0 : i32
      %dma_wait3A_279 = arith.constant 0 : i32
      %dma_wait3A_280 = tpu.memref_slice %arg9[%dma_wait3A_278, %dma_wait3A_279] : memref<10240x128xf32, #tpu.memory_space<vmem_shared>> -> memref<10240x128xf32, #tpu.memory_space<vmem_shared>>
      tpu.wait_indirect_dma semaphore(%arg13 : memref<!tpu.dma_semaphore, #tpu.memory_space<semaphore_mem>>) src(%dma_wait3A_274 : memref<128x128xf32, #tpu.memory_space<vmem>>) dst(%dma_wait3A_280 : memref<10240x128xf32, #tpu.memory_space<vmem_shared>>)
    }
    %scan3A_136 = arith.constant 4 : i32
    "tpu.region"() ({
      %run_scoped3A = tpu.sem_alloc : memref<!tpu.dma_semaphore, #tpu.memory_space<semaphore_mem>>
      %dma_start3A_198 = arith.constant 56 : i32
      %dma_start3A_199 = arith.constant 0 : i32
      %dma_start3A_200 = tpu.memref_slice %arg3[%add3A, %dma_start3A_198, %dma_start3A_199] : memref<32x80x128xi32, #tpu.memory_space<hbm>> -> memref<1x8x128xi32, #tpu.memory_space<hbm>>
      %dma_start3A_201 = tpu.memref_squeeze %dma_start3A_200 : memref<1x8x128xi32, #tpu.memory_space<hbm>> -> memref<8x128xi32, #tpu.memory_space<hbm>>
      %dma_start3A_202 = arith.constant 56 : i32
      %dma_start3A_203 = arith.constant 0 : i32
      %dma_start3A_204 = tpu.memref_slice %arg3[%add3A, %dma_start3A_202, %dma_start3A_203] : memref<32x80x128xi32, #tpu.memory_space<hbm>> -> memref<1x8x128xi32, #tpu.memory_space<hbm>>
      %dma_start3A_205 = tpu.memref_squeeze %dma_start3A_204 : memref<1x8x128xi32, #tpu.memory_space<hbm>> -> memref<8x128xi32, #tpu.memory_space<hbm>>
      tpu.enqueue_dma source(%dma_start3A_205 : memref<8x128xi32, #tpu.memory_space<hbm>>) target(%arg6 : memref<8x128xi32, #tpu.memory_space<vmem>>) target_semaphore(%run_scoped3A : memref<!tpu.dma_semaphore, #tpu.memory_space<semaphore_mem>>)
      %dma_wait3A = arith.constant 56 : i32
      %dma_wait3A_206 = arith.constant 0 : i32
      %dma_wait3A_207 = tpu.memref_slice %arg3[%add3A, %dma_wait3A, %dma_wait3A_206] : memref<32x80x128xi32, #tpu.memory_space<hbm>> -> memref<1x8x128xi32, #tpu.memory_space<hbm>>
      %dma_wait3A_208 = tpu.memref_squeeze %dma_wait3A_207 : memref<1x8x128xi32, #tpu.memory_space<hbm>> -> memref<8x128xi32, #tpu.memory_space<hbm>>
      %dma_wait3A_209 = arith.constant 56 : i32
      %dma_wait3A_210 = arith.constant 0 : i32
      %dma_wait3A_211 = tpu.memref_slice %arg3[%add3A, %dma_wait3A_209, %dma_wait3A_210] : memref<32x80x128xi32, #tpu.memory_space<hbm>> -> memref<1x8x128xi32, #tpu.memory_space<hbm>>
      %dma_wait3A_212 = tpu.memref_squeeze %dma_wait3A_211 : memref<1x8x128xi32, #tpu.memory_space<hbm>> -> memref<8x128xi32, #tpu.memory_space<hbm>>
      tpu.wait_dma2 semaphore(%run_scoped3A : memref<!tpu.dma_semaphore, #tpu.memory_space<semaphore_mem>>) src(%dma_wait3A_212 : memref<8x128xi32, #tpu.memory_space<hbm>>) dst(%arg6 : memref<8x128xi32, #tpu.memory_space<vmem>>)
      tpu.yield
    }) : () -> ()
    "tpu.region"() ({
      %run_scoped3A = tpu.sem_alloc : memref<!tpu.dma_semaphore, #tpu.memory_space<semaphore_mem>>
      %dma_start3A_198 = arith.constant 56 : i32
      %dma_start3A_199 = arith.constant 0 : i32
      %dma_start3A_200 = tpu.memref_slice %arg4[%add3A, %dma_start3A_198, %dma_start3A_199] : memref<32x80x128xi32, #tpu.memory_space<hbm>> -> memref<1x8x128xi32, #tpu.memory_space<hbm>>
      %dma_start3A_201 = tpu.memref_squeeze %dma_start3A_200 : memref<1x8x128xi32, #tpu.memory_space<hbm>> -> memref<8x128xi32, #tpu.memory_space<hbm>>
      %dma_start3A_202 = arith.constant 56 : i32
      %dma_start3A_203 = arith.constant 0 : i32
      %dma_start3A_204 = tpu.memref_slice %arg4[%add3A, %dma_start3A_202, %dma_start3A_203] : memref<32x80x128xi32, #tpu.memory_space<hbm>> -> memref<1x8x128xi32, #tpu.memory_space<hbm>>
      %dma_start3A_205 = tpu.memref_squeeze %dma_start3A_204 : memref<1x8x128xi32, #tpu.memory_space<hbm>> -> memref<8x128xi32, #tpu.memory_space<hbm>>
      tpu.enqueue_dma source(%dma_start3A_205 : memref<8x128xi32, #tpu.memory_space<hbm>>) target(%arg7 : memref<8x128xi32, #tpu.memory_space<vmem>>) target_semaphore(%run_scoped3A : memref<!tpu.dma_semaphore, #tpu.memory_space<semaphore_mem>>)
      %dma_wait3A = arith.constant 56 : i32
      %dma_wait3A_206 = arith.constant 0 : i32
      %dma_wait3A_207 = tpu.memref_slice %arg4[%add3A, %dma_wait3A, %dma_wait3A_206] : memref<32x80x128xi32, #tpu.memory_space<hbm>> -> memref<1x8x128xi32, #tpu.memory_space<hbm>>
      %dma_wait3A_208 = tpu.memref_squeeze %dma_wait3A_207 : memref<1x8x128xi32, #tpu.memory_space<hbm>> -> memref<8x128xi32, #tpu.memory_space<hbm>>
      %dma_wait3A_209 = arith.constant 56 : i32
      %dma_wait3A_210 = arith.constant 0 : i32
      %dma_wait3A_211 = tpu.memref_slice %arg4[%add3A, %dma_wait3A_209, %dma_wait3A_210] : memref<32x80x128xi32, #tpu.memory_space<hbm>> -> memref<1x8x128xi32, #tpu.memory_space<hbm>>
      %dma_wait3A_212 = tpu.memref_squeeze %dma_wait3A_211 : memref<1x8x128xi32, #tpu.memory_space<hbm>> -> memref<8x128xi32, #tpu.memory_space<hbm>>
      tpu.wait_dma2 semaphore(%run_scoped3A : memref<!tpu.dma_semaphore, #tpu.memory_space<semaphore_mem>>) src(%dma_wait3A_212 : memref<8x128xi32, #tpu.memory_space<hbm>>) dst(%arg7 : memref<8x128xi32, #tpu.memory_space<vmem>>)
      tpu.yield
    }) : () -> ()
    %dma_start3A_137 = arith.constant 0 : i32
    %dma_start3A_138 = arith.constant 0 : i32
    %dma_start3A_139 = arith.constant 0 : i32
    %dma_start3A_140 = arith.constant 0 : i32
    %dma_start3A_141 = tpu.memref_slice %arg8[%dma_start3A_138, %dma_start3A_139, %dma_start3A_140] : memref<2x128x128xf32, #tpu.memory_space<vmem>> -> memref<1x128x128xf32, #tpu.memory_space<vmem>>
    %dma_start3A_142 = tpu.memref_squeeze %dma_start3A_141 : memref<1x128x128xf32, #tpu.memory_space<vmem>> -> memref<128x128xf32, #tpu.memory_space<vmem>>
    %dma_start3A_143 = arith.constant 0 : i32
    %dma_start3A_144 = tpu.memref_slice %arg6[%dma_start3A_137, %dma_start3A_143] : memref<8x128xi32, #tpu.memory_space<vmem>> -> memref<1x128xi32, #tpu.memory_space<vmem>>
    %dma_start3A_145 = tpu.memref_squeeze %dma_start3A_144 : memref<1x128xi32, #tpu.memory_space<vmem>> -> memref<128xi32, #tpu.memory_space<vmem>>
    %dma_start3A_146 = arith.constant 0 : i32
    %dma_start3A_147 = arith.constant 0 : i32
    %dma_start3A_148 = tpu.memref_slice %arg2[%dma_start3A_146, %dma_start3A_147] : memref<10000x128xf32, #tpu.memory_space<hbm>> -> memref<10000x128xf32, #tpu.memory_space<hbm>>
    tpu.enqueue_indirect_dma source(%dma_start3A_148 : memref<10000x128xf32, #tpu.memory_space<hbm>>) target(%dma_start3A_142 : memref<128x128xf32, #tpu.memory_space<vmem>>) offsets(%dma_start3A_145 : memref<128xi32, #tpu.memory_space<vmem>>) semaphore(%arg10 : memref<!tpu.dma_semaphore, #tpu.memory_space<semaphore_mem>>)
    %scan3A_149 = arith.constant 0 : i32
    %scan3A_150 = arith.constant 0 : i32
    %scan3A_151 = arith.constant 4 : i32
    %scan3A_152 = arith.addi %scan3A_150, %scan3A_151 : i32
    %scan3A_153 = arith.constant 1 : i32
    scf.for %scan3A_198 = %scan3A_150 to %scan3A_152 step %scan3A_153  : i32 {
      %mul3A_199 = arith.constant 2 : i32
      %mul3A_200 = arith.muli %scan3A_198, %mul3A_199 : i32
      %add3A_201 = arith.constant 1 : i32
      %add3A_202 = arith.addi %mul3A_200, %add3A_201 : i32
      %dma_wait3A = arith.constant 0 : i32
      %dma_wait3A_203 = arith.constant 0 : i32
      %dma_wait3A_204 = arith.constant 0 : i32
      %dma_wait3A_205 = tpu.memref_slice %arg8[%dma_wait3A, %dma_wait3A_203, %dma_wait3A_204] : memref<2x128x128xf32, #tpu.memory_space<vmem>> -> memref<1x128x128xf32, #tpu.memory_space<vmem>>
      %dma_wait3A_206 = tpu.memref_squeeze %dma_wait3A_205 : memref<1x128x128xf32, #tpu.memory_space<vmem>> -> memref<128x128xf32, #tpu.memory_space<vmem>>
      %dma_wait3A_207 = arith.constant 0 : i32
      %dma_wait3A_208 = tpu.memref_slice %arg6[%mul3A_200, %dma_wait3A_207] : memref<8x128xi32, #tpu.memory_space<vmem>> -> memref<1x128xi32, #tpu.memory_space<vmem>>
      %dma_wait3A_209 = tpu.memref_squeeze %dma_wait3A_208 : memref<1x128xi32, #tpu.memory_space<vmem>> -> memref<128xi32, #tpu.memory_space<vmem>>
      %dma_wait3A_210 = arith.constant 0 : i32
      %dma_wait3A_211 = arith.constant 0 : i32
      %dma_wait3A_212 = tpu.memref_slice %arg2[%dma_wait3A_210, %dma_wait3A_211] : memref<10000x128xf32, #tpu.memory_space<hbm>> -> memref<10000x128xf32, #tpu.memory_space<hbm>>
      tpu.wait_indirect_dma semaphore(%arg10 : memref<!tpu.dma_semaphore, #tpu.memory_space<semaphore_mem>>) src(%dma_wait3A_212 : memref<10000x128xf32, #tpu.memory_space<hbm>>) dst(%dma_wait3A_206 : memref<128x128xf32, #tpu.memory_space<vmem>>)
      %dma_start3A_213 = arith.constant 1 : i32
      %dma_start3A_214 = arith.constant 0 : i32
      %dma_start3A_215 = arith.constant 0 : i32
      %dma_start3A_216 = tpu.memref_slice %arg8[%dma_start3A_213, %dma_start3A_214, %dma_start3A_215] : memref<2x128x128xf32, #tpu.memory_space<vmem>> -> memref<1x128x128xf32, #tpu.memory_space<vmem>>
      %dma_start3A_217 = tpu.memref_squeeze %dma_start3A_216 : memref<1x128x128xf32, #tpu.memory_space<vmem>> -> memref<128x128xf32, #tpu.memory_space<vmem>>
      %dma_start3A_218 = arith.constant 0 : i32
      %dma_start3A_219 = tpu.memref_slice %arg6[%add3A_202, %dma_start3A_218] : memref<8x128xi32, #tpu.memory_space<vmem>> -> memref<1x128xi32, #tpu.memory_space<vmem>>
      %dma_start3A_220 = tpu.memref_squeeze %dma_start3A_219 : memref<1x128xi32, #tpu.memory_space<vmem>> -> memref<128xi32, #tpu.memory_space<vmem>>
      %dma_start3A_221 = arith.constant 0 : i32
      %dma_start3A_222 = arith.constant 0 : i32
      %dma_start3A_223 = tpu.memref_slice %arg2[%dma_start3A_221, %dma_start3A_222] : memref<10000x128xf32, #tpu.memory_space<hbm>> -> memref<10000x128xf32, #tpu.memory_space<hbm>>
      tpu.enqueue_indirect_dma source(%dma_start3A_223 : memref<10000x128xf32, #tpu.memory_space<hbm>>) target(%dma_start3A_217 : memref<128x128xf32, #tpu.memory_space<vmem>>) offsets(%dma_start3A_220 : memref<128xi32, #tpu.memory_space<vmem>>) semaphore(%arg11 : memref<!tpu.dma_semaphore, #tpu.memory_space<semaphore_mem>>)
      %dma_start3A_224 = arith.constant 0 : i32
      %dma_start3A_225 = arith.constant 0 : i32
      %dma_start3A_226 = arith.constant 0 : i32
      %dma_start3A_227 = tpu.memref_slice %arg8[%dma_start3A_224, %dma_start3A_225, %dma_start3A_226] : memref<2x128x128xf32, #tpu.memory_space<vmem>> -> memref<1x128x128xf32, #tpu.memory_space<vmem>>
      %dma_start3A_228 = tpu.memref_squeeze %dma_start3A_227 : memref<1x128x128xf32, #tpu.memory_space<vmem>> -> memref<128x128xf32, #tpu.memory_space<vmem>>
      %dma_start3A_229 = arith.constant 0 : i32
      %dma_start3A_230 = tpu.memref_slice %arg7[%mul3A_200, %dma_start3A_229] : memref<8x128xi32, #tpu.memory_space<vmem>> -> memref<1x128xi32, #tpu.memory_space<vmem>>
      %dma_start3A_231 = tpu.memref_squeeze %dma_start3A_230 : memref<1x128xi32, #tpu.memory_space<vmem>> -> memref<128xi32, #tpu.memory_space<vmem>>
      %dma_start3A_232 = arith.constant 0 : i32
      %dma_start3A_233 = arith.constant 0 : i32
      %dma_start3A_234 = tpu.memref_slice %arg9[%dma_start3A_232, %dma_start3A_233] : memref<10240x128xf32, #tpu.memory_space<vmem_shared>> -> memref<10240x128xf32, #tpu.memory_space<vmem_shared>>
      tpu.enqueue_indirect_dma source(%dma_start3A_228 : memref<128x128xf32, #tpu.memory_space<vmem>>) target(%dma_start3A_234 : memref<10240x128xf32, #tpu.memory_space<vmem_shared>>) offsets(%dma_start3A_231 : memref<128xi32, #tpu.memory_space<vmem>>) semaphore(%arg12 : memref<!tpu.dma_semaphore, #tpu.memory_space<semaphore_mem>>) {add = true}
      %dma_wait3A_235 = arith.constant 1 : i32
      %dma_wait3A_236 = arith.constant 0 : i32
      %dma_wait3A_237 = arith.constant 0 : i32
      %dma_wait3A_238 = tpu.memref_slice %arg8[%dma_wait3A_235, %dma_wait3A_236, %dma_wait3A_237] : memref<2x128x128xf32, #tpu.memory_space<vmem>> -> memref<1x128x128xf32, #tpu.memory_space<vmem>>
      %dma_wait3A_239 = tpu.memref_squeeze %dma_wait3A_238 : memref<1x128x128xf32, #tpu.memory_space<vmem>> -> memref<128x128xf32, #tpu.memory_space<vmem>>
      %dma_wait3A_240 = arith.constant 0 : i32
      %dma_wait3A_241 = tpu.memref_slice %arg6[%add3A_202, %dma_wait3A_240] : memref<8x128xi32, #tpu.memory_space<vmem>> -> memref<1x128xi32, #tpu.memory_space<vmem>>
      %dma_wait3A_242 = tpu.memref_squeeze %dma_wait3A_241 : memref<1x128xi32, #tpu.memory_space<vmem>> -> memref<128xi32, #tpu.memory_space<vmem>>
      %dma_wait3A_243 = arith.constant 0 : i32
      %dma_wait3A_244 = arith.constant 0 : i32
      %dma_wait3A_245 = tpu.memref_slice %arg2[%dma_wait3A_243, %dma_wait3A_244] : memref<10000x128xf32, #tpu.memory_space<hbm>> -> memref<10000x128xf32, #tpu.memory_space<hbm>>
      tpu.wait_indirect_dma semaphore(%arg11 : memref<!tpu.dma_semaphore, #tpu.memory_space<semaphore_mem>>) src(%dma_wait3A_245 : memref<10000x128xf32, #tpu.memory_space<hbm>>) dst(%dma_wait3A_239 : memref<128x128xf32, #tpu.memory_space<vmem>>)
      %dma_wait3A_246 = arith.constant 0 : i32
      %dma_wait3A_247 = arith.constant 0 : i32
      %dma_wait3A_248 = arith.constant 0 : i32
      %dma_wait3A_249 = tpu.memref_slice %arg8[%dma_wait3A_246, %dma_wait3A_247, %dma_wait3A_248] : memref<2x128x128xf32, #tpu.memory_space<vmem>> -> memref<1x128x128xf32, #tpu.memory_space<vmem>>
      %dma_wait3A_250 = tpu.memref_squeeze %dma_wait3A_249 : memref<1x128x128xf32, #tpu.memory_space<vmem>> -> memref<128x128xf32, #tpu.memory_space<vmem>>
      %dma_wait3A_251 = arith.constant 0 : i32
      %dma_wait3A_252 = tpu.memref_slice %arg7[%mul3A_200, %dma_wait3A_251] : memref<8x128xi32, #tpu.memory_space<vmem>> -> memref<1x128xi32, #tpu.memory_space<vmem>>
      %dma_wait3A_253 = tpu.memref_squeeze %dma_wait3A_252 : memref<1x128xi32, #tpu.memory_space<vmem>> -> memref<128xi32, #tpu.memory_space<vmem>>
      %dma_wait3A_254 = arith.constant 0 : i32
      %dma_wait3A_255 = arith.constant 0 : i32
      %dma_wait3A_256 = tpu.memref_slice %arg9[%dma_wait3A_254, %dma_wait3A_255] : memref<10240x128xf32, #tpu.memory_space<vmem_shared>> -> memref<10240x128xf32, #tpu.memory_space<vmem_shared>>
      tpu.wait_indirect_dma semaphore(%arg12 : memref<!tpu.dma_semaphore, #tpu.memory_space<semaphore_mem>>) src(%dma_wait3A_250 : memref<128x128xf32, #tpu.memory_space<vmem>>) dst(%dma_wait3A_256 : memref<10240x128xf32, #tpu.memory_space<vmem_shared>>)
      %lt3A = arith.constant 3 : i32
      %lt3A_257 = arith.cmpi slt, %scan3A_198, %lt3A : i32
      %convert_element_type3A = arith.extui %lt3A_257 : i1 to i32
      %cond3A = arith.constant 0 : i32
      %cond3A_258 = arith.cmpi ne, %convert_element_type3A, %cond3A : i32
      scf.if %cond3A_258 {
        %add3A_281 = arith.constant 2 : i32
        %add3A_282 = arith.addi %mul3A_200, %add3A_281 : i32
        %dma_start3A_283 = arith.constant 0 : i32
        %dma_start3A_284 = arith.constant 0 : i32
        %dma_start3A_285 = arith.constant 0 : i32
        %dma_start3A_286 = tpu.memref_slice %arg8[%dma_start3A_283, %dma_start3A_284, %dma_start3A_285] : memref<2x128x128xf32, #tpu.memory_space<vmem>> -> memref<1x128x128xf32, #tpu.memory_space<vmem>>
        %dma_start3A_287 = tpu.memref_squeeze %dma_start3A_286 : memref<1x128x128xf32, #tpu.memory_space<vmem>> -> memref<128x128xf32, #tpu.memory_space<vmem>>
        %dma_start3A_288 = arith.constant 0 : i32
        %dma_start3A_289 = tpu.memref_slice %arg6[%add3A_282, %dma_start3A_288] : memref<8x128xi32, #tpu.memory_space<vmem>> -> memref<1x128xi32, #tpu.memory_space<vmem>>
        %dma_start3A_290 = tpu.memref_squeeze %dma_start3A_289 : memref<1x128xi32, #tpu.memory_space<vmem>> -> memref<128xi32, #tpu.memory_space<vmem>>
        %dma_start3A_291 = arith.constant 0 : i32
        %dma_start3A_292 = arith.constant 0 : i32
        %dma_start3A_293 = tpu.memref_slice %arg2[%dma_start3A_291, %dma_start3A_292] : memref<10000x128xf32, #tpu.memory_space<hbm>> -> memref<10000x128xf32, #tpu.memory_space<hbm>>
        tpu.enqueue_indirect_dma source(%dma_start3A_293 : memref<10000x128xf32, #tpu.memory_space<hbm>>) target(%dma_start3A_287 : memref<128x128xf32, #tpu.memory_space<vmem>>) offsets(%dma_start3A_290 : memref<128xi32, #tpu.memory_space<vmem>>) semaphore(%arg10 : memref<!tpu.dma_semaphore, #tpu.memory_space<semaphore_mem>>)
      } else {
      }
      %dma_start3A_259 = arith.constant 1 : i32
      %dma_start3A_260 = arith.constant 0 : i32
      %dma_start3A_261 = arith.constant 0 : i32
      %dma_start3A_262 = tpu.memref_slice %arg8[%dma_start3A_259, %dma_start3A_260, %dma_start3A_261] : memref<2x128x128xf32, #tpu.memory_space<vmem>> -> memref<1x128x128xf32, #tpu.memory_space<vmem>>
      %dma_start3A_263 = tpu.memref_squeeze %dma_start3A_262 : memref<1x128x128xf32, #tpu.memory_space<vmem>> -> memref<128x128xf32, #tpu.memory_space<vmem>>
      %dma_start3A_264 = arith.constant 0 : i32
      %dma_start3A_265 = tpu.memref_slice %arg7[%add3A_202, %dma_start3A_264] : memref<8x128xi32, #tpu.memory_space<vmem>> -> memref<1x128xi32, #tpu.memory_space<vmem>>
      %dma_start3A_266 = tpu.memref_squeeze %dma_start3A_265 : memref<1x128xi32, #tpu.memory_space<vmem>> -> memref<128xi32, #tpu.memory_space<vmem>>
      %dma_start3A_267 = arith.constant 0 : i32
      %dma_start3A_268 = arith.constant 0 : i32
      %dma_start3A_269 = tpu.memref_slice %arg9[%dma_start3A_267, %dma_start3A_268] : memref<10240x128xf32, #tpu.memory_space<vmem_shared>> -> memref<10240x128xf32, #tpu.memory_space<vmem_shared>>
      tpu.enqueue_indirect_dma source(%dma_start3A_263 : memref<128x128xf32, #tpu.memory_space<vmem>>) target(%dma_start3A_269 : memref<10240x128xf32, #tpu.memory_space<vmem_shared>>) offsets(%dma_start3A_266 : memref<128xi32, #tpu.memory_space<vmem>>) semaphore(%arg13 : memref<!tpu.dma_semaphore, #tpu.memory_space<semaphore_mem>>) {add = true}
      %dma_wait3A_270 = arith.constant 1 : i32
      %dma_wait3A_271 = arith.constant 0 : i32
      %dma_wait3A_272 = arith.constant 0 : i32
      %dma_wait3A_273 = tpu.memref_slice %arg8[%dma_wait3A_270, %dma_wait3A_271, %dma_wait3A_272] : memref<2x128x128xf32, #tpu.memory_space<vmem>> -> memref<1x128x128xf32, #tpu.memory_space<vmem>>
      %dma_wait3A_274 = tpu.memref_squeeze %dma_wait3A_273 : memref<1x128x128xf32, #tpu.memory_space<vmem>> -> memref<128x128xf32, #tpu.memory_space<vmem>>
      %dma_wait3A_275 = arith.constant 0 : i32
      %dma_wait3A_276 = tpu.memref_slice %arg7[%add3A_202, %dma_wait3A_275] : memref<8x128xi32, #tpu.memory_space<vmem>> -> memref<1x128xi32, #tpu.memory_space<vmem>>
      %dma_wait3A_277 = tpu.memref_squeeze %dma_wait3A_276 : memref<1x128xi32, #tpu.memory_space<vmem>> -> memref<128xi32, #tpu.memory_space<vmem>>
      %dma_wait3A_278 = arith.constant 0 : i32
      %dma_wait3A_279 = arith.constant 0 : i32
      %dma_wait3A_280 = tpu.memref_slice %arg9[%dma_wait3A_278, %dma_wait3A_279] : memref<10240x128xf32, #tpu.memory_space<vmem_shared>> -> memref<10240x128xf32, #tpu.memory_space<vmem_shared>>
      tpu.wait_indirect_dma semaphore(%arg13 : memref<!tpu.dma_semaphore, #tpu.memory_space<semaphore_mem>>) src(%dma_wait3A_274 : memref<128x128xf32, #tpu.memory_space<vmem>>) dst(%dma_wait3A_280 : memref<10240x128xf32, #tpu.memory_space<vmem_shared>>)
    }
    %scan3A_154 = arith.constant 4 : i32
    "tpu.region"() ({
      %run_scoped3A = tpu.sem_alloc : memref<!tpu.dma_semaphore, #tpu.memory_space<semaphore_mem>>
      %dma_start3A_198 = arith.constant 64 : i32
      %dma_start3A_199 = arith.constant 0 : i32
      %dma_start3A_200 = tpu.memref_slice %arg3[%add3A, %dma_start3A_198, %dma_start3A_199] : memref<32x80x128xi32, #tpu.memory_space<hbm>> -> memref<1x8x128xi32, #tpu.memory_space<hbm>>
      %dma_start3A_201 = tpu.memref_squeeze %dma_start3A_200 : memref<1x8x128xi32, #tpu.memory_space<hbm>> -> memref<8x128xi32, #tpu.memory_space<hbm>>
      %dma_start3A_202 = arith.constant 64 : i32
      %dma_start3A_203 = arith.constant 0 : i32
      %dma_start3A_204 = tpu.memref_slice %arg3[%add3A, %dma_start3A_202, %dma_start3A_203] : memref<32x80x128xi32, #tpu.memory_space<hbm>> -> memref<1x8x128xi32, #tpu.memory_space<hbm>>
      %dma_start3A_205 = tpu.memref_squeeze %dma_start3A_204 : memref<1x8x128xi32, #tpu.memory_space<hbm>> -> memref<8x128xi32, #tpu.memory_space<hbm>>
      tpu.enqueue_dma source(%dma_start3A_205 : memref<8x128xi32, #tpu.memory_space<hbm>>) target(%arg6 : memref<8x128xi32, #tpu.memory_space<vmem>>) target_semaphore(%run_scoped3A : memref<!tpu.dma_semaphore, #tpu.memory_space<semaphore_mem>>)
      %dma_wait3A = arith.constant 64 : i32
      %dma_wait3A_206 = arith.constant 0 : i32
      %dma_wait3A_207 = tpu.memref_slice %arg3[%add3A, %dma_wait3A, %dma_wait3A_206] : memref<32x80x128xi32, #tpu.memory_space<hbm>> -> memref<1x8x128xi32, #tpu.memory_space<hbm>>
      %dma_wait3A_208 = tpu.memref_squeeze %dma_wait3A_207 : memref<1x8x128xi32, #tpu.memory_space<hbm>> -> memref<8x128xi32, #tpu.memory_space<hbm>>
      %dma_wait3A_209 = arith.constant 64 : i32
      %dma_wait3A_210 = arith.constant 0 : i32
      %dma_wait3A_211 = tpu.memref_slice %arg3[%add3A, %dma_wait3A_209, %dma_wait3A_210] : memref<32x80x128xi32, #tpu.memory_space<hbm>> -> memref<1x8x128xi32, #tpu.memory_space<hbm>>
      %dma_wait3A_212 = tpu.memref_squeeze %dma_wait3A_211 : memref<1x8x128xi32, #tpu.memory_space<hbm>> -> memref<8x128xi32, #tpu.memory_space<hbm>>
      tpu.wait_dma2 semaphore(%run_scoped3A : memref<!tpu.dma_semaphore, #tpu.memory_space<semaphore_mem>>) src(%dma_wait3A_212 : memref<8x128xi32, #tpu.memory_space<hbm>>) dst(%arg6 : memref<8x128xi32, #tpu.memory_space<vmem>>)
      tpu.yield
    }) : () -> ()
    "tpu.region"() ({
      %run_scoped3A = tpu.sem_alloc : memref<!tpu.dma_semaphore, #tpu.memory_space<semaphore_mem>>
      %dma_start3A_198 = arith.constant 64 : i32
      %dma_start3A_199 = arith.constant 0 : i32
      %dma_start3A_200 = tpu.memref_slice %arg4[%add3A, %dma_start3A_198, %dma_start3A_199] : memref<32x80x128xi32, #tpu.memory_space<hbm>> -> memref<1x8x128xi32, #tpu.memory_space<hbm>>
      %dma_start3A_201 = tpu.memref_squeeze %dma_start3A_200 : memref<1x8x128xi32, #tpu.memory_space<hbm>> -> memref<8x128xi32, #tpu.memory_space<hbm>>
      %dma_start3A_202 = arith.constant 64 : i32
      %dma_start3A_203 = arith.constant 0 : i32
      %dma_start3A_204 = tpu.memref_slice %arg4[%add3A, %dma_start3A_202, %dma_start3A_203] : memref<32x80x128xi32, #tpu.memory_space<hbm>> -> memref<1x8x128xi32, #tpu.memory_space<hbm>>
      %dma_start3A_205 = tpu.memref_squeeze %dma_start3A_204 : memref<1x8x128xi32, #tpu.memory_space<hbm>> -> memref<8x128xi32, #tpu.memory_space<hbm>>
      tpu.enqueue_dma source(%dma_start3A_205 : memref<8x128xi32, #tpu.memory_space<hbm>>) target(%arg7 : memref<8x128xi32, #tpu.memory_space<vmem>>) target_semaphore(%run_scoped3A : memref<!tpu.dma_semaphore, #tpu.memory_space<semaphore_mem>>)
      %dma_wait3A = arith.constant 64 : i32
      %dma_wait3A_206 = arith.constant 0 : i32
      %dma_wait3A_207 = tpu.memref_slice %arg4[%add3A, %dma_wait3A, %dma_wait3A_206] : memref<32x80x128xi32, #tpu.memory_space<hbm>> -> memref<1x8x128xi32, #tpu.memory_space<hbm>>
      %dma_wait3A_208 = tpu.memref_squeeze %dma_wait3A_207 : memref<1x8x128xi32, #tpu.memory_space<hbm>> -> memref<8x128xi32, #tpu.memory_space<hbm>>
      %dma_wait3A_209 = arith.constant 64 : i32
      %dma_wait3A_210 = arith.constant 0 : i32
      %dma_wait3A_211 = tpu.memref_slice %arg4[%add3A, %dma_wait3A_209, %dma_wait3A_210] : memref<32x80x128xi32, #tpu.memory_space<hbm>> -> memref<1x8x128xi32, #tpu.memory_space<hbm>>
      %dma_wait3A_212 = tpu.memref_squeeze %dma_wait3A_211 : memref<1x8x128xi32, #tpu.memory_space<hbm>> -> memref<8x128xi32, #tpu.memory_space<hbm>>
      tpu.wait_dma2 semaphore(%run_scoped3A : memref<!tpu.dma_semaphore, #tpu.memory_space<semaphore_mem>>) src(%dma_wait3A_212 : memref<8x128xi32, #tpu.memory_space<hbm>>) dst(%arg7 : memref<8x128xi32, #tpu.memory_space<vmem>>)
      tpu.yield
    }) : () -> ()
    %dma_start3A_155 = arith.constant 0 : i32
    %dma_start3A_156 = arith.constant 0 : i32
    %dma_start3A_157 = arith.constant 0 : i32
    %dma_start3A_158 = arith.constant 0 : i32
    %dma_start3A_159 = tpu.memref_slice %arg8[%dma_start3A_156, %dma_start3A_157, %dma_start3A_158] : memref<2x128x128xf32, #tpu.memory_space<vmem>> -> memref<1x128x128xf32, #tpu.memory_space<vmem>>
    %dma_start3A_160 = tpu.memref_squeeze %dma_start3A_159 : memref<1x128x128xf32, #tpu.memory_space<vmem>> -> memref<128x128xf32, #tpu.memory_space<vmem>>
    %dma_start3A_161 = arith.constant 0 : i32
    %dma_start3A_162 = tpu.memref_slice %arg6[%dma_start3A_155, %dma_start3A_161] : memref<8x128xi32, #tpu.memory_space<vmem>> -> memref<1x128xi32, #tpu.memory_space<vmem>>
    %dma_start3A_163 = tpu.memref_squeeze %dma_start3A_162 : memref<1x128xi32, #tpu.memory_space<vmem>> -> memref<128xi32, #tpu.memory_space<vmem>>
    %dma_start3A_164 = arith.constant 0 : i32
    %dma_start3A_165 = arith.constant 0 : i32
    %dma_start3A_166 = tpu.memref_slice %arg2[%dma_start3A_164, %dma_start3A_165] : memref<10000x128xf32, #tpu.memory_space<hbm>> -> memref<10000x128xf32, #tpu.memory_space<hbm>>
    tpu.enqueue_indirect_dma source(%dma_start3A_166 : memref<10000x128xf32, #tpu.memory_space<hbm>>) target(%dma_start3A_160 : memref<128x128xf32, #tpu.memory_space<vmem>>) offsets(%dma_start3A_163 : memref<128xi32, #tpu.memory_space<vmem>>) semaphore(%arg10 : memref<!tpu.dma_semaphore, #tpu.memory_space<semaphore_mem>>)
    %scan3A_167 = arith.constant 0 : i32
    %scan3A_168 = arith.constant 0 : i32
    %scan3A_169 = arith.constant 4 : i32
    %scan3A_170 = arith.addi %scan3A_168, %scan3A_169 : i32
    %scan3A_171 = arith.constant 1 : i32
    scf.for %scan3A_198 = %scan3A_168 to %scan3A_170 step %scan3A_171  : i32 {
      %mul3A_199 = arith.constant 2 : i32
      %mul3A_200 = arith.muli %scan3A_198, %mul3A_199 : i32
      %add3A_201 = arith.constant 1 : i32
      %add3A_202 = arith.addi %mul3A_200, %add3A_201 : i32
      %dma_wait3A = arith.constant 0 : i32
      %dma_wait3A_203 = arith.constant 0 : i32
      %dma_wait3A_204 = arith.constant 0 : i32
      %dma_wait3A_205 = tpu.memref_slice %arg8[%dma_wait3A, %dma_wait3A_203, %dma_wait3A_204] : memref<2x128x128xf32, #tpu.memory_space<vmem>> -> memref<1x128x128xf32, #tpu.memory_space<vmem>>
      %dma_wait3A_206 = tpu.memref_squeeze %dma_wait3A_205 : memref<1x128x128xf32, #tpu.memory_space<vmem>> -> memref<128x128xf32, #tpu.memory_space<vmem>>
      %dma_wait3A_207 = arith.constant 0 : i32
      %dma_wait3A_208 = tpu.memref_slice %arg6[%mul3A_200, %dma_wait3A_207] : memref<8x128xi32, #tpu.memory_space<vmem>> -> memref<1x128xi32, #tpu.memory_space<vmem>>
      %dma_wait3A_209 = tpu.memref_squeeze %dma_wait3A_208 : memref<1x128xi32, #tpu.memory_space<vmem>> -> memref<128xi32, #tpu.memory_space<vmem>>
      %dma_wait3A_210 = arith.constant 0 : i32
      %dma_wait3A_211 = arith.constant 0 : i32
      %dma_wait3A_212 = tpu.memref_slice %arg2[%dma_wait3A_210, %dma_wait3A_211] : memref<10000x128xf32, #tpu.memory_space<hbm>> -> memref<10000x128xf32, #tpu.memory_space<hbm>>
      tpu.wait_indirect_dma semaphore(%arg10 : memref<!tpu.dma_semaphore, #tpu.memory_space<semaphore_mem>>) src(%dma_wait3A_212 : memref<10000x128xf32, #tpu.memory_space<hbm>>) dst(%dma_wait3A_206 : memref<128x128xf32, #tpu.memory_space<vmem>>)
      %dma_start3A_213 = arith.constant 1 : i32
      %dma_start3A_214 = arith.constant 0 : i32
      %dma_start3A_215 = arith.constant 0 : i32
      %dma_start3A_216 = tpu.memref_slice %arg8[%dma_start3A_213, %dma_start3A_214, %dma_start3A_215] : memref<2x128x128xf32, #tpu.memory_space<vmem>> -> memref<1x128x128xf32, #tpu.memory_space<vmem>>
      %dma_start3A_217 = tpu.memref_squeeze %dma_start3A_216 : memref<1x128x128xf32, #tpu.memory_space<vmem>> -> memref<128x128xf32, #tpu.memory_space<vmem>>
      %dma_start3A_218 = arith.constant 0 : i32
      %dma_start3A_219 = tpu.memref_slice %arg6[%add3A_202, %dma_start3A_218] : memref<8x128xi32, #tpu.memory_space<vmem>> -> memref<1x128xi32, #tpu.memory_space<vmem>>
      %dma_start3A_220 = tpu.memref_squeeze %dma_start3A_219 : memref<1x128xi32, #tpu.memory_space<vmem>> -> memref<128xi32, #tpu.memory_space<vmem>>
      %dma_start3A_221 = arith.constant 0 : i32
      %dma_start3A_222 = arith.constant 0 : i32
      %dma_start3A_223 = tpu.memref_slice %arg2[%dma_start3A_221, %dma_start3A_222] : memref<10000x128xf32, #tpu.memory_space<hbm>> -> memref<10000x128xf32, #tpu.memory_space<hbm>>
      tpu.enqueue_indirect_dma source(%dma_start3A_223 : memref<10000x128xf32, #tpu.memory_space<hbm>>) target(%dma_start3A_217 : memref<128x128xf32, #tpu.memory_space<vmem>>) offsets(%dma_start3A_220 : memref<128xi32, #tpu.memory_space<vmem>>) semaphore(%arg11 : memref<!tpu.dma_semaphore, #tpu.memory_space<semaphore_mem>>)
      %dma_start3A_224 = arith.constant 0 : i32
      %dma_start3A_225 = arith.constant 0 : i32
      %dma_start3A_226 = arith.constant 0 : i32
      %dma_start3A_227 = tpu.memref_slice %arg8[%dma_start3A_224, %dma_start3A_225, %dma_start3A_226] : memref<2x128x128xf32, #tpu.memory_space<vmem>> -> memref<1x128x128xf32, #tpu.memory_space<vmem>>
      %dma_start3A_228 = tpu.memref_squeeze %dma_start3A_227 : memref<1x128x128xf32, #tpu.memory_space<vmem>> -> memref<128x128xf32, #tpu.memory_space<vmem>>
      %dma_start3A_229 = arith.constant 0 : i32
      %dma_start3A_230 = tpu.memref_slice %arg7[%mul3A_200, %dma_start3A_229] : memref<8x128xi32, #tpu.memory_space<vmem>> -> memref<1x128xi32, #tpu.memory_space<vmem>>
      %dma_start3A_231 = tpu.memref_squeeze %dma_start3A_230 : memref<1x128xi32, #tpu.memory_space<vmem>> -> memref<128xi32, #tpu.memory_space<vmem>>
      %dma_start3A_232 = arith.constant 0 : i32
      %dma_start3A_233 = arith.constant 0 : i32
      %dma_start3A_234 = tpu.memref_slice %arg9[%dma_start3A_232, %dma_start3A_233] : memref<10240x128xf32, #tpu.memory_space<vmem_shared>> -> memref<10240x128xf32, #tpu.memory_space<vmem_shared>>
      tpu.enqueue_indirect_dma source(%dma_start3A_228 : memref<128x128xf32, #tpu.memory_space<vmem>>) target(%dma_start3A_234 : memref<10240x128xf32, #tpu.memory_space<vmem_shared>>) offsets(%dma_start3A_231 : memref<128xi32, #tpu.memory_space<vmem>>) semaphore(%arg12 : memref<!tpu.dma_semaphore, #tpu.memory_space<semaphore_mem>>) {add = true}
      %dma_wait3A_235 = arith.constant 1 : i32
      %dma_wait3A_236 = arith.constant 0 : i32
      %dma_wait3A_237 = arith.constant 0 : i32
      %dma_wait3A_238 = tpu.memref_slice %arg8[%dma_wait3A_235, %dma_wait3A_236, %dma_wait3A_237] : memref<2x128x128xf32, #tpu.memory_space<vmem>> -> memref<1x128x128xf32, #tpu.memory_space<vmem>>
      %dma_wait3A_239 = tpu.memref_squeeze %dma_wait3A_238 : memref<1x128x128xf32, #tpu.memory_space<vmem>> -> memref<128x128xf32, #tpu.memory_space<vmem>>
      %dma_wait3A_240 = arith.constant 0 : i32
      %dma_wait3A_241 = tpu.memref_slice %arg6[%add3A_202, %dma_wait3A_240] : memref<8x128xi32, #tpu.memory_space<vmem>> -> memref<1x128xi32, #tpu.memory_space<vmem>>
      %dma_wait3A_242 = tpu.memref_squeeze %dma_wait3A_241 : memref<1x128xi32, #tpu.memory_space<vmem>> -> memref<128xi32, #tpu.memory_space<vmem>>
      %dma_wait3A_243 = arith.constant 0 : i32
      %dma_wait3A_244 = arith.constant 0 : i32
      %dma_wait3A_245 = tpu.memref_slice %arg2[%dma_wait3A_243, %dma_wait3A_244] : memref<10000x128xf32, #tpu.memory_space<hbm>> -> memref<10000x128xf32, #tpu.memory_space<hbm>>
      tpu.wait_indirect_dma semaphore(%arg11 : memref<!tpu.dma_semaphore, #tpu.memory_space<semaphore_mem>>) src(%dma_wait3A_245 : memref<10000x128xf32, #tpu.memory_space<hbm>>) dst(%dma_wait3A_239 : memref<128x128xf32, #tpu.memory_space<vmem>>)
      %dma_wait3A_246 = arith.constant 0 : i32
      %dma_wait3A_247 = arith.constant 0 : i32
      %dma_wait3A_248 = arith.constant 0 : i32
      %dma_wait3A_249 = tpu.memref_slice %arg8[%dma_wait3A_246, %dma_wait3A_247, %dma_wait3A_248] : memref<2x128x128xf32, #tpu.memory_space<vmem>> -> memref<1x128x128xf32, #tpu.memory_space<vmem>>
      %dma_wait3A_250 = tpu.memref_squeeze %dma_wait3A_249 : memref<1x128x128xf32, #tpu.memory_space<vmem>> -> memref<128x128xf32, #tpu.memory_space<vmem>>
      %dma_wait3A_251 = arith.constant 0 : i32
      %dma_wait3A_252 = tpu.memref_slice %arg7[%mul3A_200, %dma_wait3A_251] : memref<8x128xi32, #tpu.memory_space<vmem>> -> memref<1x128xi32, #tpu.memory_space<vmem>>
      %dma_wait3A_253 = tpu.memref_squeeze %dma_wait3A_252 : memref<1x128xi32, #tpu.memory_space<vmem>> -> memref<128xi32, #tpu.memory_space<vmem>>
      %dma_wait3A_254 = arith.constant 0 : i32
      %dma_wait3A_255 = arith.constant 0 : i32
      %dma_wait3A_256 = tpu.memref_slice %arg9[%dma_wait3A_254, %dma_wait3A_255] : memref<10240x128xf32, #tpu.memory_space<vmem_shared>> -> memref<10240x128xf32, #tpu.memory_space<vmem_shared>>
      tpu.wait_indirect_dma semaphore(%arg12 : memref<!tpu.dma_semaphore, #tpu.memory_space<semaphore_mem>>) src(%dma_wait3A_250 : memref<128x128xf32, #tpu.memory_space<vmem>>) dst(%dma_wait3A_256 : memref<10240x128xf32, #tpu.memory_space<vmem_shared>>)
      %lt3A = arith.constant 3 : i32
      %lt3A_257 = arith.cmpi slt, %scan3A_198, %lt3A : i32
      %convert_element_type3A = arith.extui %lt3A_257 : i1 to i32
      %cond3A = arith.constant 0 : i32
      %cond3A_258 = arith.cmpi ne, %convert_element_type3A, %cond3A : i32
      scf.if %cond3A_258 {
        %add3A_281 = arith.constant 2 : i32
        %add3A_282 = arith.addi %mul3A_200, %add3A_281 : i32
        %dma_start3A_283 = arith.constant 0 : i32
        %dma_start3A_284 = arith.constant 0 : i32
        %dma_start3A_285 = arith.constant 0 : i32
        %dma_start3A_286 = tpu.memref_slice %arg8[%dma_start3A_283, %dma_start3A_284, %dma_start3A_285] : memref<2x128x128xf32, #tpu.memory_space<vmem>> -> memref<1x128x128xf32, #tpu.memory_space<vmem>>
        %dma_start3A_287 = tpu.memref_squeeze %dma_start3A_286 : memref<1x128x128xf32, #tpu.memory_space<vmem>> -> memref<128x128xf32, #tpu.memory_space<vmem>>
        %dma_start3A_288 = arith.constant 0 : i32
        %dma_start3A_289 = tpu.memref_slice %arg6[%add3A_282, %dma_start3A_288] : memref<8x128xi32, #tpu.memory_space<vmem>> -> memref<1x128xi32, #tpu.memory_space<vmem>>
        %dma_start3A_290 = tpu.memref_squeeze %dma_start3A_289 : memref<1x128xi32, #tpu.memory_space<vmem>> -> memref<128xi32, #tpu.memory_space<vmem>>
        %dma_start3A_291 = arith.constant 0 : i32
        %dma_start3A_292 = arith.constant 0 : i32
        %dma_start3A_293 = tpu.memref_slice %arg2[%dma_start3A_291, %dma_start3A_292] : memref<10000x128xf32, #tpu.memory_space<hbm>> -> memref<10000x128xf32, #tpu.memory_space<hbm>>
        tpu.enqueue_indirect_dma source(%dma_start3A_293 : memref<10000x128xf32, #tpu.memory_space<hbm>>) target(%dma_start3A_287 : memref<128x128xf32, #tpu.memory_space<vmem>>) offsets(%dma_start3A_290 : memref<128xi32, #tpu.memory_space<vmem>>) semaphore(%arg10 : memref<!tpu.dma_semaphore, #tpu.memory_space<semaphore_mem>>)
      } else {
      }
      %dma_start3A_259 = arith.constant 1 : i32
      %dma_start3A_260 = arith.constant 0 : i32
      %dma_start3A_261 = arith.constant 0 : i32
      %dma_start3A_262 = tpu.memref_slice %arg8[%dma_start3A_259, %dma_start3A_260, %dma_start3A_261] : memref<2x128x128xf32, #tpu.memory_space<vmem>> -> memref<1x128x128xf32, #tpu.memory_space<vmem>>
      %dma_start3A_263 = tpu.memref_squeeze %dma_start3A_262 : memref<1x128x128xf32, #tpu.memory_space<vmem>> -> memref<128x128xf32, #tpu.memory_space<vmem>>
      %dma_start3A_264 = arith.constant 0 : i32
      %dma_start3A_265 = tpu.memref_slice %arg7[%add3A_202, %dma_start3A_264] : memref<8x128xi32, #tpu.memory_space<vmem>> -> memref<1x128xi32, #tpu.memory_space<vmem>>
      %dma_start3A_266 = tpu.memref_squeeze %dma_start3A_265 : memref<1x128xi32, #tpu.memory_space<vmem>> -> memref<128xi32, #tpu.memory_space<vmem>>
      %dma_start3A_267 = arith.constant 0 : i32
      %dma_start3A_268 = arith.constant 0 : i32
      %dma_start3A_269 = tpu.memref_slice %arg9[%dma_start3A_267, %dma_start3A_268] : memref<10240x128xf32, #tpu.memory_space<vmem_shared>> -> memref<10240x128xf32, #tpu.memory_space<vmem_shared>>
      tpu.enqueue_indirect_dma source(%dma_start3A_263 : memref<128x128xf32, #tpu.memory_space<vmem>>) target(%dma_start3A_269 : memref<10240x128xf32, #tpu.memory_space<vmem_shared>>) offsets(%dma_start3A_266 : memref<128xi32, #tpu.memory_space<vmem>>) semaphore(%arg13 : memref<!tpu.dma_semaphore, #tpu.memory_space<semaphore_mem>>) {add = true}
      %dma_wait3A_270 = arith.constant 1 : i32
      %dma_wait3A_271 = arith.constant 0 : i32
      %dma_wait3A_272 = arith.constant 0 : i32
      %dma_wait3A_273 = tpu.memref_slice %arg8[%dma_wait3A_270, %dma_wait3A_271, %dma_wait3A_272] : memref<2x128x128xf32, #tpu.memory_space<vmem>> -> memref<1x128x128xf32, #tpu.memory_space<vmem>>
      %dma_wait3A_274 = tpu.memref_squeeze %dma_wait3A_273 : memref<1x128x128xf32, #tpu.memory_space<vmem>> -> memref<128x128xf32, #tpu.memory_space<vmem>>
      %dma_wait3A_275 = arith.constant 0 : i32
      %dma_wait3A_276 = tpu.memref_slice %arg7[%add3A_202, %dma_wait3A_275] : memref<8x128xi32, #tpu.memory_space<vmem>> -> memref<1x128xi32, #tpu.memory_space<vmem>>
      %dma_wait3A_277 = tpu.memref_squeeze %dma_wait3A_276 : memref<1x128xi32, #tpu.memory_space<vmem>> -> memref<128xi32, #tpu.memory_space<vmem>>
      %dma_wait3A_278 = arith.constant 0 : i32
      %dma_wait3A_279 = arith.constant 0 : i32
      %dma_wait3A_280 = tpu.memref_slice %arg9[%dma_wait3A_278, %dma_wait3A_279] : memref<10240x128xf32, #tpu.memory_space<vmem_shared>> -> memref<10240x128xf32, #tpu.memory_space<vmem_shared>>
      tpu.wait_indirect_dma semaphore(%arg13 : memref<!tpu.dma_semaphore, #tpu.memory_space<semaphore_mem>>) src(%dma_wait3A_274 : memref<128x128xf32, #tpu.memory_space<vmem>>) dst(%dma_wait3A_280 : memref<10240x128xf32, #tpu.memory_space<vmem_shared>>)
    }
    %scan3A_172 = arith.constant 4 : i32
    "tpu.region"() ({
      %run_scoped3A = tpu.sem_alloc : memref<!tpu.dma_semaphore, #tpu.memory_space<semaphore_mem>>
      %dma_start3A_198 = arith.constant 72 : i32
      %dma_start3A_199 = arith.constant 0 : i32
      %dma_start3A_200 = tpu.memref_slice %arg3[%add3A, %dma_start3A_198, %dma_start3A_199] : memref<32x80x128xi32, #tpu.memory_space<hbm>> -> memref<1x8x128xi32, #tpu.memory_space<hbm>>
      %dma_start3A_201 = tpu.memref_squeeze %dma_start3A_200 : memref<1x8x128xi32, #tpu.memory_space<hbm>> -> memref<8x128xi32, #tpu.memory_space<hbm>>
      %dma_start3A_202 = arith.constant 72 : i32
      %dma_start3A_203 = arith.constant 0 : i32
      %dma_start3A_204 = tpu.memref_slice %arg3[%add3A, %dma_start3A_202, %dma_start3A_203] : memref<32x80x128xi32, #tpu.memory_space<hbm>> -> memref<1x8x128xi32, #tpu.memory_space<hbm>>
      %dma_start3A_205 = tpu.memref_squeeze %dma_start3A_204 : memref<1x8x128xi32, #tpu.memory_space<hbm>> -> memref<8x128xi32, #tpu.memory_space<hbm>>
      tpu.enqueue_dma source(%dma_start3A_205 : memref<8x128xi32, #tpu.memory_space<hbm>>) target(%arg6 : memref<8x128xi32, #tpu.memory_space<vmem>>) target_semaphore(%run_scoped3A : memref<!tpu.dma_semaphore, #tpu.memory_space<semaphore_mem>>)
      %dma_wait3A = arith.constant 72 : i32
      %dma_wait3A_206 = arith.constant 0 : i32
      %dma_wait3A_207 = tpu.memref_slice %arg3[%add3A, %dma_wait3A, %dma_wait3A_206] : memref<32x80x128xi32, #tpu.memory_space<hbm>> -> memref<1x8x128xi32, #tpu.memory_space<hbm>>
      %dma_wait3A_208 = tpu.memref_squeeze %dma_wait3A_207 : memref<1x8x128xi32, #tpu.memory_space<hbm>> -> memref<8x128xi32, #tpu.memory_space<hbm>>
      %dma_wait3A_209 = arith.constant 72 : i32
      %dma_wait3A_210 = arith.constant 0 : i32
      %dma_wait3A_211 = tpu.memref_slice %arg3[%add3A, %dma_wait3A_209, %dma_wait3A_210] : memref<32x80x128xi32, #tpu.memory_space<hbm>> -> memref<1x8x128xi32, #tpu.memory_space<hbm>>
      %dma_wait3A_212 = tpu.memref_squeeze %dma_wait3A_211 : memref<1x8x128xi32, #tpu.memory_space<hbm>> -> memref<8x128xi32, #tpu.memory_space<hbm>>
      tpu.wait_dma2 semaphore(%run_scoped3A : memref<!tpu.dma_semaphore, #tpu.memory_space<semaphore_mem>>) src(%dma_wait3A_212 : memref<8x128xi32, #tpu.memory_space<hbm>>) dst(%arg6 : memref<8x128xi32, #tpu.memory_space<vmem>>)
      tpu.yield
    }) : () -> ()
    "tpu.region"() ({
      %run_scoped3A = tpu.sem_alloc : memref<!tpu.dma_semaphore, #tpu.memory_space<semaphore_mem>>
      %dma_start3A_198 = arith.constant 72 : i32
      %dma_start3A_199 = arith.constant 0 : i32
      %dma_start3A_200 = tpu.memref_slice %arg4[%add3A, %dma_start3A_198, %dma_start3A_199] : memref<32x80x128xi32, #tpu.memory_space<hbm>> -> memref<1x8x128xi32, #tpu.memory_space<hbm>>
      %dma_start3A_201 = tpu.memref_squeeze %dma_start3A_200 : memref<1x8x128xi32, #tpu.memory_space<hbm>> -> memref<8x128xi32, #tpu.memory_space<hbm>>
      %dma_start3A_202 = arith.constant 72 : i32
      %dma_start3A_203 = arith.constant 0 : i32
      %dma_start3A_204 = tpu.memref_slice %arg4[%add3A, %dma_start3A_202, %dma_start3A_203] : memref<32x80x128xi32, #tpu.memory_space<hbm>> -> memref<1x8x128xi32, #tpu.memory_space<hbm>>
      %dma_start3A_205 = tpu.memref_squeeze %dma_start3A_204 : memref<1x8x128xi32, #tpu.memory_space<hbm>> -> memref<8x128xi32, #tpu.memory_space<hbm>>
      tpu.enqueue_dma source(%dma_start3A_205 : memref<8x128xi32, #tpu.memory_space<hbm>>) target(%arg7 : memref<8x128xi32, #tpu.memory_space<vmem>>) target_semaphore(%run_scoped3A : memref<!tpu.dma_semaphore, #tpu.memory_space<semaphore_mem>>)
      %dma_wait3A = arith.constant 72 : i32
      %dma_wait3A_206 = arith.constant 0 : i32
      %dma_wait3A_207 = tpu.memref_slice %arg4[%add3A, %dma_wait3A, %dma_wait3A_206] : memref<32x80x128xi32, #tpu.memory_space<hbm>> -> memref<1x8x128xi32, #tpu.memory_space<hbm>>
      %dma_wait3A_208 = tpu.memref_squeeze %dma_wait3A_207 : memref<1x8x128xi32, #tpu.memory_space<hbm>> -> memref<8x128xi32, #tpu.memory_space<hbm>>
      %dma_wait3A_209 = arith.constant 72 : i32
      %dma_wait3A_210 = arith.constant 0 : i32
      %dma_wait3A_211 = tpu.memref_slice %arg4[%add3A, %dma_wait3A_209, %dma_wait3A_210] : memref<32x80x128xi32, #tpu.memory_space<hbm>> -> memref<1x8x128xi32, #tpu.memory_space<hbm>>
      %dma_wait3A_212 = tpu.memref_squeeze %dma_wait3A_211 : memref<1x8x128xi32, #tpu.memory_space<hbm>> -> memref<8x128xi32, #tpu.memory_space<hbm>>
      tpu.wait_dma2 semaphore(%run_scoped3A : memref<!tpu.dma_semaphore, #tpu.memory_space<semaphore_mem>>) src(%dma_wait3A_212 : memref<8x128xi32, #tpu.memory_space<hbm>>) dst(%arg7 : memref<8x128xi32, #tpu.memory_space<vmem>>)
      tpu.yield
    }) : () -> ()
    %dma_start3A_173 = arith.constant 0 : i32
    %dma_start3A_174 = arith.constant 0 : i32
    %dma_start3A_175 = arith.constant 0 : i32
    %dma_start3A_176 = arith.constant 0 : i32
    %dma_start3A_177 = tpu.memref_slice %arg8[%dma_start3A_174, %dma_start3A_175, %dma_start3A_176] : memref<2x128x128xf32, #tpu.memory_space<vmem>> -> memref<1x128x128xf32, #tpu.memory_space<vmem>>
    %dma_start3A_178 = tpu.memref_squeeze %dma_start3A_177 : memref<1x128x128xf32, #tpu.memory_space<vmem>> -> memref<128x128xf32, #tpu.memory_space<vmem>>
    %dma_start3A_179 = arith.constant 0 : i32
    %dma_start3A_180 = tpu.memref_slice %arg6[%dma_start3A_173, %dma_start3A_179] : memref<8x128xi32, #tpu.memory_space<vmem>> -> memref<1x128xi32, #tpu.memory_space<vmem>>
    %dma_start3A_181 = tpu.memref_squeeze %dma_start3A_180 : memref<1x128xi32, #tpu.memory_space<vmem>> -> memref<128xi32, #tpu.memory_space<vmem>>
    %dma_start3A_182 = arith.constant 0 : i32
    %dma_start3A_183 = arith.constant 0 : i32
    %dma_start3A_184 = tpu.memref_slice %arg2[%dma_start3A_182, %dma_start3A_183] : memref<10000x128xf32, #tpu.memory_space<hbm>> -> memref<10000x128xf32, #tpu.memory_space<hbm>>
    tpu.enqueue_indirect_dma source(%dma_start3A_184 : memref<10000x128xf32, #tpu.memory_space<hbm>>) target(%dma_start3A_178 : memref<128x128xf32, #tpu.memory_space<vmem>>) offsets(%dma_start3A_181 : memref<128xi32, #tpu.memory_space<vmem>>) semaphore(%arg10 : memref<!tpu.dma_semaphore, #tpu.memory_space<semaphore_mem>>)
    %scan3A_185 = arith.constant 0 : i32
    %scan3A_186 = arith.constant 0 : i32
    %scan3A_187 = arith.constant 4 : i32
    %scan3A_188 = arith.addi %scan3A_186, %scan3A_187 : i32
    %scan3A_189 = arith.constant 1 : i32
    scf.for %scan3A_198 = %scan3A_186 to %scan3A_188 step %scan3A_189  : i32 {
      %mul3A_199 = arith.constant 2 : i32
      %mul3A_200 = arith.muli %scan3A_198, %mul3A_199 : i32
      %add3A_201 = arith.constant 1 : i32
      %add3A_202 = arith.addi %mul3A_200, %add3A_201 : i32
      %dma_wait3A = arith.constant 0 : i32
      %dma_wait3A_203 = arith.constant 0 : i32
      %dma_wait3A_204 = arith.constant 0 : i32
      %dma_wait3A_205 = tpu.memref_slice %arg8[%dma_wait3A, %dma_wait3A_203, %dma_wait3A_204] : memref<2x128x128xf32, #tpu.memory_space<vmem>> -> memref<1x128x128xf32, #tpu.memory_space<vmem>>
      %dma_wait3A_206 = tpu.memref_squeeze %dma_wait3A_205 : memref<1x128x128xf32, #tpu.memory_space<vmem>> -> memref<128x128xf32, #tpu.memory_space<vmem>>
      %dma_wait3A_207 = arith.constant 0 : i32
      %dma_wait3A_208 = tpu.memref_slice %arg6[%mul3A_200, %dma_wait3A_207] : memref<8x128xi32, #tpu.memory_space<vmem>> -> memref<1x128xi32, #tpu.memory_space<vmem>>
      %dma_wait3A_209 = tpu.memref_squeeze %dma_wait3A_208 : memref<1x128xi32, #tpu.memory_space<vmem>> -> memref<128xi32, #tpu.memory_space<vmem>>
      %dma_wait3A_210 = arith.constant 0 : i32
      %dma_wait3A_211 = arith.constant 0 : i32
      %dma_wait3A_212 = tpu.memref_slice %arg2[%dma_wait3A_210, %dma_wait3A_211] : memref<10000x128xf32, #tpu.memory_space<hbm>> -> memref<10000x128xf32, #tpu.memory_space<hbm>>
      tpu.wait_indirect_dma semaphore(%arg10 : memref<!tpu.dma_semaphore, #tpu.memory_space<semaphore_mem>>) src(%dma_wait3A_212 : memref<10000x128xf32, #tpu.memory_space<hbm>>) dst(%dma_wait3A_206 : memref<128x128xf32, #tpu.memory_space<vmem>>)
      %dma_start3A_213 = arith.constant 1 : i32
      %dma_start3A_214 = arith.constant 0 : i32
      %dma_start3A_215 = arith.constant 0 : i32
      %dma_start3A_216 = tpu.memref_slice %arg8[%dma_start3A_213, %dma_start3A_214, %dma_start3A_215] : memref<2x128x128xf32, #tpu.memory_space<vmem>> -> memref<1x128x128xf32, #tpu.memory_space<vmem>>
      %dma_start3A_217 = tpu.memref_squeeze %dma_start3A_216 : memref<1x128x128xf32, #tpu.memory_space<vmem>> -> memref<128x128xf32, #tpu.memory_space<vmem>>
      %dma_start3A_218 = arith.constant 0 : i32
      %dma_start3A_219 = tpu.memref_slice %arg6[%add3A_202, %dma_start3A_218] : memref<8x128xi32, #tpu.memory_space<vmem>> -> memref<1x128xi32, #tpu.memory_space<vmem>>
      %dma_start3A_220 = tpu.memref_squeeze %dma_start3A_219 : memref<1x128xi32, #tpu.memory_space<vmem>> -> memref<128xi32, #tpu.memory_space<vmem>>
      %dma_start3A_221 = arith.constant 0 : i32
      %dma_start3A_222 = arith.constant 0 : i32
      %dma_start3A_223 = tpu.memref_slice %arg2[%dma_start3A_221, %dma_start3A_222] : memref<10000x128xf32, #tpu.memory_space<hbm>> -> memref<10000x128xf32, #tpu.memory_space<hbm>>
      tpu.enqueue_indirect_dma source(%dma_start3A_223 : memref<10000x128xf32, #tpu.memory_space<hbm>>) target(%dma_start3A_217 : memref<128x128xf32, #tpu.memory_space<vmem>>) offsets(%dma_start3A_220 : memref<128xi32, #tpu.memory_space<vmem>>) semaphore(%arg11 : memref<!tpu.dma_semaphore, #tpu.memory_space<semaphore_mem>>)
      %dma_start3A_224 = arith.constant 0 : i32
      %dma_start3A_225 = arith.constant 0 : i32
      %dma_start3A_226 = arith.constant 0 : i32
      %dma_start3A_227 = tpu.memref_slice %arg8[%dma_start3A_224, %dma_start3A_225, %dma_start3A_226] : memref<2x128x128xf32, #tpu.memory_space<vmem>> -> memref<1x128x128xf32, #tpu.memory_space<vmem>>
      %dma_start3A_228 = tpu.memref_squeeze %dma_start3A_227 : memref<1x128x128xf32, #tpu.memory_space<vmem>> -> memref<128x128xf32, #tpu.memory_space<vmem>>
      %dma_start3A_229 = arith.constant 0 : i32
      %dma_start3A_230 = tpu.memref_slice %arg7[%mul3A_200, %dma_start3A_229] : memref<8x128xi32, #tpu.memory_space<vmem>> -> memref<1x128xi32, #tpu.memory_space<vmem>>
      %dma_start3A_231 = tpu.memref_squeeze %dma_start3A_230 : memref<1x128xi32, #tpu.memory_space<vmem>> -> memref<128xi32, #tpu.memory_space<vmem>>
      %dma_start3A_232 = arith.constant 0 : i32
      %dma_start3A_233 = arith.constant 0 : i32
      %dma_start3A_234 = tpu.memref_slice %arg9[%dma_start3A_232, %dma_start3A_233] : memref<10240x128xf32, #tpu.memory_space<vmem_shared>> -> memref<10240x128xf32, #tpu.memory_space<vmem_shared>>
      tpu.enqueue_indirect_dma source(%dma_start3A_228 : memref<128x128xf32, #tpu.memory_space<vmem>>) target(%dma_start3A_234 : memref<10240x128xf32, #tpu.memory_space<vmem_shared>>) offsets(%dma_start3A_231 : memref<128xi32, #tpu.memory_space<vmem>>) semaphore(%arg12 : memref<!tpu.dma_semaphore, #tpu.memory_space<semaphore_mem>>) {add = true}
      %dma_wait3A_235 = arith.constant 1 : i32
      %dma_wait3A_236 = arith.constant 0 : i32
      %dma_wait3A_237 = arith.constant 0 : i32
      %dma_wait3A_238 = tpu.memref_slice %arg8[%dma_wait3A_235, %dma_wait3A_236, %dma_wait3A_237] : memref<2x128x128xf32, #tpu.memory_space<vmem>> -> memref<1x128x128xf32, #tpu.memory_space<vmem>>
      %dma_wait3A_239 = tpu.memref_squeeze %dma_wait3A_238 : memref<1x128x128xf32, #tpu.memory_space<vmem>> -> memref<128x128xf32, #tpu.memory_space<vmem>>
      %dma_wait3A_240 = arith.constant 0 : i32
      %dma_wait3A_241 = tpu.memref_slice %arg6[%add3A_202, %dma_wait3A_240] : memref<8x128xi32, #tpu.memory_space<vmem>> -> memref<1x128xi32, #tpu.memory_space<vmem>>
      %dma_wait3A_242 = tpu.memref_squeeze %dma_wait3A_241 : memref<1x128xi32, #tpu.memory_space<vmem>> -> memref<128xi32, #tpu.memory_space<vmem>>
      %dma_wait3A_243 = arith.constant 0 : i32
      %dma_wait3A_244 = arith.constant 0 : i32
      %dma_wait3A_245 = tpu.memref_slice %arg2[%dma_wait3A_243, %dma_wait3A_244] : memref<10000x128xf32, #tpu.memory_space<hbm>> -> memref<10000x128xf32, #tpu.memory_space<hbm>>
      tpu.wait_indirect_dma semaphore(%arg11 : memref<!tpu.dma_semaphore, #tpu.memory_space<semaphore_mem>>) src(%dma_wait3A_245 : memref<10000x128xf32, #tpu.memory_space<hbm>>) dst(%dma_wait3A_239 : memref<128x128xf32, #tpu.memory_space<vmem>>)
      %dma_wait3A_246 = arith.constant 0 : i32
      %dma_wait3A_247 = arith.constant 0 : i32
      %dma_wait3A_248 = arith.constant 0 : i32
      %dma_wait3A_249 = tpu.memref_slice %arg8[%dma_wait3A_246, %dma_wait3A_247, %dma_wait3A_248] : memref<2x128x128xf32, #tpu.memory_space<vmem>> -> memref<1x128x128xf32, #tpu.memory_space<vmem>>
      %dma_wait3A_250 = tpu.memref_squeeze %dma_wait3A_249 : memref<1x128x128xf32, #tpu.memory_space<vmem>> -> memref<128x128xf32, #tpu.memory_space<vmem>>
      %dma_wait3A_251 = arith.constant 0 : i32
      %dma_wait3A_252 = tpu.memref_slice %arg7[%mul3A_200, %dma_wait3A_251] : memref<8x128xi32, #tpu.memory_space<vmem>> -> memref<1x128xi32, #tpu.memory_space<vmem>>
      %dma_wait3A_253 = tpu.memref_squeeze %dma_wait3A_252 : memref<1x128xi32, #tpu.memory_space<vmem>> -> memref<128xi32, #tpu.memory_space<vmem>>
      %dma_wait3A_254 = arith.constant 0 : i32
      %dma_wait3A_255 = arith.constant 0 : i32
      %dma_wait3A_256 = tpu.memref_slice %arg9[%dma_wait3A_254, %dma_wait3A_255] : memref<10240x128xf32, #tpu.memory_space<vmem_shared>> -> memref<10240x128xf32, #tpu.memory_space<vmem_shared>>
      tpu.wait_indirect_dma semaphore(%arg12 : memref<!tpu.dma_semaphore, #tpu.memory_space<semaphore_mem>>) src(%dma_wait3A_250 : memref<128x128xf32, #tpu.memory_space<vmem>>) dst(%dma_wait3A_256 : memref<10240x128xf32, #tpu.memory_space<vmem_shared>>)
      %lt3A = arith.constant 3 : i32
      %lt3A_257 = arith.cmpi slt, %scan3A_198, %lt3A : i32
      %convert_element_type3A = arith.extui %lt3A_257 : i1 to i32
      %cond3A = arith.constant 0 : i32
      %cond3A_258 = arith.cmpi ne, %convert_element_type3A, %cond3A : i32
      scf.if %cond3A_258 {
        %add3A_281 = arith.constant 2 : i32
        %add3A_282 = arith.addi %mul3A_200, %add3A_281 : i32
        %dma_start3A_283 = arith.constant 0 : i32
        %dma_start3A_284 = arith.constant 0 : i32
        %dma_start3A_285 = arith.constant 0 : i32
        %dma_start3A_286 = tpu.memref_slice %arg8[%dma_start3A_283, %dma_start3A_284, %dma_start3A_285] : memref<2x128x128xf32, #tpu.memory_space<vmem>> -> memref<1x128x128xf32, #tpu.memory_space<vmem>>
        %dma_start3A_287 = tpu.memref_squeeze %dma_start3A_286 : memref<1x128x128xf32, #tpu.memory_space<vmem>> -> memref<128x128xf32, #tpu.memory_space<vmem>>
        %dma_start3A_288 = arith.constant 0 : i32
        %dma_start3A_289 = tpu.memref_slice %arg6[%add3A_282, %dma_start3A_288] : memref<8x128xi32, #tpu.memory_space<vmem>> -> memref<1x128xi32, #tpu.memory_space<vmem>>
        %dma_start3A_290 = tpu.memref_squeeze %dma_start3A_289 : memref<1x128xi32, #tpu.memory_space<vmem>> -> memref<128xi32, #tpu.memory_space<vmem>>
        %dma_start3A_291 = arith.constant 0 : i32
        %dma_start3A_292 = arith.constant 0 : i32
        %dma_start3A_293 = tpu.memref_slice %arg2[%dma_start3A_291, %dma_start3A_292] : memref<10000x128xf32, #tpu.memory_space<hbm>> -> memref<10000x128xf32, #tpu.memory_space<hbm>>
        tpu.enqueue_indirect_dma source(%dma_start3A_293 : memref<10000x128xf32, #tpu.memory_space<hbm>>) target(%dma_start3A_287 : memref<128x128xf32, #tpu.memory_space<vmem>>) offsets(%dma_start3A_290 : memref<128xi32, #tpu.memory_space<vmem>>) semaphore(%arg10 : memref<!tpu.dma_semaphore, #tpu.memory_space<semaphore_mem>>)
      } else {
      }
      %dma_start3A_259 = arith.constant 1 : i32
      %dma_start3A_260 = arith.constant 0 : i32
      %dma_start3A_261 = arith.constant 0 : i32
      %dma_start3A_262 = tpu.memref_slice %arg8[%dma_start3A_259, %dma_start3A_260, %dma_start3A_261] : memref<2x128x128xf32, #tpu.memory_space<vmem>> -> memref<1x128x128xf32, #tpu.memory_space<vmem>>
      %dma_start3A_263 = tpu.memref_squeeze %dma_start3A_262 : memref<1x128x128xf32, #tpu.memory_space<vmem>> -> memref<128x128xf32, #tpu.memory_space<vmem>>
      %dma_start3A_264 = arith.constant 0 : i32
      %dma_start3A_265 = tpu.memref_slice %arg7[%add3A_202, %dma_start3A_264] : memref<8x128xi32, #tpu.memory_space<vmem>> -> memref<1x128xi32, #tpu.memory_space<vmem>>
      %dma_start3A_266 = tpu.memref_squeeze %dma_start3A_265 : memref<1x128xi32, #tpu.memory_space<vmem>> -> memref<128xi32, #tpu.memory_space<vmem>>
      %dma_start3A_267 = arith.constant 0 : i32
      %dma_start3A_268 = arith.constant 0 : i32
      %dma_start3A_269 = tpu.memref_slice %arg9[%dma_start3A_267, %dma_start3A_268] : memref<10240x128xf32, #tpu.memory_space<vmem_shared>> -> memref<10240x128xf32, #tpu.memory_space<vmem_shared>>
      tpu.enqueue_indirect_dma source(%dma_start3A_263 : memref<128x128xf32, #tpu.memory_space<vmem>>) target(%dma_start3A_269 : memref<10240x128xf32, #tpu.memory_space<vmem_shared>>) offsets(%dma_start3A_266 : memref<128xi32, #tpu.memory_space<vmem>>) semaphore(%arg13 : memref<!tpu.dma_semaphore, #tpu.memory_space<semaphore_mem>>) {add = true}
      %dma_wait3A_270 = arith.constant 1 : i32
      %dma_wait3A_271 = arith.constant 0 : i32
      %dma_wait3A_272 = arith.constant 0 : i32
      %dma_wait3A_273 = tpu.memref_slice %arg8[%dma_wait3A_270, %dma_wait3A_271, %dma_wait3A_272] : memref<2x128x128xf32, #tpu.memory_space<vmem>> -> memref<1x128x128xf32, #tpu.memory_space<vmem>>
      %dma_wait3A_274 = tpu.memref_squeeze %dma_wait3A_273 : memref<1x128x128xf32, #tpu.memory_space<vmem>> -> memref<128x128xf32, #tpu.memory_space<vmem>>
      %dma_wait3A_275 = arith.constant 0 : i32
      %dma_wait3A_276 = tpu.memref_slice %arg7[%add3A_202, %dma_wait3A_275] : memref<8x128xi32, #tpu.memory_space<vmem>> -> memref<1x128xi32, #tpu.memory_space<vmem>>
      %dma_wait3A_277 = tpu.memref_squeeze %dma_wait3A_276 : memref<1x128xi32, #tpu.memory_space<vmem>> -> memref<128xi32, #tpu.memory_space<vmem>>
      %dma_wait3A_278 = arith.constant 0 : i32
      %dma_wait3A_279 = arith.constant 0 : i32
      %dma_wait3A_280 = tpu.memref_slice %arg9[%dma_wait3A_278, %dma_wait3A_279] : memref<10240x128xf32, #tpu.memory_space<vmem_shared>> -> memref<10240x128xf32, #tpu.memory_space<vmem_shared>>
      tpu.wait_indirect_dma semaphore(%arg13 : memref<!tpu.dma_semaphore, #tpu.memory_space<semaphore_mem>>) src(%dma_wait3A_274 : memref<128x128xf32, #tpu.memory_space<vmem>>) dst(%dma_wait3A_280 : memref<10240x128xf32, #tpu.memory_space<vmem_shared>>)
    }
    %scan3A_190 = arith.constant 4 : i32
    %barrier3A_191 = arith.constant 0 : index
    tpu.barrier barrier_id(%barrier3A_191)
    %scan3A_192 = arith.constant 0 : i32
    %scan3A_193 = arith.constant 0 : i32
    %scan3A_194 = arith.constant 5 : i32
    %scan3A_195 = arith.addi %scan3A_193, %scan3A_194 : i32
    %scan3A_196 = arith.constant 1 : i32
    scf.for %scan3A_198 = %scan3A_193 to %scan3A_195 step %scan3A_196  : i32 {
      %mul3A_199 = arith.constant 640 : i32
      %mul3A_200 = arith.muli %arg1, %mul3A_199 : i32
      %mul3A_201 = arith.constant 128 : i32
      %mul3A_202 = arith.muli %scan3A_198, %mul3A_201 : i32
      %add3A_203 = arith.addi %mul3A_200, %mul3A_202 : i32
      %multiple_of3A = tpu.assume_multiple %add3A_203, 8 : i32
      "tpu.region"() ({
        %run_scoped3A = tpu.sem_alloc : memref<!tpu.dma_semaphore, #tpu.memory_space<semaphore_mem>>
        %dma_start3A_204 = arith.constant 0 : i32
        %dma_start3A_205 = tpu.memref_slice %arg5[%arg0, %multiple_of3A, %dma_start3A_204] : memref<2x10240x128xf32, #tpu.memory_space<hbm>> -> memref<1x128x128xf32, #tpu.memory_space<hbm>>
        %dma_start3A_206 = tpu.memref_squeeze %dma_start3A_205 : memref<1x128x128xf32, #tpu.memory_space<hbm>> -> memref<128x128xf32, #tpu.memory_space<hbm>>
        %dma_start3A_207 = arith.constant 0 : i32
        %dma_start3A_208 = tpu.memref_slice %arg9[%multiple_of3A, %dma_start3A_207] : memref<10240x128xf32, #tpu.memory_space<vmem_shared>> -> memref<128x128xf32, #tpu.memory_space<vmem_shared>>
        tpu.enqueue_dma source(%dma_start3A_208 : memref<128x128xf32, #tpu.memory_space<vmem_shared>>) target(%dma_start3A_206 : memref<128x128xf32, #tpu.memory_space<hbm>>) target_semaphore(%run_scoped3A : memref<!tpu.dma_semaphore, #tpu.memory_space<semaphore_mem>>)
        %dma_wait3A = arith.constant 0 : i32
        %dma_wait3A_209 = tpu.memref_slice %arg5[%arg0, %multiple_of3A, %dma_wait3A] : memref<2x10240x128xf32, #tpu.memory_space<hbm>> -> memref<1x128x128xf32, #tpu.memory_space<hbm>>
        %dma_wait3A_210 = tpu.memref_squeeze %dma_wait3A_209 : memref<1x128x128xf32, #tpu.memory_space<hbm>> -> memref<128x128xf32, #tpu.memory_space<hbm>>
        %dma_wait3A_211 = arith.constant 0 : i32
        %dma_wait3A_212 = tpu.memref_slice %arg9[%multiple_of3A, %dma_wait3A_211] : memref<10240x128xf32, #tpu.memory_space<vmem_shared>> -> memref<128x128xf32, #tpu.memory_space<vmem_shared>>
        tpu.wait_dma2 semaphore(%run_scoped3A : memref<!tpu.dma_semaphore, #tpu.memory_space<semaphore_mem>>) src(%dma_wait3A_212 : memref<128x128xf32, #tpu.memory_space<vmem_shared>>) dst(%dma_wait3A_210 : memref<128x128xf32, #tpu.memory_space<hbm>>)
        tpu.yield
      }) : () -> ()
    }
    %scan3A_197 = arith.constant 5 : i32
    return
  }
}

module attributes {stable_mosaic.version = 14 : i64} {
  func.func @_mix_mm_tc(%arg0: i32, %arg1: memref<2x2000x128xf32, #tpu.memory_space<vmem>>, %arg2: memref<2000x128xf32, #tpu.memory_space<vmem>>, %arg3: memref<128x128xf32, #tpu.memory_space<vmem>>, %arg4: memref<1x128xf32, #tpu.memory_space<vmem>>, %arg5: memref<2000x128xf32, #tpu.memory_space<vmem>>) attributes {dimension_semantics = [#tpu.dimension_semantics<arbitrary>], iteration_bounds = array<i64: 5>, scalar_prefetch = 0 : i64, scratch_operands = 0 : i64, tpu.core_type = #tpu.core_type<tc>, window_params = [{transform_indices = @transform_0, window_bounds = array<i64: 2, 2000, 128>}, {transform_indices = @transform_1, window_bounds = array<i64: 2000, 128>}, {pipeline_mode = #tpu.pipeline_mode<synchronous>, transform_indices = @transform_2, window_bounds = array<i64: 128, 128>}, {pipeline_mode = #tpu.pipeline_mode<synchronous>, transform_indices = @transform_3, window_bounds = array<i64: 1, 128>}, {transform_indices = @transform_4, window_bounds = array<i64: 2000, 128>}]} {
    %get3A = arith.constant 0 : index
    %get3A_0 = arith.constant 0 : index
    %get3A_1 = arith.constant 0 : index
    %get3A_2 = vector.load %arg1[%get3A, %get3A_0, %get3A_1] : memref<2x2000x128xf32, #tpu.memory_space<vmem>>, vector<1x2000x128xf32>
    %get3A_3 = vector.shape_cast %get3A_2 : vector<1x2000x128xf32> to vector<2000x128xf32>
    %get3A_4 = arith.constant 1 : index
    %get3A_5 = arith.constant 0 : index
    %get3A_6 = arith.constant 0 : index
    %get3A_7 = vector.load %arg1[%get3A_4, %get3A_5, %get3A_6] : memref<2x2000x128xf32, #tpu.memory_space<vmem>>, vector<1x2000x128xf32>
    %get3A_8 = vector.shape_cast %get3A_7 : vector<1x2000x128xf32> to vector<2000x128xf32>
    %add3A = arith.addf %get3A_3, %get3A_8 : vector<2000x128xf32>
    %mul3A = arith.constant 0.899999976 : f32
    %mul3A_9 = vector.broadcast %mul3A : f32 to vector<2000x128xf32>
    %mul3A_10 = arith.mulf %mul3A_9, %add3A : vector<2000x128xf32>
    %get3A_11 = arith.constant 0 : index
    %get3A_12 = arith.constant 0 : index
    %get3A_13 = vector.load %arg2[%get3A_11, %get3A_12] : memref<2000x128xf32, #tpu.memory_space<vmem>>, vector<2000x128xf32>
    %mul3A_14 = arith.constant 1.000000e-01 : f32
    %mul3A_15 = vector.broadcast %mul3A_14 : f32 to vector<2000x128xf32>
    %mul3A_16 = arith.mulf %mul3A_15, %get3A_13 : vector<2000x128xf32>
    %add3A_17 = arith.addf %mul3A_10, %mul3A_16 : vector<2000x128xf32>
    %get3A_18 = arith.constant 0 : index
    %get3A_19 = arith.constant 0 : index
    %get3A_20 = vector.load %arg3[%get3A_18, %get3A_19] : memref<128x128xf32, #tpu.memory_space<vmem>>, vector<128x128xf32>
    %dot_general3A = arith.constant dense<0.000000e+00> : vector<2000x128xf32>
    %dot_general3A_21 = tpu.matmul %add3A_17, %get3A_20, %dot_general3A {dimension_numbers = #tpu.dot_dimension_numbers<[1], [1], [0], [0], [0, 0, 1, 0], [], []>, transpose_lhs_hint = false} : vector<2000x128xf32>, vector<128x128xf32>, vector<2000x128xf32> -> vector<2000x128xf32>
    %get3A_22 = arith.constant 0 : index
    %get3A_23 = arith.constant 0 : index
    %get3A_24 = vector.load %arg4[%get3A_22, %get3A_23] : memref<1x128xf32, #tpu.memory_space<vmem>>, vector<1x128xf32>
    %add3A_25 = vector.broadcast %get3A_24 : vector<1x128xf32> to vector<2000x128xf32>
    %add3A_26 = arith.addf %dot_general3A_21, %add3A_25 : vector<2000x128xf32>
    %mul3A_27 = arith.constant 1.000000e+00 : f32
    %mul3A_28 = vector.broadcast %mul3A_27 : f32 to vector<2000x128xf32>
    %mul3A_29 = arith.mulf %mul3A_28, %add3A_26 : vector<2000x128xf32>
    %mul3A_30 = arith.constant 0.000000e+00 : f32
    %mul3A_31 = vector.broadcast %mul3A_30 : f32 to vector<2000x128xf32>
    %mul3A_32 = arith.mulf %mul3A_31, %add3A_17 : vector<2000x128xf32>
    %add3A_33 = arith.addf %mul3A_29, %mul3A_32 : vector<2000x128xf32>
    %swap3A = arith.constant 0 : index
    %swap3A_34 = arith.constant 0 : index
    %swap3A_35 = vector.load %arg5[%swap3A, %swap3A_34] : memref<2000x128xf32, #tpu.memory_space<vmem>>, vector<2000x128xf32>
    tpu.vector_store %arg5[%swap3A, %swap3A_34], %add3A_33 {strides = array<i32>} : memref<2000x128xf32, #tpu.memory_space<vmem>>, vector<2000x128xf32>,
    return
  }
  func.func @transform_0(%arg0: i32) -> (i32, i32, i32) {
    %c0_i32 = arith.constant 0 : i32
    %c0_i32_0 = arith.constant 0 : i32
    %c0_i32_1 = arith.constant 0 : i32
    return %c0_i32, %arg0, %c0_i32_0 : i32, i32, i32
  }
  func.func @transform_1(%arg0: i32) -> (i32, i32) {
    %c0_i32 = arith.constant 0 : i32
    %c0_i32_0 = arith.constant 0 : i32
    return %arg0, %c0_i32 : i32, i32
  }
  func.func @transform_2(%arg0: i32) -> (i32, i32) {
    %c0_i32 = arith.constant 0 : i32
    %c0_i32_0 = arith.constant 0 : i32
    %c0_i32_1 = arith.constant 0 : i32
    return %c0_i32, %c0_i32_0 : i32, i32
  }
  func.func @transform_3(%arg0: i32) -> (i32, i32) {
    %c0_i32 = arith.constant 0 : i32
    %c0_i32_0 = arith.constant 0 : i32
    %c0_i32_1 = arith.constant 0 : i32
    return %c0_i32, %c0_i32_0 : i32, i32
  }
  func.func @transform_4(%arg0: i32) -> (i32, i32) {
    %c0_i32 = arith.constant 0 : i32
    %c0_i32_0 = arith.constant 0 : i32
    return %arg0, %c0_i32 : i32, i32
  }
}

</mosaic_0001>

<sc_bundles>
// kernel: kernel.4.cloned.1.call-start
scs
__scs_entry_jumppad:
0x0: {  	(pc) =	sbr.rel $0x88, $3  }
0x1: {  	(tag) =	ssettag $0x0;
	lr =	simm.s32 $0x1  }
0x2: {  	[smem:$0x3F9C] =	sst lr;
	_ =	strace $0xD0000000  }
0x3: {  	_ = 	snop  }
0x4: {  	_ = 	snop  }
0x5: {  	_ = 	snop  }
0x6: {  	_ = 	snop  }
0x7: {  	_ = 	snop  }
__scs_overlays_trampoline_lowered:
0x8: {  	[smem:$0x3FAB] =	sst s0  }
0x9: {  	[smem:$0x3FAC] =	sst s1  }
0xa: {  	[smem:$0x3FAD] =	sst s2  }
0xb: {  	[smem:$0x3FAE] =	sst s3  }
0xc: {  	[smem:$0x3FAF] =	sst s4  }
0xd: {  	[smem:$0x3FB0] =	sst s5  }
0xe: {  	[smem:$0x3FB1] =	sst s6  }
0xf: {  	[smem:$0x3FB2] =	sst s7  }
0x10: {  	[smem:$0x3FB3] =	sst s8  }
0x11: {  	[smem:$0x3FB4] =	sst s9;
	s0 =	simm.s32 @!p0 $0x0  }
0x12: {  	s1 =	sld [smem:$0x3F9A];
	s0 =	simm.s32 @p0 $0x1  }
0x13: {  	[smem:$0x3FB5] =	sst s0;
	s0 =	simm.s32 @!p1 $0x0  }
0x14: {  	s2 =	sld [smem:$0x3F99];
	s0 =	simm.s32 @p1 $0x1  }
0x15: {  	[smem:$0x3FB6] =	sst s0;
	s0 =	simm.s32 @!p2 $0x0  }
0x16: {  	s3 =	sld [smem:$0x3FDB];
	s0 =	simm.s32 @p2 $0x1  }
0x17: {  	s4 =	simm.s32 $0x1BF5;
	[smem:$0x3FB8] =	sst s0  }
0x18: {  	s0 =	sld [smem:$0x3F9B];
	_ =	swait.ge [sflag:s4], $0x0  }
0x19: {  	s7 =	sld [smem:$0x3F9C]  }
0x1a: {  	s8 =	sadd.s32 $0xFFFFE003, lr  }
0x1b: {  	s9 =	sadd.s32 $0xFFFFFEF7, lr;
	s5 =	simm.s32 $0xFFFFFFFF;
	p2 =	slt.u32 s8, $0xFFFFF086  }
0x1c: {  	p1 =	slt.u32 s9, $0xF7A;
	s5 =	simm.s32 @!p2 $0x0  }
0x1d: {  	s5 =	simm.s32 @p1 $0x1;
	p0 =	seq.s32 s7, s2  }
0x1e: {  	s7 =	smul.u32 @!p0 $0xF7A, s2;
	p2 =	seq.s32 @!p0 s5, $0x0  }
0x1f: {  	s9 =	smul.u32 $0xF7A, s1;
	s8 =	simm.s32 @!p0 $0x1BF5;
	p2 =	por !p2, p0  }
0x20: {  	[sflag:s8] =	ssyncset.s32 @!p0 $0xFFFFF086;
	s6 =	sadd.s32 @!p0 s3, s7;
	s7 =	simm.s32 @!p0 $0x108  }
0x21: {  	s3 =	sadd.s32 s3, s9;
	s6 =	sadd.s32 @!p0 $0x88, s6;
	s7 =	simm.s32 @p2 $0x1082  }
0x22: {  	[simem:s7], [sflag:s8] =	dma.local @!p0 [hbm:s6], $0xF7A  }
0x23: {  	s9 =	sor.u32 $0xD0000000, s2;
	s6 =	simm.s32 $0x108;
	_ =	swait.ge @!p0 [sflag:s8], $0x0  }
0x24: {  	s3 =	sadd.s32 $0x88, s3;
	s6 =	simm.s32 @!p1 $0x1082;
	[sflag:s4] =	ssyncset.s32 $0xFFFFF086  }
0x25: {  	[simem:s6], [sflag:s4] =	dma.local [hbm:s3], $0xF7A  }
0x26: {  	[smem:$0x3F9C] =	sst s1;
	(tag) =	ssettag s2;
	_ =	strace s9  }
0x27: {  	s1 =	sld [smem:$0x3FAC]  }
0x28: {  	s2 =	sld [smem:$0x3FAD]  }
0x29: {  	s4 =	sld [smem:$0x3FAF]  }
0x2a: {  	p0 =	seq.s32 s5, $0x0;
	s5 =	sld [smem:$0x3FB0]  }
0x2b: {  	s6 =	sld [smem:$0x3FB1]  }
0x2c: {  	s7 =	sld [smem:$0x3FB2]  }
0x2d: {  	s3 =	simm.s32 $0x108;
	s8 =	sld [smem:$0x3FB3]  }
0x2e: {  	s3 =	simm.s32 @!p0 $0x1082;
	s9 =	sld [smem:$0x3FB4]  }
0x2f: {  	lr =	sadd.s32 s0, s3;
	s0 =	sld [smem:$0x3FAB]  }
0x30: {  	s3 =	sld [smem:$0x3FAE]  }
0x31: {  	[smem:$0x3FB7] =	sst s10  }
0x32: {  	s10 =	sld [smem:$0x3FB5];
	_ =	sdelay $0x3  }
0x33: {  	p0 =	seq.s32 s10, $0x1;
	s10 =	sld [smem:$0x3FB7];
	_ =	sdelay $0x3  }
0x34: {  	[smem:$0x3FB7] =	sst s10  }
0x35: {  	s10 =	sld [smem:$0x3FB6];
	_ =	sdelay $0x3  }
0x36: {  	p1 =	seq.s32 s10, $0x1;
	s10 =	sld [smem:$0x3FB7];
	_ =	sdelay $0x3  }
0x37: {  	[smem:$0x3FB7] =	sst s10  }
0x38: {  	s10 =	sld [smem:$0x3FB8]  }
0x39: {  	_ = 	snop;
	(pc) =	sbr.ind lr, $3  }
0x3a: {  	_ = 	snop  }
0x3b: {  	_ = 	snop  }
0x3c: {  	p2 =	seq.s32 s10, $0x1;
	s10 =	sld [smem:$0x3FB7]  }
0x3d: {  	_ =	shalt  }
0x3e: {  	_ =	shalt  }
0x3f: {  	_ =	shalt  }
0x40: {  	_ =	shalt  }
0x41: {  	_ =	shalt  }
0x42: {  	_ =	shalt  }
0x43: {  	_ =	shalt  }
0x44: {  	_ =	shalt  }
0x45: {  	_ =	shalt  }
0x46: {  	_ =	shalt  }
0x47: {  	_ =	shalt  }
0x48: {  	_ =	shalt  }
0x49: {  	_ =	shalt  }
0x4a: {  	_ =	shalt  }
0x4b: {  	_ =	shalt  }
0x4c: {  	_ =	shalt  }
0x4d: {  	_ =	shalt  }
0x4e: {  	_ =	shalt  }
0x4f: {  	_ =	shalt  }
0x50: {  	_ =	shalt  }
0x51: {  	_ =	shalt  }
0x52: {  	_ =	shalt  }
0x53: {  	_ =	shalt  }
0x54: {  	_ =	shalt  }
0x55: {  	_ =	shalt  }
0x56: {  	_ =	shalt  }
0x57: {  	_ =	shalt  }
0x58: {  	_ =	shalt  }
0x59: {  	_ =	shalt  }
0x5a: {  	_ =	shalt  }
0x5b: {  	_ =	shalt  }
0x5c: {  	_ =	shalt  }
0x5d: {  	_ =	shalt  }
0x5e: {  	_ =	shalt  }
0x5f: {  	_ =	shalt  }
0x60: {  	_ =	shalt  }
0x61: {  	_ =	shalt  }
0x62: {  	_ =	shalt  }
0x63: {  	_ =	shalt  }
0x64: {  	_ =	shalt  }
0x65: {  	_ =	shalt  }
0x66: {  	_ =	shalt  }
0x67: {  	_ =	shalt  }
0x68: {  	_ =	shalt  }
0x69: {  	_ =	shalt  }
0x6a: {  	_ =	shalt  }
0x6b: {  	_ =	shalt  }
0x6c: {  	_ =	shalt  }
0x6d: {  	_ =	shalt  }
0x6e: {  	_ =	shalt  }
0x6f: {  	_ =	shalt  }
0x70: {  	_ =	shalt  }
0x71: {  	_ =	shalt  }
0x72: {  	_ =	shalt  }
0x73: {  	_ =	shalt  }
0x74: {  	_ =	shalt  }
0x75: {  	_ =	shalt  }
0x76: {  	_ =	shalt  }
0x77: {  	_ =	shalt  }
0x78: {  	_ =	shalt  }
0x79: {  	_ =	shalt  }
0x7a: {  	_ =	shalt  }
0x7b: {  	_ =	shalt  }
0x7c: {  	_ =	shalt  }
0x7d: {  	_ =	shalt  }
0x7e: {  	_ =	shalt  }
0x7f: {  	_ =	shalt  }
0x80: {  	_ =	shalt  }
0x81: {  	_ =	shalt  }
0x82: {  	_ =	shalt  }
0x83: {  	_ =	shalt  }
0x84: {  	_ =	shalt  }
0x85: {  	_ =	shalt  }
0x86: {  	_ =	shalt  }
0x87: {  	_ =	shalt  }
.Lfunc_end0:
.L_simem_size_0:
called_computation_lowered:
.L_overlay_start_0:
0x88: {  	s2 =	sld [smem:$0x3FD9]  }
0x89: {  	s3 =	sld [smem:$0x3FFE];
	_ =	sdelay $0x1  }
0x8a: {  	s1 =	srdreg.scid  }
0x8b: {  	s0 =	sand.u32 $0x1, s1  }
0x8c: {  	s17 =	sshll.u32 s0, $0xA;
	s2 =	sadd.s32 s3, s2  }
0x8d: {  	s2 =	sadd.s32 s2, s17  }
0x8e: {  	[smem:$0x3FC3] =	sst s2  }
0x8f: {  	_ = 	snop  }
0x90: {  	s2 =	sld [smem:$0x3FC9]  }
0x91: {  	s18 =	sld [smem:$0x3FD0];
	(tm) =	ssettm $0x1  }
0x92: {  	s4 =	sld [smem:$0x3FFB];
	_ =	sdelay $0x3  }
0x93: {  	_ =	strace s4  }
0x94: {  	s4 =	sld [smem:$0x3FFC];
	_ =	sdelay $0x3  }
0x95: {  	_ =	strace s4  }
0x96: {  	s4 =	sld [smem:$0x3FFD];
	_ =	sdelay $0x3  }
0x97: {  	_ =	strace s4  }
0x98: {  	_ =	strace $0x8FFFFFFF  }
0x99: {  	s19 =	sld [smem:$0x3FDB];
	_ =	sdelay $0x1  }
0x9a: {  	s5 =	simm.s32 $_scs_section_size  }
0x9b: {  	s6 =	simm.s32 $_size__tile_overlayer_lowered;
	s7 =	simm.s32 $_tile_overlayer_lowered  }
0x9c: {  	s22 =	simm.s32 $0x1BFF;
	s21 =	sshll.u32 s7, $0x1;
	s4 =	sadd.s32 s5, s19  }
0x9d: {  	s8 =	simm.s32 $0x0;
	s20 =	sshll.u32 s6, $0x1;
	s6 =	sadd.s32 s21, s4  }
0x9e: {  	[timem:s8], [sflag:s22] =	dma.local [hbm:s6], s20  }
0x9f: {  	_ =	swait.ge [sflag:s22], s20  }
0xa0: {  	s5 =	ssub.s32 $0x0, s20;
	[sflag:s22] =	ssyncset.done $0x0  }
0xa1: {  	[sflag:s22] =	ssyncadd.s32 s5;
	_ =	sdelay $0x1  }
0xa2: {  	s23 =	simm.s32 $0x1B8B  }
0xa3: {  	_ =	swait.ge [sflag:s23], $0x1  }
0xa4: {  	[sflag:s23] =	ssyncset.done $0x0  }
0xa5: {  	s25 =	simm.s32 $0x1B8E;
	s24 =	sld [smem:$0x3FFE];
	[sflag:s23] =	ssyncadd.s32 $0xFFFFFFFF  }
0xa6: {  	s26 =	simm.s32 $execute0_lowered;
	[smem:$0x3FD2] =	sst s25  }
0xa7: {  	s6 =	sshll.u32 s26, $0x1;
	_ =	strace $0x80000046;
	[dreg:$0x1] =	wrdreg $0xFFFFFFFF  }
0xa8: {  	s28 =	simm.s32 $_size_execute0_lowered;
	s4 =	sadd.s32 s4, s6;
	[dreg:$0x0] =	wrdreg $0x0  }
0xa9: {  	s6 =	sshll.u32 s28, $0x1;
	[dreg:$0x2] =	wrdreg s4  }
0xaa: {  	[dreg:$0x3] =	wrdreg s6  }
0xab: {  	[dreg:$0x4] =	wrdreg $0xC0  }
0xac: {  	_ =	task [dreg:s8], $0x5FFFF  }
0xad: {  	[dreg:$0x1] =	wrdreg $0xFFFFFFFF  }
0xae: {  	[dreg:$0x0] =	wrdreg $0x60  }
0xaf: {  	[dreg:$0x2] =	wrdreg s2  }
0xb0: {  	[dreg:$0x3] =	wrdreg s18  }
0xb1: {  	[dreg:$0x4] =	wrdreg s24  }
0xb2: {  	[dreg:$0x5] =	wrdreg $0x88000  }
0xb3: {  	[dreg:$0x6] =	wrdreg $0x9  }
0xb4: {  	_ =	task.clear_ibuf [dreg:s8], $0x7FFFF;
	_ =	strace $0x90000046  }
0xb5: {  	s29 =	simm.s32 $0x9;
	_ =	strace $0x80000048  }
0xb6: {  	_ =	swait.ge [sflag:s29], $0x1  }
0xb7: {  	[sflag:s29] =	ssyncadd.s32 $0xFFFFFFFF  }
0xb8: {  	_ =	strace $0x90000048  }
0xb9: {  	_ =	sfence  }
0xba: {  	s30 =	sld [smem:$0x0];
	_ =	sdelay $0x2  }
0xbb: {  	s31 =	sshll.u32 s1, $0xD;
	s1 =	sshrl.u32 s1, $0x2  }
0xbc: {  	s3 =	sand.u32 $0x4000, s31;
	s1 =	sadd.s32 s1, s30  }
0xbd: {  	s0 =	sor.u32 s3, s0;
	s1 =	sshll.u32 s1, $0x11  }
0xbe: {  	s0 =	sor.u32 s1, s0  }
0xbf: {  	s0 =	sadd.s32 $0x8F2B, s0  }
0xc0: {  	[sflag:s0] =	ssyncadd.remote.s32 $0x1  }
0xc1: {  	_ =	sfence.sel $0xFFFF  }
0xc2: {  	[dreg:$0x0] =	wrdreg $0xFFFFFFFF;
	(pc) =	sbr.abs _section_cstart, $3  }
0xc3: {  	[dreg:$0x1] =	wrdreg $0xFFFFFFFF  }
0xc4: {  	_ =	task.clear_ibuf [dreg:s8], $0x2FFFF;
	_ =	strace $0x9FFFFFFF  }
0xc5: {  	(tm) =	ssettm $0x7FFFFFFF  }
tec
execute0_lowered:
.L_overlay_start_1:
0x0: {  	(tag) =	ssettag $0x1  }
0x1: {  	s0 =	srdreg.scid;
	s2 =	rddreg [dreg:$0x1]  }
0x2: {  	s9 =	stileid.u32;
	s4 =	rddreg [dreg:$0x2]  }
0x3: {  	s28 =	rddreg [dreg:$0x3];
	s0 =	sand.u32 $0x1, s0;
	s1 =	sshll.u32 s9, $0x1  }
0x4: {  	s29 =	simm.s32 $0x200;
	s30 =	simm.s32 $0x580;
	s1 =	sor.u32 s0, s1  }
0x5: {  	s31 =	simm.s32 $0x280;
	s5 =	ssub.s32 $0x2, s0;
	s3 =	smul.u32 $0x2800, s1  }
0x6: {  	s6 =	sadd.s32 $0xC00, s4;
	s0 =	smul.u32 $0x140000, s0;
	s7 =	sshrl.u32 s5, $0x1  }
0x7: {  	s1 =	simm.s32 $0x0;
	s5 =	ssub.s32 s5, s7;
	s3 =	sshrl.u32 s3, $0x3  }
0x8: {  	[smem:$0x7FF] =	sst s1;
	s12 =	sadd.s32 s2, s3;
	s13 =	sor.u32 $0x80, s3  }
0x9: {  	s8 =	sadd.s32 s6, s3;
	s15 =	sadd.s32 $0x100, s3;
	[dreg:$0x5] =	wrdreg s12  }
0xa: {  	s17 =	sadd.s32 $0x180, s3;
	[dreg:$0x6] =	wrdreg s8;
	s14 =	sadd.s32 s2, s13  }
0xb: {  	s19 =	sadd.s32 $0x200, s3;
	s7 =	sadd.s32 s6, s13;
	[dreg:$0x7] =	wrdreg s14  }
0xc: {  	s21 =	sadd.s32 $0x280, s3;
	s16 =	sadd.s32 s2, s15;
	[dreg:$0x8] =	wrdreg s7  }
0xd: {  	s23 =	sadd.s32 $0x300, s3;
	s8 =	sadd.s32 s6, s15;
	[dreg:$0x9] =	wrdreg s16  }
0xe: {  	s25 =	sadd.s32 $0x380, s3;
	s18 =	sadd.s32 s2, s17;
	[dreg:$0xa] =	wrdreg s8  }
0xf: {  	s10 =	sadd.s32 $0x400, s3;
	s20 =	sadd.s32 s2, s19;
	[dreg:$0xb] =	wrdreg s18  }
0x10: {  	s3 =	sadd.s32 $0x480, s3;
	s22 =	sadd.s32 s2, s21;
	[dreg:$0xd] =	wrdreg s20  }
0x11: {  	s24 =	sadd.s32 s2, s23;
	s26 =	sadd.s32 s2, s25;
	[dreg:$0xf] =	wrdreg s22  }
0x12: {  	s11 =	sadd.s32 s2, s10;
	s12 =	sadd.s32 s6, s10;
	[dreg:$0x11] =	wrdreg s24  }
0x13: {  	s13 =	smul.u32 $0x14000, s9;
	s2 =	sadd.s32 s2, s3;
	[dreg:$0x13] =	wrdreg s26  }
0x14: {  	s15 =	sadd.s32 $0xAC00, s4;
	s9 =	smul.u32 $0x50000, s9;
	[dreg:$0x15] =	wrdreg s11  }
0x15: {  	s10 =	smax.u32 s5, $0x1;
	s4 =	simm.s32 $0x380;
	[dreg:$0x16] =	wrdreg s12  }
0x16: {  	s5 =	simm.s32 $0x700;
	s7 =	sadd.s32 s6, s17;
	[dreg:$0x17] =	wrdreg s2  }
0x17: {  	s8 =	sadd.s32 s6, s19;
	s14 =	sadd.s32 s6, s3;
	[dreg:$0xc] =	wrdreg s7  }
0x18: {  	[dreg:$0xe] =	wrdreg s8;
	s7 =	sadd.s32 s6, s21;
	s8 =	sadd.s32 s6, s23  }
0x19: {  	[dreg:$0x18] =	wrdreg s14;
	s16 =	sadd.s32 s0, s13;
	s17 =	sadd.s32 $0x4000, s13  }
0x1a: {  	s19 =	sadd.s32 $0x8000, s13;
	s23 =	sadd.s32 $0xC000, s13;
	[dreg:$0x10] =	wrdreg s7  }
0x1b: {  	s24 =	sadd.s32 $0x10000, s13;
	[dreg:$0x12] =	wrdreg s8;
	s7 =	sadd.s32 s6, s25  }
0x1c: {  	s3 =	sshrl.u32 s16, $0x3;
	s18 =	sadd.s32 s0, s17;
	s21 =	sadd.s32 s0, s19  }
0x1d: {  	s26 =	sadd.s32 s0, s23;
	[dreg:$0x14] =	wrdreg s7;
	s3 =	sadd.s32 s15, s3  }
0x1e: {  	s20 =	sshrl.u32 s18, $0x3;
	s7 =	sshrl.u32 s26, $0x3;
	s26 =	rddreg [dreg:$0x0]  }
0x1f: {  	s0 =	sadd.s32 s0, s24;
	[dreg:$0x19] =	wrdreg s3;
	s3 =	sadd.s32 s15, s20  }
0x20: {  	s0 =	sshrl.u32 s0, $0x3;
	s7 =	sadd.s32 s15, s7;
	[dreg:$0x1a] =	wrdreg s3  }
0x21: {  	s22 =	sshrl.u32 s21, $0x3;
	s0 =	sadd.s32 s15, s0;
	[dreg:$0x1c] =	wrdreg s7  }
0x22: {  	s11 =	sshrl.u32 s9, $0x2;
	s3 =	sadd.s32 s15, s22;
	[dreg:$0x1d] =	wrdreg s0  }
0x23: {  	s12 =	sadd.s32 s17, s28;
	s13 =	sadd.s32 s19, s28;
	[dreg:$0x1b] =	wrdreg s3  }
0x24: {  	s0 =	sshrl.u32 s12, $0x3;
	_ =	strace $0x80000047;
	[dreg:$0x1e] =	wrdreg s10  }
0x25: {  	s14 =	sadd.s32 s23, s28;
	s15 =	sshrl.u32 s13, $0x3;
	[dreg:$0x1f] =	wrdreg s0  }
0x26: {  	s25 =	sadd.s32 s11, s28;
	s16 =	sshrl.u32 s14, $0x3;
	[smem:$0x7F4] =	sst s15  }
0x27: {  	s2 =	simm.s32 $0x300;
	s18 =	sadd.s32 $0x2800, s25;
	[smem:$0x7F5] =	sst s16  }
0x28: {  	s6 =	simm.s32 $0x780;
	s19 =	sadd.s32 $0x5000, s25;
	[smem:$0x7F7] =	sst s18  }
0x29: {  	s21 =	sadd.s32 $0xA000, s25;
	s20 =	sadd.s32 $0x7800, s25;
	[smem:$0x7F8] =	sst s19  }
0x2a: {  	s23 =	sadd.s32 $0xF000, s25;
	s14 =	simm.s32 $0x400;
	[smem:$0x7F9] =	sst s20  }
0x2b: {  	s22 =	sadd.s32 $0xC800, s25;
	s12 =	simm.s32 $0x800;
	[smem:$0x7FA] =	sst s21  }
0x2c: {  	s13 =	simm.s32 $0x5;
	s7 =	simm.s32 $0x0;
	[smem:$0x7FB] =	sst s22  }
0x2d: {  	s3 =	sadd.s32 s24, s28;
	s24 =	sadd.s32 $0x11800, s25;
	[smem:$0x7FC] =	sst s23  }
0x2e: {  	s17 =	sshrl.u32 s3, $0x3;
	[smem:$0x7FD] =	sst s24;
	s15 =	simm.s32 $0x80  }
0x2f: {  	s16 =	simm.s32 $0x1;
	s18 =	simm.s32 $0x2;
	s19 =	simm.s32 $0x3  }
0x30: {  	s20 =	simm.s32 $0x100;
	s21 =	simm.s32 $0x480;
	s22 =	simm.s32 $0x4  }
0x31: {  	s23 =	simm.s32 $0x180;
	s24 =	simm.s32 $0x500;
	s0 =	simm.s32 $0x600  }
0x32: {  	v0 =	vimm.f32 $0.0e+00;
	s3 =	simm.s32 $0x680;
	[smem:$0x7F6] =	sst s17;
	s17 =	simm.s32 $0x4800  }
.LBB2_1:
0x33: {  	s8 =	sand.u32 $0xFE00, s1  }
0x34: {  	s9 =	sand.u32 $0x70, s1;
	s10 =	sshrl.u32 s8, $0x2  }
0x35: {  	s8 =	simm.s32 $0x40;
	s10 =	sor.u32 s9, s10;
	s9 =	simm.s32 $0x0  }
.LBB2_2:
0x36: {  	p0 =	sne.s32 s8, $0x9FC0  }
0x37: {  	[tilespmem:s10+$0x800] =	vst v0;
	s9 =	sadd.s32 $0x10, s9;
	s10 =	smov.u32 s8;
	s8 =	sadd.s32 $0x40, s8  }
.Ltmp0:
0x38: {  	(pc) =	sbr.rel @p0 .LBB2_2-.Ltmp0, $4  }
0x39: {  	_ = 	snop  }
0x3a: {  	s10 =	sand.u32 $0xFE00, s10  }
0x3b: {  	s11 =	sand.u32 $0x70, s9;
	s10 =	sshrl.u32 s10, $0x2  }
0x3c: {  	s10 =	sor.u32 s11, s10  }
0x3d: {  	[tilespmem:s10+$0x800] =	vst v0  }
0x3e: {  	[spmem:s25] =	stream.linear.scatter [tilespmem:s12], [sflag:$0x5], $0x2800, $0x38;
	[tilespmem:$0x1C800] =	vst v63  }
0x3f: {  	_ =	swait.ge [sflag:s13], $0x2800  }
0x40: {  	s8 =	sld [smem:$0x7F7]  }
0x41: {  	[sflag:s13] =	ssyncset.done $0x0  }
0x42: {  	[sflag:s13] =	ssyncadd.s32 $0xFFFFD800  }
0x43: {  	[spmem:s8] =	stream.linear.scatter [tilespmem:s12], [sflag:$0x5], $0x2800, $0x38;
	[tilespmem:$0x1C800] =	vst v63  }
0x44: {  	_ =	swait.ge [sflag:s13], $0x2800  }
0x45: {  	s11 =	sld [smem:$0x7F8]  }
0x46: {  	[sflag:s13] =	ssyncset.done $0x0  }
0x47: {  	[sflag:s13] =	ssyncadd.s32 $0xFFFFD800  }
0x48: {  	[spmem:s11] =	stream.linear.scatter [tilespmem:s12], [sflag:$0x5], $0x2800, $0x38;
	[tilespmem:$0x1C800] =	vst v63  }
0x49: {  	_ =	swait.ge [sflag:s13], $0x2800  }
0x4a: {  	s9 =	sld [smem:$0x7F9]  }
0x4b: {  	[sflag:s13] =	ssyncset.done $0x0  }
0x4c: {  	[sflag:s13] =	ssyncadd.s32 $0xFFFFD800  }
0x4d: {  	[spmem:s9] =	stream.linear.scatter [tilespmem:s12], [sflag:$0x5], $0x2800, $0x38;
	[tilespmem:$0x1C800] =	vst v63  }
0x4e: {  	_ =	swait.ge [sflag:s13], $0x2800  }
0x4f: {  	s10 =	sld [smem:$0x7FA]  }
0x50: {  	[sflag:s13] =	ssyncset.done $0x0  }
0x51: {  	[sflag:s13] =	ssyncadd.s32 $0xFFFFD800  }
0x52: {  	[spmem:s10] =	stream.linear.scatter [tilespmem:s12], [sflag:$0x5], $0x2800, $0x38;
	[tilespmem:$0x1C800] =	vst v63  }
0x53: {  	_ =	swait.ge [sflag:s13], $0x2800  }
0x54: {  	s11 =	sld [smem:$0x7FB]  }
0x55: {  	[sflag:s13] =	ssyncset.done $0x0  }
0x56: {  	[sflag:s13] =	ssyncadd.s32 $0xFFFFD800  }
0x57: {  	[spmem:s11] =	stream.linear.scatter [tilespmem:s12], [sflag:$0x5], $0x2800, $0x38;
	[tilespmem:$0x1C800] =	vst v63  }
0x58: {  	_ =	swait.ge [sflag:s13], $0x2800  }
0x59: {  	s9 =	sld [smem:$0x7FC]  }
0x5a: {  	[sflag:s13] =	ssyncset.done $0x0  }
0x5b: {  	[sflag:s13] =	ssyncadd.s32 $0xFFFFD800  }
0x5c: {  	[spmem:s9] =	stream.linear.scatter [tilespmem:s12], [sflag:$0x5], $0x2800, $0x38;
	[tilespmem:$0x1C800] =	vst v63  }
0x5d: {  	_ =	swait.ge [sflag:s13], $0x2800  }
0x5e: {  	s10 =	sld [smem:$0x7FD]  }
0x5f: {  	[sflag:s13] =	ssyncset.done $0x0  }
0x60: {  	[sflag:s13] =	ssyncadd.s32 $0xFFFFD800  }
0x61: {  	[spmem:s10] =	stream.linear.scatter [tilespmem:s12], [sflag:$0x5], $0x2800, $0x38;
	[tilespmem:$0x1C800] =	vst v63  }
0x62: {  	_ =	swait.ge [sflag:s13], $0x2800  }
0x63: {  	[sflag:s13] =	ssyncset.done $0x0  }
0x64: {  	[sflag:s13] =	ssyncadd.s32 $0xFFFFD800  }
0x65: {  	[bflag:$0x0] =	sbarrier.arrive $0xFFFF  }
0x66: {  	s11 =	rddreg [dreg:$0x5]  }
0x67: {  	[tilespmem:s1], [sflag:$0x5] =	stream.linear.gather [hbm4b:s11+s1], $0x400, $0x38;
	[tilespmem:$0x1C800] =	vst v63  }
0x68: {  	_ =	swait.ge [sflag:s13], $0x400  }
0x69: {  	[sflag:s13] =	ssyncset.done $0x0  }
0x6a: {  	s9 =	rddreg [dreg:$0x6];
	[sflag:s13] =	ssyncadd.s32 $0xFFFFFC00  }
0x6b: {  	[tilespmem:s14], [sflag:$0x5] =	stream.linear.gather [hbm4b:s9+s1], $0x400, $0x38;
	[tilespmem:$0x1C800] =	vst v63  }
0x6c: {  	_ =	swait.ge [sflag:s13], $0x400  }
0x6d: {  	[sflag:s13] =	ssyncset.done $0x0  }
0x6e: {  	[sflag:s13] =	ssyncadd.s32 $0xFFFFFC00  }
0x6f: {  	[tilespmem:s12], [sflag:$0x1] =	stream.indirect.gather [hbm4b:s26+s15], $0x80, s1, s15, $0xb8;
	[tilespmem:$0x1C800] =	vst v63  }
0x70: {  	_ =	swait.ge [sflag:s16], $0x4000  }
0x71: {  	[sflag:s16] =	ssyncset.done $0x0  }
0x72: {  	[sflag:s16] =	ssyncadd.s32 $0xFFFFC000  }
0x73: {  	[tilespmem:s17], [sflag:$0x2] =	stream.indirect.gather [hbm4b:s26+s15], $0x80, s15, s15, $0xb8;
	[tilespmem:$0x1C800] =	vst v63  }
0x74: {  	_ = 	snop  }
0x75: {  	[spmem:s28] =	stream.indirect.scatter.add.f32 [tilespmem:s12], [sflag:$0x3], $0x80, s14, s15, $0xb8;
	[tilespmem:$0x1C800] =	vst v63  }
0x76: {  	_ =	swait.ge [sflag:s18], $0x4000  }
0x77: {  	[sflag:s18] =	ssyncset.done $0x0  }
0x78: {  	[sflag:s18] =	ssyncadd.s32 $0xFFFFC000  }
0x79: {  	_ =	swait.ge [sflag:s19], $0x4000  }
0x7a: {  	[sflag:s19] =	ssyncset.done $0x0  }
0x7b: {  	[sflag:s19] =	ssyncadd.s32 $0xFFFFC000  }
0x7c: {  	[tilespmem:s12], [sflag:$0x1] =	stream.indirect.gather [hbm4b:s26+s15], $0x80, s20, s15, $0xb8;
	[tilespmem:$0x1C800] =	vst v63  }
0x7d: {  	_ = 	snop  }
0x7e: {  	[spmem:s28] =	stream.indirect.scatter.add.f32 [tilespmem:s17], [sflag:$0x4], $0x80, s21, s15, $0xb8;
	[tilespmem:$0x1C800] =	vst v63  }
0x7f: {  	_ =	swait.ge [sflag:s22], $0x4000  }
0x80: {  	[sflag:s22] =	ssyncset.done $0x0  }
0x81: {  	[sflag:s22] =	ssyncadd.s32 $0xFFFFC000  }
0x82: {  	_ =	swait.ge [sflag:s16], $0x4000  }
0x83: {  	[sflag:s16] =	ssyncset.done $0x0  }
0x84: {  	[sflag:s16] =	ssyncadd.s32 $0xFFFFC000  }
0x85: {  	[tilespmem:s17], [sflag:$0x2] =	stream.indirect.gather [hbm4b:s26+s15], $0x80, s23, s15, $0xb8;
	[tilespmem:$0x1C800] =	vst v63  }
0x86: {  	_ = 	snop  }
0x87: {  	[spmem:s28] =	stream.indirect.scatter.add.f32 [tilespmem:s12], [sflag:$0x3], $0x80, s24, s15, $0xb8;
	[tilespmem:$0x1C800] =	vst v63  }
0x88: {  	_ =	swait.ge [sflag:s18], $0x4000  }
0x89: {  	[sflag:s18] =	ssyncset.done $0x0  }
0x8a: {  	[sflag:s18] =	ssyncadd.s32 $0xFFFFC000  }
0x8b: {  	_ =	swait.ge [sflag:s19], $0x4000  }
0x8c: {  	[sflag:s19] =	ssyncset.done $0x0  }
0x8d: {  	[sflag:s19] =	ssyncadd.s32 $0xFFFFC000  }
0x8e: {  	[tilespmem:s12], [sflag:$0x1] =	stream.indirect.gather [hbm4b:s26+s15], $0x80, s29, s15, $0xb8;
	[tilespmem:$0x1C800] =	vst v63  }
0x8f: {  	_ = 	snop  }
0x90: {  	[spmem:s28] =	stream.indirect.scatter.add.f32 [tilespmem:s17], [sflag:$0x4], $0x80, s30, s15, $0xb8;
	[tilespmem:$0x1C800] =	vst v63  }
0x91: {  	_ =	swait.ge [sflag:s22], $0x4000  }
0x92: {  	[sflag:s22] =	ssyncset.done $0x0  }
0x93: {  	[sflag:s22] =	ssyncadd.s32 $0xFFFFC000  }
0x94: {  	_ =	swait.ge [sflag:s16], $0x4000  }
0x95: {  	[sflag:s16] =	ssyncset.done $0x0  }
0x96: {  	[sflag:s16] =	ssyncadd.s32 $0xFFFFC000  }
0x97: {  	[tilespmem:s17], [sflag:$0x2] =	stream.indirect.gather [hbm4b:s26+s15], $0x80, s31, s15, $0xb8;
	[tilespmem:$0x1C800] =	vst v63  }
0x98: {  	_ = 	snop  }
0x99: {  	[spmem:s28] =	stream.indirect.scatter.add.f32 [tilespmem:s12], [sflag:$0x3], $0x80, s0, s15, $0xb8;
	[tilespmem:$0x1C800] =	vst v63  }
0x9a: {  	_ =	swait.ge [sflag:s18], $0x4000  }
0x9b: {  	[sflag:s18] =	ssyncset.done $0x0  }
0x9c: {  	[sflag:s18] =	ssyncadd.s32 $0xFFFFC000  }
0x9d: {  	_ =	swait.ge [sflag:s19], $0x4000  }
0x9e: {  	[sflag:s19] =	ssyncset.done $0x0  }
0x9f: {  	[sflag:s19] =	ssyncadd.s32 $0xFFFFC000  }
0xa0: {  	[tilespmem:s12], [sflag:$0x1] =	stream.indirect.gather [hbm4b:s26+s15], $0x80, s2, s15, $0xb8;
	[tilespmem:$0x1C800] =	vst v63  }
0xa1: {  	_ = 	snop  }
0xa2: {  	[spmem:s28] =	stream.indirect.scatter.add.f32 [tilespmem:s17], [sflag:$0x4], $0x80, s3, s15, $0xb8;
	[tilespmem:$0x1C800] =	vst v63  }
0xa3: {  	_ =	swait.ge [sflag:s22], $0x4000  }
0xa4: {  	[sflag:s22] =	ssyncset.done $0x0  }
0xa5: {  	[sflag:s22] =	ssyncadd.s32 $0xFFFFC000  }
0xa6: {  	_ =	swait.ge [sflag:s16], $0x4000  }
0xa7: {  	[sflag:s16] =	ssyncset.done $0x0  }
0xa8: {  	[sflag:s16] =	ssyncadd.s32 $0xFFFFC000  }
0xa9: {  	[tilespmem:s17], [sflag:$0x2] =	stream.indirect.gather [hbm4b:s26+s15], $0x80, s4, s15, $0xb8;
	[tilespmem:$0x1C800] =	vst v63  }
0xaa: {  	_ = 	snop  }
0xab: {  	[spmem:s28] =	stream.indirect.scatter.add.f32 [tilespmem:s12], [sflag:$0x3], $0x80, s5, s15, $0xb8;
	[tilespmem:$0x1C800] =	vst v63  }
0xac: {  	_ =	swait.ge [sflag:s18], $0x4000  }
0xad: {  	[sflag:s18] =	ssyncset.done $0x0  }
0xae: {  	[sflag:s18] =	ssyncadd.s32 $0xFFFFC000  }
0xaf: {  	_ =	swait.ge [sflag:s19], $0x4000  }
0xb0: {  	[sflag:s19] =	ssyncset.done $0x0  }
0xb1: {  	[sflag:s19] =	ssyncadd.s32 $0xFFFFC000  }
0xb2: {  	[spmem:s28] =	stream.indirect.scatter.add.f32 [tilespmem:s17], [sflag:$0x4], $0x80, s6, s15, $0xb8;
	[tilespmem:$0x1C800] =	vst v63  }
0xb3: {  	_ =	swait.ge [sflag:s22], $0x4000  }
0xb4: {  	[sflag:s22] =	ssyncset.done $0x0  }
0xb5: {  	s10 =	rddreg [dreg:$0x7];
	[sflag:s22] =	ssyncadd.s32 $0xFFFFC000  }
0xb6: {  	[tilespmem:s1], [sflag:$0x5] =	stream.linear.gather [hbm4b:s10+s1], $0x400, $0x38;
	[tilespmem:$0x1C800] =	vst v63  }
0xb7: {  	_ =	swait.ge [sflag:s13], $0x400  }
0xb8: {  	[sflag:s13] =	ssyncset.done $0x0  }
0xb9: {  	s11 =	rddreg [dreg:$0x8];
	[sflag:s13] =	ssyncadd.s32 $0xFFFFFC00  }
0xba: {  	[tilespmem:s14], [sflag:$0x5] =	stream.linear.gather [hbm4b:s11+s1], $0x400, $0x38;
	[tilespmem:$0x1C800] =	vst v63  }
0xbb: {  	_ =	swait.ge [sflag:s13], $0x400  }
0xbc: {  	[sflag:s13] =	ssyncset.done $0x0  }
0xbd: {  	[sflag:s13] =	ssyncadd.s32 $0xFFFFFC00  }
0xbe: {  	[tilespmem:s12], [sflag:$0x1] =	stream.indirect.gather [hbm4b:s26+s15], $0x80, s1, s15, $0xb8;
	[tilespmem:$0x1C800] =	vst v63  }
0xbf: {  	_ =	swait.ge [sflag:s16], $0x4000  }
0xc0: {  	[sflag:s16] =	ssyncset.done $0x0  }
0xc1: {  	[sflag:s16] =	ssyncadd.s32 $0xFFFFC000  }
0xc2: {  	[tilespmem:s17], [sflag:$0x2] =	stream.indirect.gather [hbm4b:s26+s15], $0x80, s15, s15, $0xb8;
	[tilespmem:$0x1C800] =	vst v63  }
0xc3: {  	_ = 	snop  }
0xc4: {  	[spmem:s28] =	stream.indirect.scatter.add.f32 [tilespmem:s12], [sflag:$0x3], $0x80, s14, s15, $0xb8;
	[tilespmem:$0x1C800] =	vst v63  }
0xc5: {  	_ =	swait.ge [sflag:s18], $0x4000  }
0xc6: {  	[sflag:s18] =	ssyncset.done $0x0  }
0xc7: {  	[sflag:s18] =	ssyncadd.s32 $0xFFFFC000  }
0xc8: {  	_ =	swait.ge [sflag:s19], $0x4000  }
0xc9: {  	[sflag:s19] =	ssyncset.done $0x0  }
0xca: {  	[sflag:s19] =	ssyncadd.s32 $0xFFFFC000  }
0xcb: {  	[tilespmem:s12], [sflag:$0x1] =	stream.indirect.gather [hbm4b:s26+s15], $0x80, s20, s15, $0xb8;
	[tilespmem:$0x1C800] =	vst v63  }
0xcc: {  	_ = 	snop  }
0xcd: {  	[spmem:s28] =	stream.indirect.scatter.add.f32 [tilespmem:s17], [sflag:$0x4], $0x80, s21, s15, $0xb8;
	[tilespmem:$0x1C800] =	vst v63  }
0xce: {  	_ =	swait.ge [sflag:s22], $0x4000  }
0xcf: {  	[sflag:s22] =	ssyncset.done $0x0  }
0xd0: {  	[sflag:s22] =	ssyncadd.s32 $0xFFFFC000  }
0xd1: {  	_ =	swait.ge [sflag:s16], $0x4000  }
0xd2: {  	[sflag:s16] =	ssyncset.done $0x0  }
0xd3: {  	[sflag:s16] =	ssyncadd.s32 $0xFFFFC000  }
0xd4: {  	[tilespmem:s17], [sflag:$0x2] =	stream.indirect.gather [hbm4b:s26+s15], $0x80, s23, s15, $0xb8;
	[tilespmem:$0x1C800] =	vst v63  }
0xd5: {  	_ = 	snop  }
0xd6: {  	[spmem:s28] =	stream.indirect.scatter.add.f32 [tilespmem:s12], [sflag:$0x3], $0x80, s24, s15, $0xb8;
	[tilespmem:$0x1C800] =	vst v63  }
0xd7: {  	_ =	swait.ge [sflag:s18], $0x4000  }
0xd8: {  	[sflag:s18] =	ssyncset.done $0x0  }
0xd9: {  	[sflag:s18] =	ssyncadd.s32 $0xFFFFC000  }
0xda: {  	_ =	swait.ge [sflag:s19], $0x4000  }
0xdb: {  	[sflag:s19] =	ssyncset.done $0x0  }
0xdc: {  	[sflag:s19] =	ssyncadd.s32 $0xFFFFC000  }
0xdd: {  	[tilespmem:s12], [sflag:$0x1] =	stream.indirect.gather [hbm4b:s26+s15], $0x80, s29, s15, $0xb8;
	[tilespmem:$0x1C800] =	vst v63  }
0xde: {  	_ = 	snop  }
0xdf: {  	[spmem:s28] =	stream.indirect.scatter.add.f32 [tilespmem:s17], [sflag:$0x4], $0x80, s30, s15, $0xb8;
	[tilespmem:$0x1C800] =	vst v63  }
0xe0: {  	_ =	swait.ge [sflag:s22], $0x4000  }
0xe1: {  	[sflag:s22] =	ssyncset.done $0x0  }
0xe2: {  	[sflag:s22] =	ssyncadd.s32 $0xFFFFC000  }
0xe3: {  	_ =	swait.ge [sflag:s16], $0x4000  }
0xe4: {  	[sflag:s16] =	ssyncset.done $0x0  }
0xe5: {  	[sflag:s16] =	ssyncadd.s32 $0xFFFFC000  }
0xe6: {  	[tilespmem:s17], [sflag:$0x2] =	stream.indirect.gather [hbm4b:s26+s15], $0x80, s31, s15, $0xb8;
	[tilespmem:$0x1C800] =	vst v63  }
0xe7: {  	_ = 	snop  }
0xe8: {  	[spmem:s28] =	stream.indirect.scatter.add.f32 [tilespmem:s12], [sflag:$0x3], $0x80, s0, s15, $0xb8;
	[tilespmem:$0x1C800] =	vst v63  }
0xe9: {  	_ =	swait.ge [sflag:s18], $0x4000  }
0xea: {  	[sflag:s18] =	ssyncset.done $0x0  }
0xeb: {  	[sflag:s18] =	ssyncadd.s32 $0xFFFFC000  }
0xec: {  	_ =	swait.ge [sflag:s19], $0x4000  }
0xed: {  	[sflag:s19] =	ssyncset.done $0x0  }
0xee: {  	[sflag:s19] =	ssyncadd.s32 $0xFFFFC000  }
0xef: {  	[tilespmem:s12], [sflag:$0x1] =	stream.indirect.gather [hbm4b:s26+s15], $0x80, s2, s15, $0xb8;
	[tilespmem:$0x1C800] =	vst v63  }
0xf0: {  	_ = 	snop  }
0xf1: {  	[spmem:s28] =	stream.indirect.scatter.add.f32 [tilespmem:s17], [sflag:$0x4], $0x80, s3, s15, $0xb8;
	[tilespmem:$0x1C800] =	vst v63  }
0xf2: {  	_ =	swait.ge [sflag:s22], $0x4000  }
0xf3: {  	[sflag:s22] =	ssyncset.done $0x0  }
0xf4: {  	[sflag:s22] =	ssyncadd.s32 $0xFFFFC000  }
0xf5: {  	_ =	swait.ge [sflag:s16], $0x4000  }
0xf6: {  	[sflag:s16] =	ssyncset.done $0x0  }
0xf7: {  	[sflag:s16] =	ssyncadd.s32 $0xFFFFC000  }
0xf8: {  	[tilespmem:s17], [sflag:$0x2] =	stream.indirect.gather [hbm4b:s26+s15], $0x80, s4, s15, $0xb8;
	[tilespmem:$0x1C800] =	vst v63  }
0xf9: {  	_ = 	snop  }
0xfa: {  	[spmem:s28] =	stream.indirect.scatter.add.f32 [tilespmem:s12], [sflag:$0x3], $0x80, s5, s15, $0xb8;
	[tilespmem:$0x1C800] =	vst v63  }
0xfb: {  	_ =	swait.ge [sflag:s18], $0x4000  }
0xfc: {  	[sflag:s18] =	ssyncset.done $0x0  }
0xfd: {  	[sflag:s18] =	ssyncadd.s32 $0xFFFFC000  }
0xfe: {  	_ =	swait.ge [sflag:s19], $0x4000  }
0xff: {  	[sflag:s19] =	ssyncset.done $0x0  }
0x100: {  	[sflag:s19] =	ssyncadd.s32 $0xFFFFC000  }
0x101: {  	[spmem:s28] =	stream.indirect.scatter.add.f32 [tilespmem:s17], [sflag:$0x4], $0x80, s6, s15, $0xb8;
	[tilespmem:$0x1C800] =	vst v63  }
0x102: {  	_ =	swait.ge [sflag:s22], $0x4000  }
0x103: {  	[sflag:s22] =	ssyncset.done $0x0  }
0x104: {  	s9 =	rddreg [dreg:$0x9];
	[sflag:s22] =	ssyncadd.s32 $0xFFFFC000  }
0x105: {  	[tilespmem:s1], [sflag:$0x5] =	stream.linear.gather [hbm4b:s9+s1], $0x400, $0x38;
	[tilespmem:$0x1C800] =	vst v63  }
0x106: {  	_ =	swait.ge [sflag:s13], $0x400  }
0x107: {  	[sflag:s13] =	ssyncset.done $0x0  }
0x108: {  	s10 =	rddreg [dreg:$0xa];
	[sflag:s13] =	ssyncadd.s32 $0xFFFFFC00  }
0x109: {  	[tilespmem:s14], [sflag:$0x5] =	stream.linear.gather [hbm4b:s10+s1], $0x400, $0x38;
	[tilespmem:$0x1C800] =	vst v63  }
0x10a: {  	_ =	swait.ge [sflag:s13], $0x400  }
0x10b: {  	[sflag:s13] =	ssyncset.done $0x0  }
0x10c: {  	[sflag:s13] =	ssyncadd.s32 $0xFFFFFC00  }
0x10d: {  	[tilespmem:s12], [sflag:$0x1] =	stream.indirect.gather [hbm4b:s26+s15], $0x80, s1, s15, $0xb8;
	[tilespmem:$0x1C800] =	vst v63  }
0x10e: {  	_ =	swait.ge [sflag:s16], $0x4000  }
0x10f: {  	[sflag:s16] =	ssyncset.done $0x0  }
0x110: {  	[sflag:s16] =	ssyncadd.s32 $0xFFFFC000  }
0x111: {  	[tilespmem:s17], [sflag:$0x2] =	stream.indirect.gather [hbm4b:s26+s15], $0x80, s15, s15, $0xb8;
	[tilespmem:$0x1C800] =	vst v63  }
0x112: {  	_ = 	snop  }
0x113: {  	[spmem:s28] =	stream.indirect.scatter.add.f32 [tilespmem:s12], [sflag:$0x3], $0x80, s14, s15, $0xb8;
	[tilespmem:$0x1C800] =	vst v63  }
0x114: {  	_ =	swait.ge [sflag:s18], $0x4000  }
0x115: {  	[sflag:s18] =	ssyncset.done $0x0  }
0x116: {  	[sflag:s18] =	ssyncadd.s32 $0xFFFFC000  }
0x117: {  	_ =	swait.ge [sflag:s19], $0x4000  }
0x118: {  	[sflag:s19] =	ssyncset.done $0x0  }
0x119: {  	[sflag:s19] =	ssyncadd.s32 $0xFFFFC000  }
0x11a: {  	[tilespmem:s12], [sflag:$0x1] =	stream.indirect.gather [hbm4b:s26+s15], $0x80, s20, s15, $0xb8;
	[tilespmem:$0x1C800] =	vst v63  }
0x11b: {  	_ = 	snop  }
0x11c: {  	[spmem:s28] =	stream.indirect.scatter.add.f32 [tilespmem:s17], [sflag:$0x4], $0x80, s21, s15, $0xb8;
	[tilespmem:$0x1C800] =	vst v63  }
0x11d: {  	_ =	swait.ge [sflag:s22], $0x4000  }
0x11e: {  	[sflag:s22] =	ssyncset.done $0x0  }
0x11f: {  	[sflag:s22] =	ssyncadd.s32 $0xFFFFC000  }
0x120: {  	_ =	swait.ge [sflag:s16], $0x4000  }
0x121: {  	[sflag:s16] =	ssyncset.done $0x0  }
0x122: {  	[sflag:s16] =	ssyncadd.s32 $0xFFFFC000  }
0x123: {  	[tilespmem:s17], [sflag:$0x2] =	stream.indirect.gather [hbm4b:s26+s15], $0x80, s23, s15, $0xb8;
	[tilespmem:$0x1C800] =	vst v63  }
0x124: {  	_ = 	snop  }
0x125: {  	[spmem:s28] =	stream.indirect.scatter.add.f32 [tilespmem:s12], [sflag:$0x3], $0x80, s24, s15, $0xb8;
	[tilespmem:$0x1C800] =	vst v63  }
0x126: {  	_ =	swait.ge [sflag:s18], $0x4000  }
0x127: {  	[sflag:s18] =	ssyncset.done $0x0  }
0x128: {  	[sflag:s18] =	ssyncadd.s32 $0xFFFFC000  }
0x129: {  	_ =	swait.ge [sflag:s19], $0x4000  }
0x12a: {  	[sflag:s19] =	ssyncset.done $0x0  }
0x12b: {  	[sflag:s19] =	ssyncadd.s32 $0xFFFFC000  }
0x12c: {  	[tilespmem:s12], [sflag:$0x1] =	stream.indirect.gather [hbm4b:s26+s15], $0x80, s29, s15, $0xb8;
	[tilespmem:$0x1C800] =	vst v63  }
0x12d: {  	_ = 	snop  }
0x12e: {  	[spmem:s28] =	stream.indirect.scatter.add.f32 [tilespmem:s17], [sflag:$0x4], $0x80, s30, s15, $0xb8;
	[tilespmem:$0x1C800] =	vst v63  }
0x12f: {  	_ =	swait.ge [sflag:s22], $0x4000  }
0x130: {  	[sflag:s22] =	ssyncset.done $0x0  }
0x131: {  	[sflag:s22] =	ssyncadd.s32 $0xFFFFC000  }
0x132: {  	_ =	swait.ge [sflag:s16], $0x4000  }
0x133: {  	[sflag:s16] =	ssyncset.done $0x0  }
0x134: {  	[sflag:s16] =	ssyncadd.s32 $0xFFFFC000  }
0x135: {  	[tilespmem:s17], [sflag:$0x2] =	stream.indirect.gather [hbm4b:s26+s15], $0x80, s31, s15, $0xb8;
	[tilespmem:$0x1C800] =	vst v63  }
0x136: {  	_ = 	snop  }
0x137: {  	[spmem:s28] =	stream.indirect.scatter.add.f32 [tilespmem:s12], [sflag:$0x3], $0x80, s0, s15, $0xb8;
	[tilespmem:$0x1C800] =	vst v63  }
0x138: {  	_ =	swait.ge [sflag:s18], $0x4000  }
0x139: {  	[sflag:s18] =	ssyncset.done $0x0  }
0x13a: {  	[sflag:s18] =	ssyncadd.s32 $0xFFFFC000  }
0x13b: {  	_ =	swait.ge [sflag:s19], $0x4000  }
0x13c: {  	[sflag:s19] =	ssyncset.done $0x0  }
0x13d: {  	[sflag:s19] =	ssyncadd.s32 $0xFFFFC000  }
0x13e: {  	[tilespmem:s12], [sflag:$0x1] =	stream.indirect.gather [hbm4b:s26+s15], $0x80, s2, s15, $0xb8;
	[tilespmem:$0x1C800] =	vst v63  }
0x13f: {  	_ = 	snop  }
0x140: {  	[spmem:s28] =	stream.indirect.scatter.add.f32 [tilespmem:s17], [sflag:$0x4], $0x80, s3, s15, $0xb8;
	[tilespmem:$0x1C800] =	vst v63  }
0x141: {  	_ =	swait.ge [sflag:s22], $0x4000  }
0x142: {  	[sflag:s22] =	ssyncset.done $0x0  }
0x143: {  	[sflag:s22] =	ssyncadd.s32 $0xFFFFC000  }
0x144: {  	_ =	swait.ge [sflag:s16], $0x4000  }
0x145: {  	[sflag:s16] =	ssyncset.done $0x0  }
0x146: {  	[sflag:s16] =	ssyncadd.s32 $0xFFFFC000  }
0x147: {  	[tilespmem:s17], [sflag:$0x2] =	stream.indirect.gather [hbm4b:s26+s15], $0x80, s4, s15, $0xb8;
	[tilespmem:$0x1C800] =	vst v63  }
0x148: {  	_ = 	snop  }
0x149: {  	[spmem:s28] =	stream.indirect.scatter.add.f32 [tilespmem:s12], [sflag:$0x3], $0x80, s5, s15, $0xb8;
	[tilespmem:$0x1C800] =	vst v63  }
0x14a: {  	_ =	swait.ge [sflag:s18], $0x4000  }
0x14b: {  	[sflag:s18] =	ssyncset.done $0x0  }
0x14c: {  	[sflag:s18] =	ssyncadd.s32 $0xFFFFC000  }
0x14d: {  	_ =	swait.ge [sflag:s19], $0x4000  }
0x14e: {  	[sflag:s19] =	ssyncset.done $0x0  }
0x14f: {  	[sflag:s19] =	ssyncadd.s32 $0xFFFFC000  }
0x150: {  	[spmem:s28] =	stream.indirect.scatter.add.f32 [tilespmem:s17], [sflag:$0x4], $0x80, s6, s15, $0xb8;
	[tilespmem:$0x1C800] =	vst v63  }
0x151: {  	_ =	swait.ge [sflag:s22], $0x4000  }
0x152: {  	[sflag:s22] =	ssyncset.done $0x0  }
0x153: {  	s11 =	rddreg [dreg:$0xb];
	[sflag:s22] =	ssyncadd.s32 $0xFFFFC000  }
0x154: {  	[tilespmem:s1], [sflag:$0x5] =	stream.linear.gather [hbm4b:s11+s1], $0x400, $0x38;
	[tilespmem:$0x1C800] =	vst v63  }
0x155: {  	_ =	swait.ge [sflag:s13], $0x400  }
0x156: {  	[sflag:s13] =	ssyncset.done $0x0  }
0x157: {  	s9 =	rddreg [dreg:$0xc];
	[sflag:s13] =	ssyncadd.s32 $0xFFFFFC00  }
0x158: {  	[tilespmem:s14], [sflag:$0x5] =	stream.linear.gather [hbm4b:s9+s1], $0x400, $0x38;
	[tilespmem:$0x1C800] =	vst v63  }
0x159: {  	_ =	swait.ge [sflag:s13], $0x400  }
0x15a: {  	[sflag:s13] =	ssyncset.done $0x0  }
0x15b: {  	[sflag:s13] =	ssyncadd.s32 $0xFFFFFC00  }
0x15c: {  	[tilespmem:s12], [sflag:$0x1] =	stream.indirect.gather [hbm4b:s26+s15], $0x80, s1, s15, $0xb8;
	[tilespmem:$0x1C800] =	vst v63  }
0x15d: {  	_ =	swait.ge [sflag:s16], $0x4000  }
0x15e: {  	[sflag:s16] =	ssyncset.done $0x0  }
0x15f: {  	[sflag:s16] =	ssyncadd.s32 $0xFFFFC000  }
0x160: {  	[tilespmem:s17], [sflag:$0x2] =	stream.indirect.gather [hbm4b:s26+s15], $0x80, s15, s15, $0xb8;
	[tilespmem:$0x1C800] =	vst v63  }
0x161: {  	_ = 	snop  }
0x162: {  	[spmem:s28] =	stream.indirect.scatter.add.f32 [tilespmem:s12], [sflag:$0x3], $0x80, s14, s15, $0xb8;
	[tilespmem:$0x1C800] =	vst v63  }
0x163: {  	_ =	swait.ge [sflag:s18], $0x4000  }
0x164: {  	[sflag:s18] =	ssyncset.done $0x0  }
0x165: {  	[sflag:s18] =	ssyncadd.s32 $0xFFFFC000  }
0x166: {  	_ =	swait.ge [sflag:s19], $0x4000  }
0x167: {  	[sflag:s19] =	ssyncset.done $0x0  }
0x168: {  	[sflag:s19] =	ssyncadd.s32 $0xFFFFC000  }
0x169: {  	[tilespmem:s12], [sflag:$0x1] =	stream.indirect.gather [hbm4b:s26+s15], $0x80, s20, s15, $0xb8;
	[tilespmem:$0x1C800] =	vst v63  }
0x16a: {  	_ = 	snop  }
0x16b: {  	[spmem:s28] =	stream.indirect.scatter.add.f32 [tilespmem:s17], [sflag:$0x4], $0x80, s21, s15, $0xb8;
	[tilespmem:$0x1C800] =	vst v63  }
0x16c: {  	_ =	swait.ge [sflag:s22], $0x4000  }
0x16d: {  	[sflag:s22] =	ssyncset.done $0x0  }
0x16e: {  	[sflag:s22] =	ssyncadd.s32 $0xFFFFC000  }
0x16f: {  	_ =	swait.ge [sflag:s16], $0x4000  }
0x170: {  	[sflag:s16] =	ssyncset.done $0x0  }
0x171: {  	[sflag:s16] =	ssyncadd.s32 $0xFFFFC000  }
0x172: {  	[tilespmem:s17], [sflag:$0x2] =	stream.indirect.gather [hbm4b:s26+s15], $0x80, s23, s15, $0xb8;
	[tilespmem:$0x1C800] =	vst v63  }
0x173: {  	_ = 	snop  }
0x174: {  	[spmem:s28] =	stream.indirect.scatter.add.f32 [tilespmem:s12], [sflag:$0x3], $0x80, s24, s15, $0xb8;
	[tilespmem:$0x1C800] =	vst v63  }
0x175: {  	_ =	swait.ge [sflag:s18], $0x4000  }
0x176: {  	[sflag:s18] =	ssyncset.done $0x0  }
0x177: {  	[sflag:s18] =	ssyncadd.s32 $0xFFFFC000  }
0x178: {  	_ =	swait.ge [sflag:s19], $0x4000  }
0x179: {  	[sflag:s19] =	ssyncset.done $0x0  }
0x17a: {  	[sflag:s19] =	ssyncadd.s32 $0xFFFFC000  }
0x17b: {  	[tilespmem:s12], [sflag:$0x1] =	stream.indirect.gather [hbm4b:s26+s15], $0x80, s29, s15, $0xb8;
	[tilespmem:$0x1C800] =	vst v63  }
0x17c: {  	_ = 	snop  }
0x17d: {  	[spmem:s28] =	stream.indirect.scatter.add.f32 [tilespmem:s17], [sflag:$0x4], $0x80, s30, s15, $0xb8;
	[tilespmem:$0x1C800] =	vst v63  }
0x17e: {  	_ =	swait.ge [sflag:s22], $0x4000  }
0x17f: {  	[sflag:s22] =	ssyncset.done $0x0  }
0x180: {  	[sflag:s22] =	ssyncadd.s32 $0xFFFFC000  }
0x181: {  	_ =	swait.ge [sflag:s16], $0x4000  }
0x182: {  	[sflag:s16] =	ssyncset.done $0x0  }
0x183: {  	[sflag:s16] =	ssyncadd.s32 $0xFFFFC000  }
0x184: {  	[tilespmem:s17], [sflag:$0x2] =	stream.indirect.gather [hbm4b:s26+s15], $0x80, s31, s15, $0xb8;
	[tilespmem:$0x1C800] =	vst v63  }
0x185: {  	_ = 	snop  }
0x186: {  	[spmem:s28] =	stream.indirect.scatter.add.f32 [tilespmem:s12], [sflag:$0x3], $0x80, s0, s15, $0xb8;
	[tilespmem:$0x1C800] =	vst v63  }
0x187: {  	_ =	swait.ge [sflag:s18], $0x4000  }
0x188: {  	[sflag:s18] =	ssyncset.done $0x0  }
0x189: {  	[sflag:s18] =	ssyncadd.s32 $0xFFFFC000  }
0x18a: {  	_ =	swait.ge [sflag:s19], $0x4000  }
0x18b: {  	[sflag:s19] =	ssyncset.done $0x0  }
0x18c: {  	[sflag:s19] =	ssyncadd.s32 $0xFFFFC000  }
0x18d: {  	[tilespmem:s12], [sflag:$0x1] =	stream.indirect.gather [hbm4b:s26+s15], $0x80, s2, s15, $0xb8;
	[tilespmem:$0x1C800] =	vst v63  }
0x18e: {  	_ = 	snop  }
0x18f: {  	[spmem:s28] =	stream.indirect.scatter.add.f32 [tilespmem:s17], [sflag:$0x4], $0x80, s3, s15, $0xb8;
	[tilespmem:$0x1C800] =	vst v63  }
0x190: {  	_ =	swait.ge [sflag:s22], $0x4000  }
0x191: {  	[sflag:s22] =	ssyncset.done $0x0  }
0x192: {  	[sflag:s22] =	ssyncadd.s32 $0xFFFFC000  }
0x193: {  	_ =	swait.ge [sflag:s16], $0x4000  }
0x194: {  	[sflag:s16] =	ssyncset.done $0x0  }
0x195: {  	[sflag:s16] =	ssyncadd.s32 $0xFFFFC000  }
0x196: {  	[tilespmem:s17], [sflag:$0x2] =	stream.indirect.gather [hbm4b:s26+s15], $0x80, s4, s15, $0xb8;
	[tilespmem:$0x1C800] =	vst v63  }
0x197: {  	_ = 	snop  }
0x198: {  	[spmem:s28] =	stream.indirect.scatter.add.f32 [tilespmem:s12], [sflag:$0x3], $0x80, s5, s15, $0xb8;
	[tilespmem:$0x1C800] =	vst v63  }
0x199: {  	_ =	swait.ge [sflag:s18], $0x4000  }
0x19a: {  	[sflag:s18] =	ssyncset.done $0x0  }
0x19b: {  	[sflag:s18] =	ssyncadd.s32 $0xFFFFC000  }
0x19c: {  	_ =	swait.ge [sflag:s19], $0x4000  }
0x19d: {  	[sflag:s19] =	ssyncset.done $0x0  }
0x19e: {  	[sflag:s19] =	ssyncadd.s32 $0xFFFFC000  }
0x19f: {  	[spmem:s28] =	stream.indirect.scatter.add.f32 [tilespmem:s17], [sflag:$0x4], $0x80, s6, s15, $0xb8;
	[tilespmem:$0x1C800] =	vst v63  }
0x1a0: {  	_ =	swait.ge [sflag:s22], $0x4000  }
0x1a1: {  	[sflag:s22] =	ssyncset.done $0x0  }
0x1a2: {  	s10 =	rddreg [dreg:$0xd];
	[sflag:s22] =	ssyncadd.s32 $0xFFFFC000  }
0x1a3: {  	[tilespmem:s1], [sflag:$0x5] =	stream.linear.gather [hbm4b:s10+s1], $0x400, $0x38;
	[tilespmem:$0x1C800] =	vst v63  }
0x1a4: {  	_ =	swait.ge [sflag:s13], $0x400  }
0x1a5: {  	[sflag:s13] =	ssyncset.done $0x0  }
0x1a6: {  	s11 =	rddreg [dreg:$0xe];
	[sflag:s13] =	ssyncadd.s32 $0xFFFFFC00  }
0x1a7: {  	[tilespmem:s14], [sflag:$0x5] =	stream.linear.gather [hbm4b:s11+s1], $0x400, $0x38;
	[tilespmem:$0x1C800] =	vst v63  }
0x1a8: {  	_ =	swait.ge [sflag:s13], $0x400  }
0x1a9: {  	[sflag:s13] =	ssyncset.done $0x0  }
0x1aa: {  	[sflag:s13] =	ssyncadd.s32 $0xFFFFFC00  }
0x1ab: {  	[tilespmem:s12], [sflag:$0x1] =	stream.indirect.gather [hbm4b:s26+s15], $0x80, s1, s15, $0xb8;
	[tilespmem:$0x1C800] =	vst v63  }
0x1ac: {  	_ =	swait.ge [sflag:s16], $0x4000  }
0x1ad: {  	[sflag:s16] =	ssyncset.done $0x0  }
0x1ae: {  	[sflag:s16] =	ssyncadd.s32 $0xFFFFC000  }
0x1af: {  	[tilespmem:s17], [sflag:$0x2] =	stream.indirect.gather [hbm4b:s26+s15], $0x80, s15, s15, $0xb8;
	[tilespmem:$0x1C800] =	vst v63  }
0x1b0: {  	_ = 	snop  }
0x1b1: {  	[spmem:s28] =	stream.indirect.scatter.add.f32 [tilespmem:s12], [sflag:$0x3], $0x80, s14, s15, $0xb8;
	[tilespmem:$0x1C800] =	vst v63  }
0x1b2: {  	_ =	swait.ge [sflag:s18], $0x4000  }
0x1b3: {  	[sflag:s18] =	ssyncset.done $0x0  }
0x1b4: {  	[sflag:s18] =	ssyncadd.s32 $0xFFFFC000  }
0x1b5: {  	_ =	swait.ge [sflag:s19], $0x4000  }
0x1b6: {  	[sflag:s19] =	ssyncset.done $0x0  }
0x1b7: {  	[sflag:s19] =	ssyncadd.s32 $0xFFFFC000  }
0x1b8: {  	[tilespmem:s12], [sflag:$0x1] =	stream.indirect.gather [hbm4b:s26+s15], $0x80, s20, s15, $0xb8;
	[tilespmem:$0x1C800] =	vst v63  }
0x1b9: {  	_ = 	snop  }
0x1ba: {  	[spmem:s28] =	stream.indirect.scatter.add.f32 [tilespmem:s17], [sflag:$0x4], $0x80, s21, s15, $0xb8;
	[tilespmem:$0x1C800] =	vst v63  }
0x1bb: {  	_ =	swait.ge [sflag:s22], $0x4000  }
0x1bc: {  	[sflag:s22] =	ssyncset.done $0x0  }
0x1bd: {  	[sflag:s22] =	ssyncadd.s32 $0xFFFFC000  }
0x1be: {  	_ =	swait.ge [sflag:s16], $0x4000  }
0x1bf: {  	[sflag:s16] =	ssyncset.done $0x0  }
0x1c0: {  	[sflag:s16] =	ssyncadd.s32 $0xFFFFC000  }
0x1c1: {  	[tilespmem:s17], [sflag:$0x2] =	stream.indirect.gather [hbm4b:s26+s15], $0x80, s23, s15, $0xb8;
	[tilespmem:$0x1C800] =	vst v63  }
0x1c2: {  	_ = 	snop  }
0x1c3: {  	[spmem:s28] =	stream.indirect.scatter.add.f32 [tilespmem:s12], [sflag:$0x3], $0x80, s24, s15, $0xb8;
	[tilespmem:$0x1C800] =	vst v63  }
0x1c4: {  	_ =	swait.ge [sflag:s18], $0x4000  }
0x1c5: {  	[sflag:s18] =	ssyncset.done $0x0  }
0x1c6: {  	[sflag:s18] =	ssyncadd.s32 $0xFFFFC000  }
0x1c7: {  	_ =	swait.ge [sflag:s19], $0x4000  }
0x1c8: {  	[sflag:s19] =	ssyncset.done $0x0  }
0x1c9: {  	[sflag:s19] =	ssyncadd.s32 $0xFFFFC000  }
0x1ca: {  	[tilespmem:s12], [sflag:$0x1] =	stream.indirect.gather [hbm4b:s26+s15], $0x80, s29, s15, $0xb8;
	[tilespmem:$0x1C800] =	vst v63  }
0x1cb: {  	_ = 	snop  }
0x1cc: {  	[spmem:s28] =	stream.indirect.scatter.add.f32 [tilespmem:s17], [sflag:$0x4], $0x80, s30, s15, $0xb8;
	[tilespmem:$0x1C800] =	vst v63  }
0x1cd: {  	_ =	swait.ge [sflag:s22], $0x4000  }
0x1ce: {  	[sflag:s22] =	ssyncset.done $0x0  }
0x1cf: {  	[sflag:s22] =	ssyncadd.s32 $0xFFFFC000  }
0x1d0: {  	_ =	swait.ge [sflag:s16], $0x4000  }
0x1d1: {  	[sflag:s16] =	ssyncset.done $0x0  }
0x1d2: {  	[sflag:s16] =	ssyncadd.s32 $0xFFFFC000  }
0x1d3: {  	[tilespmem:s17], [sflag:$0x2] =	stream.indirect.gather [hbm4b:s26+s15], $0x80, s31, s15, $0xb8;
	[tilespmem:$0x1C800] =	vst v63  }
0x1d4: {  	_ = 	snop  }
0x1d5: {  	[spmem:s28] =	stream.indirect.scatter.add.f32 [tilespmem:s12], [sflag:$0x3], $0x80, s0, s15, $0xb8;
	[tilespmem:$0x1C800] =	vst v63  }
0x1d6: {  	_ =	swait.ge [sflag:s18], $0x4000  }
0x1d7: {  	[sflag:s18] =	ssyncset.done $0x0  }
0x1d8: {  	[sflag:s18] =	ssyncadd.s32 $0xFFFFC000  }
0x1d9: {  	_ =	swait.ge [sflag:s19], $0x4000  }
0x1da: {  	[sflag:s19] =	ssyncset.done $0x0  }
0x1db: {  	[sflag:s19] =	ssyncadd.s32 $0xFFFFC000  }
0x1dc: {  	[tilespmem:s12], [sflag:$0x1] =	stream.indirect.gather [hbm4b:s26+s15], $0x80, s2, s15, $0xb8;
	[tilespmem:$0x1C800] =	vst v63  }
0x1dd: {  	_ = 	snop  }
0x1de: {  	[spmem:s28] =	stream.indirect.scatter.add.f32 [tilespmem:s17], [sflag:$0x4], $0x80, s3, s15, $0xb8;
	[tilespmem:$0x1C800] =	vst v63  }
0x1df: {  	_ =	swait.ge [sflag:s22], $0x4000  }
0x1e0: {  	[sflag:s22] =	ssyncset.done $0x0  }
0x1e1: {  	[sflag:s22] =	ssyncadd.s32 $0xFFFFC000  }
0x1e2: {  	_ =	swait.ge [sflag:s16], $0x4000  }
0x1e3: {  	[sflag:s16] =	ssyncset.done $0x0  }
0x1e4: {  	[sflag:s16] =	ssyncadd.s32 $0xFFFFC000  }
0x1e5: {  	[tilespmem:s17], [sflag:$0x2] =	stream.indirect.gather [hbm4b:s26+s15], $0x80, s4, s15, $0xb8;
	[tilespmem:$0x1C800] =	vst v63  }
0x1e6: {  	_ = 	snop  }
0x1e7: {  	[spmem:s28] =	stream.indirect.scatter.add.f32 [tilespmem:s12], [sflag:$0x3], $0x80, s5, s15, $0xb8;
	[tilespmem:$0x1C800] =	vst v63  }
0x1e8: {  	_ =	swait.ge [sflag:s18], $0x4000  }
0x1e9: {  	[sflag:s18] =	ssyncset.done $0x0  }
0x1ea: {  	[sflag:s18] =	ssyncadd.s32 $0xFFFFC000  }
0x1eb: {  	_ =	swait.ge [sflag:s19], $0x4000  }
0x1ec: {  	[sflag:s19] =	ssyncset.done $0x0  }
0x1ed: {  	[sflag:s19] =	ssyncadd.s32 $0xFFFFC000  }
0x1ee: {  	[spmem:s28] =	stream.indirect.scatter.add.f32 [tilespmem:s17], [sflag:$0x4], $0x80, s6, s15, $0xb8;
	[tilespmem:$0x1C800] =	vst v63  }
0x1ef: {  	_ =	swait.ge [sflag:s22], $0x4000  }
0x1f0: {  	[sflag:s22] =	ssyncset.done $0x0  }
0x1f1: {  	s9 =	rddreg [dreg:$0xf];
	[sflag:s22] =	ssyncadd.s32 $0xFFFFC000  }
0x1f2: {  	[tilespmem:s1], [sflag:$0x5] =	stream.linear.gather [hbm4b:s9+s1], $0x400, $0x38;
	[tilespmem:$0x1C800] =	vst v63  }
0x1f3: {  	_ =	swait.ge [sflag:s13], $0x400  }
0x1f4: {  	[sflag:s13] =	ssyncset.done $0x0  }
0x1f5: {  	s10 =	rddreg [dreg:$0x10];
	[sflag:s13] =	ssyncadd.s32 $0xFFFFFC00  }
0x1f6: {  	[tilespmem:s14], [sflag:$0x5] =	stream.linear.gather [hbm4b:s10+s1], $0x400, $0x38;
	[tilespmem:$0x1C800] =	vst v63  }
0x1f7: {  	_ =	swait.ge [sflag:s13], $0x400  }
0x1f8: {  	[sflag:s13] =	ssyncset.done $0x0  }
0x1f9: {  	[sflag:s13] =	ssyncadd.s32 $0xFFFFFC00  }
0x1fa: {  	[tilespmem:s12], [sflag:$0x1] =	stream.indirect.gather [hbm4b:s26+s15], $0x80, s1, s15, $0xb8;
	[tilespmem:$0x1C800] =	vst v63  }
0x1fb: {  	_ =	swait.ge [sflag:s16], $0x4000  }
0x1fc: {  	[sflag:s16] =	ssyncset.done $0x0  }
0x1fd: {  	[sflag:s16] =	ssyncadd.s32 $0xFFFFC000  }
0x1fe: {  	[tilespmem:s17], [sflag:$0x2] =	stream.indirect.gather [hbm4b:s26+s15], $0x80, s15, s15, $0xb8;
	[tilespmem:$0x1C800] =	vst v63  }
0x1ff: {  	_ = 	snop  }
0x200: {  	[spmem:s28] =	stream.indirect.scatter.add.f32 [tilespmem:s12], [sflag:$0x3], $0x80, s14, s15, $0xb8;
	[tilespmem:$0x1C800] =	vst v63  }
0x201: {  	_ =	swait.ge [sflag:s18], $0x4000  }
0x202: {  	[sflag:s18] =	ssyncset.done $0x0  }
0x203: {  	[sflag:s18] =	ssyncadd.s32 $0xFFFFC000  }
0x204: {  	_ =	swait.ge [sflag:s19], $0x4000  }
0x205: {  	[sflag:s19] =	ssyncset.done $0x0  }
0x206: {  	[sflag:s19] =	ssyncadd.s32 $0xFFFFC000  }
0x207: {  	[tilespmem:s12], [sflag:$0x1] =	stream.indirect.gather [hbm4b:s26+s15], $0x80, s20, s15, $0xb8;
	[tilespmem:$0x1C800] =	vst v63  }
0x208: {  	_ = 	snop  }
0x209: {  	[spmem:s28] =	stream.indirect.scatter.add.f32 [tilespmem:s17], [sflag:$0x4], $0x80, s21, s15, $0xb8;
	[tilespmem:$0x1C800] =	vst v63  }
0x20a: {  	_ =	swait.ge [sflag:s22], $0x4000  }
0x20b: {  	[sflag:s22] =	ssyncset.done $0x0  }
0x20c: {  	[sflag:s22] =	ssyncadd.s32 $0xFFFFC000  }
0x20d: {  	_ =	swait.ge [sflag:s16], $0x4000  }
0x20e: {  	[sflag:s16] =	ssyncset.done $0x0  }
0x20f: {  	[sflag:s16] =	ssyncadd.s32 $0xFFFFC000  }
0x210: {  	[tilespmem:s17], [sflag:$0x2] =	stream.indirect.gather [hbm4b:s26+s15], $0x80, s23, s15, $0xb8;
	[tilespmem:$0x1C800] =	vst v63  }
0x211: {  	_ = 	snop  }
0x212: {  	[spmem:s28] =	stream.indirect.scatter.add.f32 [tilespmem:s12], [sflag:$0x3], $0x80, s24, s15, $0xb8;
	[tilespmem:$0x1C800] =	vst v63  }
0x213: {  	_ =	swait.ge [sflag:s18], $0x4000  }
0x214: {  	[sflag:s18] =	ssyncset.done $0x0  }
0x215: {  	[sflag:s18] =	ssyncadd.s32 $0xFFFFC000  }
0x216: {  	_ =	swait.ge [sflag:s19], $0x4000  }
0x217: {  	[sflag:s19] =	ssyncset.done $0x0  }
0x218: {  	[sflag:s19] =	ssyncadd.s32 $0xFFFFC000  }
0x219: {  	[tilespmem:s12], [sflag:$0x1] =	stream.indirect.gather [hbm4b:s26+s15], $0x80, s29, s15, $0xb8;
	[tilespmem:$0x1C800] =	vst v63  }
0x21a: {  	_ = 	snop  }
0x21b: {  	[spmem:s28] =	stream.indirect.scatter.add.f32 [tilespmem:s17], [sflag:$0x4], $0x80, s30, s15, $0xb8;
	[tilespmem:$0x1C800] =	vst v63  }
0x21c: {  	_ =	swait.ge [sflag:s22], $0x4000  }
0x21d: {  	[sflag:s22] =	ssyncset.done $0x0  }
0x21e: {  	[sflag:s22] =	ssyncadd.s32 $0xFFFFC000  }
0x21f: {  	_ =	swait.ge [sflag:s16], $0x4000  }
0x220: {  	[sflag:s16] =	ssyncset.done $0x0  }
0x221: {  	[sflag:s16] =	ssyncadd.s32 $0xFFFFC000  }
0x222: {  	[tilespmem:s17], [sflag:$0x2] =	stream.indirect.gather [hbm4b:s26+s15], $0x80, s31, s15, $0xb8;
	[tilespmem:$0x1C800] =	vst v63  }
0x223: {  	_ = 	snop  }
0x224: {  	[spmem:s28] =	stream.indirect.scatter.add.f32 [tilespmem:s12], [sflag:$0x3], $0x80, s0, s15, $0xb8;
	[tilespmem:$0x1C800] =	vst v63  }
0x225: {  	_ =	swait.ge [sflag:s18], $0x4000  }
0x226: {  	[sflag:s18] =	ssyncset.done $0x0  }
0x227: {  	[sflag:s18] =	ssyncadd.s32 $0xFFFFC000  }
0x228: {  	_ =	swait.ge [sflag:s19], $0x4000  }
0x229: {  	[sflag:s19] =	ssyncset.done $0x0  }
0x22a: {  	[sflag:s19] =	ssyncadd.s32 $0xFFFFC000  }
0x22b: {  	[tilespmem:s12], [sflag:$0x1] =	stream.indirect.gather [hbm4b:s26+s15], $0x80, s2, s15, $0xb8;
	[tilespmem:$0x1C800] =	vst v63  }
0x22c: {  	_ = 	snop  }
0x22d: {  	[spmem:s28] =	stream.indirect.scatter.add.f32 [tilespmem:s17], [sflag:$0x4], $0x80, s3, s15, $0xb8;
	[tilespmem:$0x1C800] =	vst v63  }
0x22e: {  	_ =	swait.ge [sflag:s22], $0x4000  }
0x22f: {  	[sflag:s22] =	ssyncset.done $0x0  }
0x230: {  	[sflag:s22] =	ssyncadd.s32 $0xFFFFC000  }
0x231: {  	_ =	swait.ge [sflag:s16], $0x4000  }
0x232: {  	[sflag:s16] =	ssyncset.done $0x0  }
0x233: {  	[sflag:s16] =	ssyncadd.s32 $0xFFFFC000  }
0x234: {  	[tilespmem:s17], [sflag:$0x2] =	stream.indirect.gather [hbm4b:s26+s15], $0x80, s4, s15, $0xb8;
	[tilespmem:$0x1C800] =	vst v63  }
0x235: {  	_ = 	snop  }
0x236: {  	[spmem:s28] =	stream.indirect.scatter.add.f32 [tilespmem:s12], [sflag:$0x3], $0x80, s5, s15, $0xb8;
	[tilespmem:$0x1C800] =	vst v63  }
0x237: {  	_ =	swait.ge [sflag:s18], $0x4000  }
0x238: {  	[sflag:s18] =	ssyncset.done $0x0  }
0x239: {  	[sflag:s18] =	ssyncadd.s32 $0xFFFFC000  }
0x23a: {  	_ =	swait.ge [sflag:s19], $0x4000  }
0x23b: {  	[sflag:s19] =	ssyncset.done $0x0  }
0x23c: {  	[sflag:s19] =	ssyncadd.s32 $0xFFFFC000  }
0x23d: {  	[spmem:s28] =	stream.indirect.scatter.add.f32 [tilespmem:s17], [sflag:$0x4], $0x80, s6, s15, $0xb8;
	[tilespmem:$0x1C800] =	vst v63  }
0x23e: {  	_ =	swait.ge [sflag:s22], $0x4000  }
0x23f: {  	[sflag:s22] =	ssyncset.done $0x0  }
0x240: {  	s11 =	rddreg [dreg:$0x11];
	[sflag:s22] =	ssyncadd.s32 $0xFFFFC000  }
0x241: {  	[tilespmem:s1], [sflag:$0x5] =	stream.linear.gather [hbm4b:s11+s1], $0x400, $0x38;
	[tilespmem:$0x1C800] =	vst v63  }
0x242: {  	_ =	swait.ge [sflag:s13], $0x400  }
0x243: {  	[sflag:s13] =	ssyncset.done $0x0  }
0x244: {  	s9 =	rddreg [dreg:$0x12];
	[sflag:s13] =	ssyncadd.s32 $0xFFFFFC00  }
0x245: {  	[tilespmem:s14], [sflag:$0x5] =	stream.linear.gather [hbm4b:s9+s1], $0x400, $0x38;
	[tilespmem:$0x1C800] =	vst v63  }
0x246: {  	_ =	swait.ge [sflag:s13], $0x400  }
0x247: {  	[sflag:s13] =	ssyncset.done $0x0  }
0x248: {  	[sflag:s13] =	ssyncadd.s32 $0xFFFFFC00  }
0x249: {  	[tilespmem:s12], [sflag:$0x1] =	stream.indirect.gather [hbm4b:s26+s15], $0x80, s1, s15, $0xb8;
	[tilespmem:$0x1C800] =	vst v63  }
0x24a: {  	_ =	swait.ge [sflag:s16], $0x4000  }
0x24b: {  	[sflag:s16] =	ssyncset.done $0x0  }
0x24c: {  	[sflag:s16] =	ssyncadd.s32 $0xFFFFC000  }
0x24d: {  	[tilespmem:s17], [sflag:$0x2] =	stream.indirect.gather [hbm4b:s26+s15], $0x80, s15, s15, $0xb8;
	[tilespmem:$0x1C800] =	vst v63  }
0x24e: {  	_ = 	snop  }
0x24f: {  	[spmem:s28] =	stream.indirect.scatter.add.f32 [tilespmem:s12], [sflag:$0x3], $0x80, s14, s15, $0xb8;
	[tilespmem:$0x1C800] =	vst v63  }
0x250: {  	_ =	swait.ge [sflag:s18], $0x4000  }
0x251: {  	[sflag:s18] =	ssyncset.done $0x0  }
0x252: {  	[sflag:s18] =	ssyncadd.s32 $0xFFFFC000  }
0x253: {  	_ =	swait.ge [sflag:s19], $0x4000  }
0x254: {  	[sflag:s19] =	ssyncset.done $0x0  }
0x255: {  	[sflag:s19] =	ssyncadd.s32 $0xFFFFC000  }
0x256: {  	[tilespmem:s12], [sflag:$0x1] =	stream.indirect.gather [hbm4b:s26+s15], $0x80, s20, s15, $0xb8;
	[tilespmem:$0x1C800] =	vst v63  }
0x257: {  	_ = 	snop  }
0x258: {  	[spmem:s28] =	stream.indirect.scatter.add.f32 [tilespmem:s17], [sflag:$0x4], $0x80, s21, s15, $0xb8;
	[tilespmem:$0x1C800] =	vst v63  }
0x259: {  	_ =	swait.ge [sflag:s22], $0x4000  }
0x25a: {  	[sflag:s22] =	ssyncset.done $0x0  }
0x25b: {  	[sflag:s22] =	ssyncadd.s32 $0xFFFFC000  }
0x25c: {  	_ =	swait.ge [sflag:s16], $0x4000  }
0x25d: {  	[sflag:s16] =	ssyncset.done $0x0  }
0x25e: {  	[sflag:s16] =	ssyncadd.s32 $0xFFFFC000  }
0x25f: {  	[tilespmem:s17], [sflag:$0x2] =	stream.indirect.gather [hbm4b:s26+s15], $0x80, s23, s15, $0xb8;
	[tilespmem:$0x1C800] =	vst v63  }
0x260: {  	_ = 	snop  }
0x261: {  	[spmem:s28] =	stream.indirect.scatter.add.f32 [tilespmem:s12], [sflag:$0x3], $0x80, s24, s15, $0xb8;
	[tilespmem:$0x1C800] =	vst v63  }
0x262: {  	_ =	swait.ge [sflag:s18], $0x4000  }
0x263: {  	[sflag:s18] =	ssyncset.done $0x0  }
0x264: {  	[sflag:s18] =	ssyncadd.s32 $0xFFFFC000  }
0x265: {  	_ =	swait.ge [sflag:s19], $0x4000  }
0x266: {  	[sflag:s19] =	ssyncset.done $0x0  }
0x267: {  	[sflag:s19] =	ssyncadd.s32 $0xFFFFC000  }
0x268: {  	[tilespmem:s12], [sflag:$0x1] =	stream.indirect.gather [hbm4b:s26+s15], $0x80, s29, s15, $0xb8;
	[tilespmem:$0x1C800] =	vst v63  }
0x269: {  	_ = 	snop  }
0x26a: {  	[spmem:s28] =	stream.indirect.scatter.add.f32 [tilespmem:s17], [sflag:$0x4], $0x80, s30, s15, $0xb8;
	[tilespmem:$0x1C800] =	vst v63  }
0x26b: {  	_ =	swait.ge [sflag:s22], $0x4000  }
0x26c: {  	[sflag:s22] =	ssyncset.done $0x0  }
0x26d: {  	[sflag:s22] =	ssyncadd.s32 $0xFFFFC000  }
0x26e: {  	_ =	swait.ge [sflag:s16], $0x4000  }
0x26f: {  	[sflag:s16] =	ssyncset.done $0x0  }
0x270: {  	[sflag:s16] =	ssyncadd.s32 $0xFFFFC000  }
0x271: {  	[tilespmem:s17], [sflag:$0x2] =	stream.indirect.gather [hbm4b:s26+s15], $0x80, s31, s15, $0xb8;
	[tilespmem:$0x1C800] =	vst v63  }
0x272: {  	_ = 	snop  }
0x273: {  	[spmem:s28] =	stream.indirect.scatter.add.f32 [tilespmem:s12], [sflag:$0x3], $0x80, s0, s15, $0xb8;
	[tilespmem:$0x1C800] =	vst v63  }
0x274: {  	_ =	swait.ge [sflag:s18], $0x4000  }
0x275: {  	[sflag:s18] =	ssyncset.done $0x0  }
0x276: {  	[sflag:s18] =	ssyncadd.s32 $0xFFFFC000  }
0x277: {  	_ =	swait.ge [sflag:s19], $0x4000  }
0x278: {  	[sflag:s19] =	ssyncset.done $0x0  }
0x279: {  	[sflag:s19] =	ssyncadd.s32 $0xFFFFC000  }
0x27a: {  	[tilespmem:s12], [sflag:$0x1] =	stream.indirect.gather [hbm4b:s26+s15], $0x80, s2, s15, $0xb8;
	[tilespmem:$0x1C800] =	vst v63  }
0x27b: {  	_ = 	snop  }
0x27c: {  	[spmem:s28] =	stream.indirect.scatter.add.f32 [tilespmem:s17], [sflag:$0x4], $0x80, s3, s15, $0xb8;
	[tilespmem:$0x1C800] =	vst v63  }
0x27d: {  	_ =	swait.ge [sflag:s22], $0x4000  }
0x27e: {  	[sflag:s22] =	ssyncset.done $0x0  }
0x27f: {  	[sflag:s22] =	ssyncadd.s32 $0xFFFFC000  }
0x280: {  	_ =	swait.ge [sflag:s16], $0x4000  }
0x281: {  	[sflag:s16] =	ssyncset.done $0x0  }
0x282: {  	[sflag:s16] =	ssyncadd.s32 $0xFFFFC000  }
0x283: {  	[tilespmem:s17], [sflag:$0x2] =	stream.indirect.gather [hbm4b:s26+s15], $0x80, s4, s15, $0xb8;
	[tilespmem:$0x1C800] =	vst v63  }
0x284: {  	_ = 	snop  }
0x285: {  	[spmem:s28] =	stream.indirect.scatter.add.f32 [tilespmem:s12], [sflag:$0x3], $0x80, s5, s15, $0xb8;
	[tilespmem:$0x1C800] =	vst v63  }
0x286: {  	_ =	swait.ge [sflag:s18], $0x4000  }
0x287: {  	[sflag:s18] =	ssyncset.done $0x0  }
0x288: {  	[sflag:s18] =	ssyncadd.s32 $0xFFFFC000  }
0x289: {  	_ =	swait.ge [sflag:s19], $0x4000  }
0x28a: {  	[sflag:s19] =	ssyncset.done $0x0  }
0x28b: {  	[sflag:s19] =	ssyncadd.s32 $0xFFFFC000  }
0x28c: {  	[spmem:s28] =	stream.indirect.scatter.add.f32 [tilespmem:s17], [sflag:$0x4], $0x80, s6, s15, $0xb8;
	[tilespmem:$0x1C800] =	vst v63  }
0x28d: {  	_ =	swait.ge [sflag:s22], $0x4000  }
0x28e: {  	[sflag:s22] =	ssyncset.done $0x0  }
0x28f: {  	s10 =	rddreg [dreg:$0x13];
	[sflag:s22] =	ssyncadd.s32 $0xFFFFC000  }
0x290: {  	[tilespmem:s1], [sflag:$0x5] =	stream.linear.gather [hbm4b:s10+s1], $0x400, $0x38;
	[tilespmem:$0x1C800] =	vst v63  }
0x291: {  	_ =	swait.ge [sflag:s13], $0x400  }
0x292: {  	[sflag:s13] =	ssyncset.done $0x0  }
0x293: {  	s11 =	rddreg [dreg:$0x14];
	[sflag:s13] =	ssyncadd.s32 $0xFFFFFC00  }
0x294: {  	[tilespmem:s14], [sflag:$0x5] =	stream.linear.gather [hbm4b:s11+s1], $0x400, $0x38;
	[tilespmem:$0x1C800] =	vst v63  }
0x295: {  	_ =	swait.ge [sflag:s13], $0x400  }
0x296: {  	[sflag:s13] =	ssyncset.done $0x0  }
0x297: {  	[sflag:s13] =	ssyncadd.s32 $0xFFFFFC00  }
0x298: {  	[tilespmem:s12], [sflag:$0x1] =	stream.indirect.gather [hbm4b:s26+s15], $0x80, s1, s15, $0xb8;
	[tilespmem:$0x1C800] =	vst v63  }
0x299: {  	_ =	swait.ge [sflag:s16], $0x4000  }
0x29a: {  	[sflag:s16] =	ssyncset.done $0x0  }
0x29b: {  	[sflag:s16] =	ssyncadd.s32 $0xFFFFC000  }
0x29c: {  	[tilespmem:s17], [sflag:$0x2] =	stream.indirect.gather [hbm4b:s26+s15], $0x80, s15, s15, $0xb8;
	[tilespmem:$0x1C800] =	vst v63  }
0x29d: {  	_ = 	snop  }
0x29e: {  	[spmem:s28] =	stream.indirect.scatter.add.f32 [tilespmem:s12], [sflag:$0x3], $0x80, s14, s15, $0xb8;
	[tilespmem:$0x1C800] =	vst v63  }
0x29f: {  	_ =	swait.ge [sflag:s18], $0x4000  }
0x2a0: {  	[sflag:s18] =	ssyncset.done $0x0  }
0x2a1: {  	[sflag:s18] =	ssyncadd.s32 $0xFFFFC000  }
0x2a2: {  	_ =	swait.ge [sflag:s19], $0x4000  }
0x2a3: {  	[sflag:s19] =	ssyncset.done $0x0  }
0x2a4: {  	[sflag:s19] =	ssyncadd.s32 $0xFFFFC000  }
0x2a5: {  	[tilespmem:s12], [sflag:$0x1] =	stream.indirect.gather [hbm4b:s26+s15], $0x80, s20, s15, $0xb8;
	[tilespmem:$0x1C800] =	vst v63  }
0x2a6: {  	_ = 	snop  }
0x2a7: {  	[spmem:s28] =	stream.indirect.scatter.add.f32 [tilespmem:s17], [sflag:$0x4], $0x80, s21, s15, $0xb8;
	[tilespmem:$0x1C800] =	vst v63  }
0x2a8: {  	_ =	swait.ge [sflag:s22], $0x4000  }
0x2a9: {  	[sflag:s22] =	ssyncset.done $0x0  }
0x2aa: {  	[sflag:s22] =	ssyncadd.s32 $0xFFFFC000  }
0x2ab: {  	_ =	swait.ge [sflag:s16], $0x4000  }
0x2ac: {  	[sflag:s16] =	ssyncset.done $0x0  }
0x2ad: {  	[sflag:s16] =	ssyncadd.s32 $0xFFFFC000  }
0x2ae: {  	[tilespmem:s17], [sflag:$0x2] =	stream.indirect.gather [hbm4b:s26+s15], $0x80, s23, s15, $0xb8;
	[tilespmem:$0x1C800] =	vst v63  }
0x2af: {  	_ = 	snop  }
0x2b0: {  	[spmem:s28] =	stream.indirect.scatter.add.f32 [tilespmem:s12], [sflag:$0x3], $0x80, s24, s15, $0xb8;
	[tilespmem:$0x1C800] =	vst v63  }
0x2b1: {  	_ =	swait.ge [sflag:s18], $0x4000  }
0x2b2: {  	[sflag:s18] =	ssyncset.done $0x0  }
0x2b3: {  	[sflag:s18] =	ssyncadd.s32 $0xFFFFC000  }
0x2b4: {  	_ =	swait.ge [sflag:s19], $0x4000  }
0x2b5: {  	[sflag:s19] =	ssyncset.done $0x0  }
0x2b6: {  	[sflag:s19] =	ssyncadd.s32 $0xFFFFC000  }
0x2b7: {  	[tilespmem:s12], [sflag:$0x1] =	stream.indirect.gather [hbm4b:s26+s15], $0x80, s29, s15, $0xb8;
	[tilespmem:$0x1C800] =	vst v63  }
0x2b8: {  	_ = 	snop  }
0x2b9: {  	[spmem:s28] =	stream.indirect.scatter.add.f32 [tilespmem:s17], [sflag:$0x4], $0x80, s30, s15, $0xb8;
	[tilespmem:$0x1C800] =	vst v63  }
0x2ba: {  	_ =	swait.ge [sflag:s22], $0x4000  }
0x2bb: {  	[sflag:s22] =	ssyncset.done $0x0  }
0x2bc: {  	[sflag:s22] =	ssyncadd.s32 $0xFFFFC000  }
0x2bd: {  	_ =	swait.ge [sflag:s16], $0x4000  }
0x2be: {  	[sflag:s16] =	ssyncset.done $0x0  }
0x2bf: {  	[sflag:s16] =	ssyncadd.s32 $0xFFFFC000  }
0x2c0: {  	[tilespmem:s17], [sflag:$0x2] =	stream.indirect.gather [hbm4b:s26+s15], $0x80, s31, s15, $0xb8;
	[tilespmem:$0x1C800] =	vst v63  }
0x2c1: {  	_ = 	snop  }
0x2c2: {  	[spmem:s28] =	stream.indirect.scatter.add.f32 [tilespmem:s12], [sflag:$0x3], $0x80, s0, s15, $0xb8;
	[tilespmem:$0x1C800] =	vst v63  }
0x2c3: {  	_ =	swait.ge [sflag:s18], $0x4000  }
0x2c4: {  	[sflag:s18] =	ssyncset.done $0x0  }
0x2c5: {  	[sflag:s18] =	ssyncadd.s32 $0xFFFFC000  }
0x2c6: {  	_ =	swait.ge [sflag:s19], $0x4000  }
0x2c7: {  	[sflag:s19] =	ssyncset.done $0x0  }
0x2c8: {  	[sflag:s19] =	ssyncadd.s32 $0xFFFFC000  }
0x2c9: {  	[tilespmem:s12], [sflag:$0x1] =	stream.indirect.gather [hbm4b:s26+s15], $0x80, s2, s15, $0xb8;
	[tilespmem:$0x1C800] =	vst v63  }
0x2ca: {  	_ = 	snop  }
0x2cb: {  	[spmem:s28] =	stream.indirect.scatter.add.f32 [tilespmem:s17], [sflag:$0x4], $0x80, s3, s15, $0xb8;
	[tilespmem:$0x1C800] =	vst v63  }
0x2cc: {  	_ =	swait.ge [sflag:s22], $0x4000  }
0x2cd: {  	[sflag:s22] =	ssyncset.done $0x0  }
0x2ce: {  	[sflag:s22] =	ssyncadd.s32 $0xFFFFC000  }
0x2cf: {  	_ =	swait.ge [sflag:s16], $0x4000  }
0x2d0: {  	[sflag:s16] =	ssyncset.done $0x0  }
0x2d1: {  	[sflag:s16] =	ssyncadd.s32 $0xFFFFC000  }
0x2d2: {  	[tilespmem:s17], [sflag:$0x2] =	stream.indirect.gather [hbm4b:s26+s15], $0x80, s4, s15, $0xb8;
	[tilespmem:$0x1C800] =	vst v63  }
0x2d3: {  	_ = 	snop  }
0x2d4: {  	[spmem:s28] =	stream.indirect.scatter.add.f32 [tilespmem:s12], [sflag:$0x3], $0x80, s5, s15, $0xb8;
	[tilespmem:$0x1C800] =	vst v63  }
0x2d5: {  	_ =	swait.ge [sflag:s18], $0x4000  }
0x2d6: {  	[sflag:s18] =	ssyncset.done $0x0  }
0x2d7: {  	[sflag:s18] =	ssyncadd.s32 $0xFFFFC000  }
0x2d8: {  	_ =	swait.ge [sflag:s19], $0x4000  }
0x2d9: {  	[sflag:s19] =	ssyncset.done $0x0  }
0x2da: {  	[sflag:s19] =	ssyncadd.s32 $0xFFFFC000  }
0x2db: {  	[spmem:s28] =	stream.indirect.scatter.add.f32 [tilespmem:s17], [sflag:$0x4], $0x80, s6, s15, $0xb8;
	[tilespmem:$0x1C800] =	vst v63  }
0x2dc: {  	_ =	swait.ge [sflag:s22], $0x4000  }
0x2dd: {  	[sflag:s22] =	ssyncset.done $0x0  }
0x2de: {  	s9 =	rddreg [dreg:$0x15];
	[sflag:s22] =	ssyncadd.s32 $0xFFFFC000  }
0x2df: {  	[tilespmem:s1], [sflag:$0x5] =	stream.linear.gather [hbm4b:s9+s1], $0x400, $0x38;
	[tilespmem:$0x1C800] =	vst v63  }
0x2e0: {  	_ =	swait.ge [sflag:s13], $0x400  }
0x2e1: {  	[sflag:s13] =	ssyncset.done $0x0  }
0x2e2: {  	s10 =	rddreg [dreg:$0x16];
	[sflag:s13] =	ssyncadd.s32 $0xFFFFFC00  }
0x2e3: {  	[tilespmem:s14], [sflag:$0x5] =	stream.linear.gather [hbm4b:s10+s1], $0x400, $0x38;
	[tilespmem:$0x1C800] =	vst v63  }
0x2e4: {  	_ =	swait.ge [sflag:s13], $0x400  }
0x2e5: {  	[sflag:s13] =	ssyncset.done $0x0  }
0x2e6: {  	[sflag:s13] =	ssyncadd.s32 $0xFFFFFC00  }
0x2e7: {  	[tilespmem:s12], [sflag:$0x1] =	stream.indirect.gather [hbm4b:s26+s15], $0x80, s1, s15, $0xb8;
	[tilespmem:$0x1C800] =	vst v63  }
0x2e8: {  	_ =	swait.ge [sflag:s16], $0x4000  }
0x2e9: {  	[sflag:s16] =	ssyncset.done $0x0  }
0x2ea: {  	[sflag:s16] =	ssyncadd.s32 $0xFFFFC000  }
0x2eb: {  	[tilespmem:s17], [sflag:$0x2] =	stream.indirect.gather [hbm4b:s26+s15], $0x80, s15, s15, $0xb8;
	[tilespmem:$0x1C800] =	vst v63  }
0x2ec: {  	_ = 	snop  }
0x2ed: {  	[spmem:s28] =	stream.indirect.scatter.add.f32 [tilespmem:s12], [sflag:$0x3], $0x80, s14, s15, $0xb8;
	[tilespmem:$0x1C800] =	vst v63  }
0x2ee: {  	_ =	swait.ge [sflag:s18], $0x4000  }
0x2ef: {  	[sflag:s18] =	ssyncset.done $0x0  }
0x2f0: {  	[sflag:s18] =	ssyncadd.s32 $0xFFFFC000  }
0x2f1: {  	_ =	swait.ge [sflag:s19], $0x4000  }
0x2f2: {  	[sflag:s19] =	ssyncset.done $0x0  }
0x2f3: {  	[sflag:s19] =	ssyncadd.s32 $0xFFFFC000  }
0x2f4: {  	[tilespmem:s12], [sflag:$0x1] =	stream.indirect.gather [hbm4b:s26+s15], $0x80, s20, s15, $0xb8;
	[tilespmem:$0x1C800] =	vst v63  }
0x2f5: {  	_ = 	snop  }
0x2f6: {  	[spmem:s28] =	stream.indirect.scatter.add.f32 [tilespmem:s17], [sflag:$0x4], $0x80, s21, s15, $0xb8;
	[tilespmem:$0x1C800] =	vst v63  }
0x2f7: {  	_ =	swait.ge [sflag:s22], $0x4000  }
0x2f8: {  	[sflag:s22] =	ssyncset.done $0x0  }
0x2f9: {  	[sflag:s22] =	ssyncadd.s32 $0xFFFFC000  }
0x2fa: {  	_ =	swait.ge [sflag:s16], $0x4000  }
0x2fb: {  	[sflag:s16] =	ssyncset.done $0x0  }
0x2fc: {  	[sflag:s16] =	ssyncadd.s32 $0xFFFFC000  }
0x2fd: {  	[tilespmem:s17], [sflag:$0x2] =	stream.indirect.gather [hbm4b:s26+s15], $0x80, s23, s15, $0xb8;
	[tilespmem:$0x1C800] =	vst v63  }
0x2fe: {  	_ = 	snop  }
0x2ff: {  	[spmem:s28] =	stream.indirect.scatter.add.f32 [tilespmem:s12], [sflag:$0x3], $0x80, s24, s15, $0xb8;
	[tilespmem:$0x1C800] =	vst v63  }
0x300: {  	_ =	swait.ge [sflag:s18], $0x4000  }
0x301: {  	[sflag:s18] =	ssyncset.done $0x0  }
0x302: {  	[sflag:s18] =	ssyncadd.s32 $0xFFFFC000  }
0x303: {  	_ =	swait.ge [sflag:s19], $0x4000  }
0x304: {  	[sflag:s19] =	ssyncset.done $0x0  }
0x305: {  	[sflag:s19] =	ssyncadd.s32 $0xFFFFC000  }
0x306: {  	[tilespmem:s12], [sflag:$0x1] =	stream.indirect.gather [hbm4b:s26+s15], $0x80, s29, s15, $0xb8;
	[tilespmem:$0x1C800] =	vst v63  }
0x307: {  	_ = 	snop  }
0x308: {  	[spmem:s28] =	stream.indirect.scatter.add.f32 [tilespmem:s17], [sflag:$0x4], $0x80, s30, s15, $0xb8;
	[tilespmem:$0x1C800] =	vst v63  }
0x309: {  	_ =	swait.ge [sflag:s22], $0x4000  }
0x30a: {  	[sflag:s22] =	ssyncset.done $0x0  }
0x30b: {  	[sflag:s22] =	ssyncadd.s32 $0xFFFFC000  }
0x30c: {  	_ =	swait.ge [sflag:s16], $0x4000  }
0x30d: {  	[sflag:s16] =	ssyncset.done $0x0  }
0x30e: {  	[sflag:s16] =	ssyncadd.s32 $0xFFFFC000  }
0x30f: {  	[tilespmem:s17], [sflag:$0x2] =	stream.indirect.gather [hbm4b:s26+s15], $0x80, s31, s15, $0xb8;
	[tilespmem:$0x1C800] =	vst v63  }
0x310: {  	_ = 	snop  }
0x311: {  	[spmem:s28] =	stream.indirect.scatter.add.f32 [tilespmem:s12], [sflag:$0x3], $0x80, s0, s15, $0xb8;
	[tilespmem:$0x1C800] =	vst v63  }
0x312: {  	_ =	swait.ge [sflag:s18], $0x4000  }
0x313: {  	[sflag:s18] =	ssyncset.done $0x0  }
0x314: {  	[sflag:s18] =	ssyncadd.s32 $0xFFFFC000  }
0x315: {  	_ =	swait.ge [sflag:s19], $0x4000  }
0x316: {  	[sflag:s19] =	ssyncset.done $0x0  }
0x317: {  	[sflag:s19] =	ssyncadd.s32 $0xFFFFC000  }
0x318: {  	[tilespmem:s12], [sflag:$0x1] =	stream.indirect.gather [hbm4b:s26+s15], $0x80, s2, s15, $0xb8;
	[tilespmem:$0x1C800] =	vst v63  }
0x319: {  	_ = 	snop  }
0x31a: {  	[spmem:s28] =	stream.indirect.scatter.add.f32 [tilespmem:s17], [sflag:$0x4], $0x80, s3, s15, $0xb8;
	[tilespmem:$0x1C800] =	vst v63  }
0x31b: {  	_ =	swait.ge [sflag:s22], $0x4000  }
0x31c: {  	[sflag:s22] =	ssyncset.done $0x0  }
0x31d: {  	[sflag:s22] =	ssyncadd.s32 $0xFFFFC000  }
0x31e: {  	_ =	swait.ge [sflag:s16], $0x4000  }
0x31f: {  	[sflag:s16] =	ssyncset.done $0x0  }
0x320: {  	[sflag:s16] =	ssyncadd.s32 $0xFFFFC000  }
0x321: {  	[tilespmem:s17], [sflag:$0x2] =	stream.indirect.gather [hbm4b:s26+s15], $0x80, s4, s15, $0xb8;
	[tilespmem:$0x1C800] =	vst v63  }
0x322: {  	_ = 	snop  }
0x323: {  	[spmem:s28] =	stream.indirect.scatter.add.f32 [tilespmem:s12], [sflag:$0x3], $0x80, s5, s15, $0xb8;
	[tilespmem:$0x1C800] =	vst v63  }
0x324: {  	_ =	swait.ge [sflag:s18], $0x4000  }
0x325: {  	[sflag:s18] =	ssyncset.done $0x0  }
0x326: {  	[sflag:s18] =	ssyncadd.s32 $0xFFFFC000  }
0x327: {  	_ =	swait.ge [sflag:s19], $0x4000  }
0x328: {  	[sflag:s19] =	ssyncset.done $0x0  }
0x329: {  	[sflag:s19] =	ssyncadd.s32 $0xFFFFC000  }
0x32a: {  	[spmem:s28] =	stream.indirect.scatter.add.f32 [tilespmem:s17], [sflag:$0x4], $0x80, s6, s15, $0xb8;
	[tilespmem:$0x1C800] =	vst v63  }
0x32b: {  	_ =	swait.ge [sflag:s22], $0x4000  }
0x32c: {  	[sflag:s22] =	ssyncset.done $0x0  }
0x32d: {  	s11 =	rddreg [dreg:$0x17];
	[sflag:s22] =	ssyncadd.s32 $0xFFFFC000  }
0x32e: {  	[tilespmem:s1], [sflag:$0x5] =	stream.linear.gather [hbm4b:s11+s1], $0x400, $0x38;
	[tilespmem:$0x1C800] =	vst v63  }
0x32f: {  	_ =	swait.ge [sflag:s13], $0x400  }
0x330: {  	[sflag:s13] =	ssyncset.done $0x0  }
0x331: {  	s9 =	rddreg [dreg:$0x18];
	[sflag:s13] =	ssyncadd.s32 $0xFFFFFC00  }
0x332: {  	[tilespmem:s14], [sflag:$0x5] =	stream.linear.gather [hbm4b:s9+s1], $0x400, $0x38;
	[tilespmem:$0x1C800] =	vst v63  }
0x333: {  	_ =	swait.ge [sflag:s13], $0x400  }
0x334: {  	[sflag:s13] =	ssyncset.done $0x0  }
0x335: {  	[sflag:s13] =	ssyncadd.s32 $0xFFFFFC00  }
0x336: {  	[tilespmem:s12], [sflag:$0x1] =	stream.indirect.gather [hbm4b:s26+s15], $0x80, s1, s15, $0xb8;
	[tilespmem:$0x1C800] =	vst v63  }
0x337: {  	_ =	swait.ge [sflag:s16], $0x4000  }
0x338: {  	[sflag:s16] =	ssyncset.done $0x0  }
0x339: {  	[sflag:s16] =	ssyncadd.s32 $0xFFFFC000  }
0x33a: {  	[tilespmem:s17], [sflag:$0x2] =	stream.indirect.gather [hbm4b:s26+s15], $0x80, s15, s15, $0xb8;
	[tilespmem:$0x1C800] =	vst v63  }
0x33b: {  	_ = 	snop  }
0x33c: {  	[spmem:s28] =	stream.indirect.scatter.add.f32 [tilespmem:s12], [sflag:$0x3], $0x80, s14, s15, $0xb8;
	[tilespmem:$0x1C800] =	vst v63  }
0x33d: {  	_ =	swait.ge [sflag:s18], $0x4000  }
0x33e: {  	[sflag:s18] =	ssyncset.done $0x0  }
0x33f: {  	[sflag:s18] =	ssyncadd.s32 $0xFFFFC000  }
0x340: {  	_ =	swait.ge [sflag:s19], $0x4000  }
0x341: {  	[sflag:s19] =	ssyncset.done $0x0  }
0x342: {  	[sflag:s19] =	ssyncadd.s32 $0xFFFFC000  }
0x343: {  	[tilespmem:s12], [sflag:$0x1] =	stream.indirect.gather [hbm4b:s26+s15], $0x80, s20, s15, $0xb8;
	[tilespmem:$0x1C800] =	vst v63  }
0x344: {  	_ = 	snop  }
0x345: {  	[spmem:s28] =	stream.indirect.scatter.add.f32 [tilespmem:s17], [sflag:$0x4], $0x80, s21, s15, $0xb8;
	[tilespmem:$0x1C800] =	vst v63  }
0x346: {  	_ =	swait.ge [sflag:s22], $0x4000  }
0x347: {  	[sflag:s22] =	ssyncset.done $0x0  }
0x348: {  	[sflag:s22] =	ssyncadd.s32 $0xFFFFC000  }
0x349: {  	_ =	swait.ge [sflag:s16], $0x4000  }
0x34a: {  	[sflag:s16] =	ssyncset.done $0x0  }
0x34b: {  	[sflag:s16] =	ssyncadd.s32 $0xFFFFC000  }
0x34c: {  	[tilespmem:s17], [sflag:$0x2] =	stream.indirect.gather [hbm4b:s26+s15], $0x80, s23, s15, $0xb8;
	[tilespmem:$0x1C800] =	vst v63  }
0x34d: {  	_ = 	snop  }
0x34e: {  	[spmem:s28] =	stream.indirect.scatter.add.f32 [tilespmem:s12], [sflag:$0x3], $0x80, s24, s15, $0xb8;
	[tilespmem:$0x1C800] =	vst v63  }
0x34f: {  	_ =	swait.ge [sflag:s18], $0x4000  }
0x350: {  	[sflag:s18] =	ssyncset.done $0x0  }
0x351: {  	[sflag:s18] =	ssyncadd.s32 $0xFFFFC000  }
0x352: {  	_ =	swait.ge [sflag:s19], $0x4000  }
0x353: {  	[sflag:s19] =	ssyncset.done $0x0  }
0x354: {  	[sflag:s19] =	ssyncadd.s32 $0xFFFFC000  }
0x355: {  	[tilespmem:s12], [sflag:$0x1] =	stream.indirect.gather [hbm4b:s26+s15], $0x80, s29, s15, $0xb8;
	[tilespmem:$0x1C800] =	vst v63  }
0x356: {  	_ = 	snop  }
0x357: {  	[spmem:s28] =	stream.indirect.scatter.add.f32 [tilespmem:s17], [sflag:$0x4], $0x80, s30, s15, $0xb8;
	[tilespmem:$0x1C800] =	vst v63  }
0x358: {  	_ =	swait.ge [sflag:s22], $0x4000  }
0x359: {  	[sflag:s22] =	ssyncset.done $0x0  }
0x35a: {  	[sflag:s22] =	ssyncadd.s32 $0xFFFFC000  }
0x35b: {  	_ =	swait.ge [sflag:s16], $0x4000  }
0x35c: {  	[sflag:s16] =	ssyncset.done $0x0  }
0x35d: {  	[sflag:s16] =	ssyncadd.s32 $0xFFFFC000  }
0x35e: {  	[tilespmem:s17], [sflag:$0x2] =	stream.indirect.gather [hbm4b:s26+s15], $0x80, s31, s15, $0xb8;
	[tilespmem:$0x1C800] =	vst v63  }
0x35f: {  	_ = 	snop  }
0x360: {  	[spmem:s28] =	stream.indirect.scatter.add.f32 [tilespmem:s12], [sflag:$0x3], $0x80, s0, s15, $0xb8;
	[tilespmem:$0x1C800] =	vst v63  }
0x361: {  	_ =	swait.ge [sflag:s18], $0x4000  }
0x362: {  	[sflag:s18] =	ssyncset.done $0x0  }
0x363: {  	[sflag:s18] =	ssyncadd.s32 $0xFFFFC000  }
0x364: {  	_ =	swait.ge [sflag:s19], $0x4000  }
0x365: {  	[sflag:s19] =	ssyncset.done $0x0  }
0x366: {  	[sflag:s19] =	ssyncadd.s32 $0xFFFFC000  }
0x367: {  	[tilespmem:s12], [sflag:$0x1] =	stream.indirect.gather [hbm4b:s26+s15], $0x80, s2, s15, $0xb8;
	[tilespmem:$0x1C800] =	vst v63  }
0x368: {  	_ = 	snop  }
0x369: {  	[spmem:s28] =	stream.indirect.scatter.add.f32 [tilespmem:s17], [sflag:$0x4], $0x80, s3, s15, $0xb8;
	[tilespmem:$0x1C800] =	vst v63  }
0x36a: {  	_ =	swait.ge [sflag:s22], $0x4000  }
0x36b: {  	[sflag:s22] =	ssyncset.done $0x0  }
0x36c: {  	[sflag:s22] =	ssyncadd.s32 $0xFFFFC000  }
0x36d: {  	_ =	swait.ge [sflag:s16], $0x4000  }
0x36e: {  	[sflag:s16] =	ssyncset.done $0x0  }
0x36f: {  	[sflag:s16] =	ssyncadd.s32 $0xFFFFC000  }
0x370: {  	[tilespmem:s17], [sflag:$0x2] =	stream.indirect.gather [hbm4b:s26+s15], $0x80, s4, s15, $0xb8;
	[tilespmem:$0x1C800] =	vst v63  }
0x371: {  	_ = 	snop  }
0x372: {  	[spmem:s28] =	stream.indirect.scatter.add.f32 [tilespmem:s12], [sflag:$0x3], $0x80, s5, s15, $0xb8;
	[tilespmem:$0x1C800] =	vst v63  }
0x373: {  	_ =	swait.ge [sflag:s18], $0x4000  }
0x374: {  	[sflag:s18] =	ssyncset.done $0x0  }
0x375: {  	[sflag:s18] =	ssyncadd.s32 $0xFFFFC000  }
0x376: {  	_ =	swait.ge [sflag:s19], $0x4000  }
0x377: {  	[sflag:s19] =	ssyncset.done $0x0  }
0x378: {  	[sflag:s19] =	ssyncadd.s32 $0xFFFFC000  }
0x379: {  	[spmem:s28] =	stream.indirect.scatter.add.f32 [tilespmem:s17], [sflag:$0x4], $0x80, s6, s15, $0xb8;
	[tilespmem:$0x1C800] =	vst v63  }
0x37a: {  	_ =	swait.ge [sflag:s22], $0x4000  }
0x37b: {  	[sflag:s22] =	ssyncset.done $0x0  }
0x37c: {  	s10 =	stileid.u32;
	[sflag:s22] =	ssyncadd.s32 $0xFFFFC000  }
0x37d: {  	s8 =	sshll.u32 s10, $0x6;
	[bflag:$0x0] =	sbarrier.arrive $0xFFFF  }
0x37e: {  	s8 =	sor.u32 $0x1C05, s8;
	s9 =	sshrl.u32 s25, $0x3;
	s11 =	rddreg [dreg:$0x19]  }
0x37f: {  	[hbm:s11], [sflag:s8] =	dma.local [spmem:s9], $0x800  }
0x380: {  	_ =	swait.ge [sflag:s13], $0x800  }
0x381: {  	[sflag:s13] =	ssyncset.done $0x0;
	s10 =	rddreg [dreg:$0x1a]  }
0x382: {  	s11 =	rddreg [dreg:$0x1f];
	[sflag:s13] =	ssyncadd.s32 $0xFFFFF800  }
0x383: {  	[hbm:s10], [sflag:s8] =	dma.local [spmem:s11], $0x800  }
0x384: {  	_ =	swait.ge [sflag:s13], $0x800  }
0x385: {  	s11 =	sld [smem:$0x7F4]  }
0x386: {  	[sflag:s13] =	ssyncset.done $0x0  }
0x387: {  	s10 =	rddreg [dreg:$0x1b];
	[sflag:s13] =	ssyncadd.s32 $0xFFFFF800  }
0x388: {  	[hbm:s10], [sflag:s8] =	dma.local [spmem:s11], $0x800  }
0x389: {  	_ =	swait.ge [sflag:s13], $0x800  }
0x38a: {  	s11 =	sld [smem:$0x7F5]  }
0x38b: {  	[sflag:s13] =	ssyncset.done $0x0  }
0x38c: {  	s10 =	rddreg [dreg:$0x1c];
	[sflag:s13] =	ssyncadd.s32 $0xFFFFF800  }
0x38d: {  	[hbm:s10], [sflag:s8] =	dma.local [spmem:s11], $0x800  }
0x38e: {  	_ =	swait.ge [sflag:s13], $0x800  }
0x38f: {  	s11 =	sld [smem:$0x7F6]  }
0x390: {  	[sflag:s13] =	ssyncset.done $0x0  }
0x391: {  	s10 =	rddreg [dreg:$0x1d];
	[sflag:s13] =	ssyncadd.s32 $0xFFFFF800  }
0x392: {  	[hbm:s10], [sflag:s8] =	dma.local [spmem:s11], $0x800  }
0x393: {  	_ =	swait.ge [sflag:s13], $0x800  }
0x394: {  	s7 =	sadd.s32 $0x1, s7;
	s11 =	rddreg [dreg:$0x1e]  }
0x395: {  	p0 =	sne.s32 s7, s11  }
.Ltmp1:
0x396: {  	_ = 	snop;
	(pc) =	sbr.rel @p0 .LBB2_1-.Ltmp1, $3  }
0x397: {  	_ =	sdelay $0x1  }
0x398: {  	[sflag:s13] =	ssyncset.done $0x0  }
0x399: {  	[sflag:s13] =	ssyncadd.s32 $0xFFFFF800  }
0x39a: {  	_ =	sfence.sel $0x180000  }
0x39b: {  	[bflag:$0x0] =	sbarrier.arrive $0xFFFF  }
0x39c: {  	_ =	strace $0x90000047  }
0x39d: {  	s0 =	stileid.u32;
	[bflag:$0x2] =	sbarrier.arrive $0xFFFF  }
0x39e: {  	p0 =	sne.s32 s0, $0x0;
	s0 =	rddreg [dreg:$0x4]  }
0x39f: {  	s0 =	sadd.s32 @!p0 $0x100000, s0  }
0x3a0: {  	[sflag:s0] =	ssyncadd.tile.s32 @!p0 $0x1;
	_ =	shalt  }
.Lfunc_end2:
_tile_overlayer_lowered:
.L_overlay_start_2:
0x3a1: {  	(tag) =	ssettag $0x2  }
0x3a2: {  	s0 =	rddreg [dreg:$0x0];
	s2 =	stileid.u32  }
0x3a3: {  	s1 =	rddreg [dreg:$0x1];
	p0 =	sne.s32 s2, $0x0  }
0x3a4: {  	s3 =	rddreg [dreg:$0x2];
	[bflag:$0x3] =	sbarrier.arrive $0xFFFF;
	s2 =	simm.s32 @!p0 $0x1C05  }
0x3a5: {  	[timem:s3], [sflag:s2] =	dma.local @!p0 [hbm:s0], s1  }
0x3a6: {  	s0 =	simm.s32 @!p0 $0x5  }
0x3a7: {  	_ =	swait.ge @!p0 [sflag:s0], s1  }
0x3a8: {  	s1 =	ssub.s32 @!p0 $0x0, s1;
	[sflag:s0] =	ssyncset.done @!p0 $0x0  }
0x3a9: {  	[sflag:s0] =	ssyncadd.s32 @!p0 s1  }
0x3aa: {  	[bflag:$0x3] =	sbarrier.arrive $0xFFFF  }
0x3ab: {  	_ =	shalt  }

</sc_bundles>
